<compile_context>
chip_gen: v7x
topology: tpu7x:2x2x1
jax: 0.10.2.dev20260603
libtpu: 0.0.44.dev20260713+nightly
codegen_flags: <defaults>
</compile_context>

<pallas_src>
import functools

import jax
import jax.numpy as jnp
from jax import lax
from jax.experimental import pallas as pl
from jax.experimental.pallas import tpu as pltpu
from jax.experimental.pallas import tpu_sc as plsc

N = 10000
NP = 10240
D = 128
E = 320000

NC = 2
NS = 16
NW = NC * NS
EPT = E // NW
CH = 80
NCHUNK = EPT // CH

NRH = 1
NPH = NP // NRH
TRASH = 512 if NRH > 1 else 0
ACCR = NPH + TRASH
ZB = 64
NZB = ACCR // NS // ZB
NSB = NPH // NS // ZB


def _sc_agg(x, src, dst, with_deg):
    mesh = plsc.VectorSubcoreMesh(core_axis_name="c", subcore_axis_name="s")
    out_type = [jax.ShapeDtypeStruct((NC, NP, D), jnp.float32)]
    if with_deg:
        out_type.append(jax.ShapeDtypeStruct((NC, NP, D), jnp.float32))

    @functools.partial(
        pl.kernel,
        out_type=tuple(out_type),
        mesh=mesh,
        scratch_types=[
            pltpu.VMEM((CH,), jnp.int32),
            pltpu.VMEM((CH,), jnp.int32),
            pltpu.VMEM((CH,), jnp.int32),
            pltpu.VMEM((CH, D), jnp.float32),
            pltpu.VMEM((CH, D), jnp.float32),
            pltpu.VMEM((ZB, D), jnp.float32),
            pltpu.VMEM_SHARED((ACCR, D), jnp.float32),
            pltpu.SemaphoreType.DMA,
        ],
    )
    def k(x_hbm, src_hbm, dst_hbm, *rest):
        if with_deg:
            p_hbm, d_hbm = rest[0], rest[1]
            rest = rest[2:]
        else:
            p_hbm, d_hbm = rest[0], None
            rest = rest[1:]
        srcv, dstv, dstl, rows, ones, stg, acc, sem = rest
        c = lax.axis_index("c")
        s = lax.axis_index("s")
        wid = s * NC + c
        ebase = wid * EPT
        ones16 = jnp.ones((16,), jnp.float32)
        zeros16 = jnp.zeros((16,), jnp.float32)

        def fill_ones(i, _):
            for l in range(D // 16):
                ones[i, pl.ds(16 * l, 16)] = ones16
            return 0
        if with_deg:
            lax.fori_loop(0, CH, fill_ones, 0)

        passes = [("feat", r) for r in range(NRH)]
        if with_deg:
            passes += [("deg", r) for r in range(NRH)]

        for kind, rh in passes:
            feat = kind == "feat"
            out_hbm = p_hbm if feat else d_hbm
            nbase = rh * NPH

            def fill_z(i, _):
                for l in range(D // 16):
                    stg[i, pl.ds(16 * l, 16)] = zeros16
                return 0
            lax.fori_loop(0, ZB, fill_z, 0)
            for b in range(NZB):
                pltpu.sync_copy(stg, acc.at[pl.ds(s * (NZB * ZB) + b * ZB, ZB)])
            plsc.subcore_barrier()

            def edge_body(j, _):
                off = ebase + j * CH
                pltpu.sync_copy(dst_hbm.at[pl.ds(off, CH)], dstv)
                if NRH > 1:
                    for g in range(CH // 16):
                        v = dstv[pl.ds(16 * g, 16)]
                        lo = v - nbase
                        ok = (lo >= 0) & (lo < NPH)
                        trash = NPH + lax.iota(jnp.int32, 16) * 16 + g
                        dstl[pl.ds(16 * g, 16)] = jnp.where(ok, lo, trash)
                    idx = dstl
                else:
                    idx = dstv
                if feat:
                    pltpu.sync_copy(src_hbm.at[pl.ds(off, CH)], srcv)
                    pltpu.async_copy(x_hbm.at[srcv], rows, sem).wait()
                    pltpu.sync_copy(rows, acc.at[idx], add=True)
                else:
                    pltpu.sync_copy(ones, acc.at[idx], add=True)
                return 0
            lax.fori_loop(0, NCHUNK, edge_body, 0)
            plsc.subcore_barrier()

            for b in range(NSB):
                r = s * (NSB * ZB) + b * ZB
                pltpu.sync_copy(acc.at[pl.ds(r, ZB)], stg)
                pltpu.sync_copy(stg, out_hbm.at[c, pl.ds(nbase + r, ZB)])
            plsc.subcore_barrier()

    out = k(x, src, dst)
    return out if isinstance(out, (tuple, list)) else (out,)


def _tc_layer(p, dp, x, Wl, b, Wr, last):
    B = 2000
    grid = N // B

    def body(p_ref, dp_ref, x_ref, wl_ref, b_ref, wr_ref, o_ref):
        deg = jnp.maximum(dp_ref[0, :, 0:1] + dp_ref[1, :, 0:1], 1.0)
        m = (p_ref[0] + p_ref[1]) / deg
        y = (jnp.dot(m, wl_ref[...], preferred_element_type=jnp.float32)
             + b_ref[...]
             + jnp.dot(x_ref[...], wr_ref[...],
                       preferred_element_type=jnp.float32))
        if last:
            mx = jnp.max(y, axis=-1, keepdims=True)
            ex = jnp.exp(y - mx)
            o_ref[...] = y - mx - jnp.log(jnp.sum(ex, axis=-1, keepdims=True))
        else:
            o_ref[...] = jnp.maximum(y, 0.0)

    return pl.pallas_call(
        body,
        grid=(grid,),
        in_specs=[
            pl.BlockSpec((NC, B, D), lambda i: (0, i, 0)),
            pl.BlockSpec((NC, B, D), lambda i: (0, i, 0)),
            pl.BlockSpec((B, D), lambda i: (i, 0)),
            pl.BlockSpec((D, D), lambda i: (0, 0)),
            pl.BlockSpec((1, D), lambda i: (0, 0)),
            pl.BlockSpec((D, D), lambda i: (0, 0)),
        ],
        out_specs=pl.BlockSpec((B, D), lambda i: (i, 0)),
        out_shape=jax.ShapeDtypeStruct((N, D), jnp.float32),
    )(p, dp, x, Wl, b, Wr)


def kernel(x, edge_index, W1l, b1l, W1r, W2l, b2l, W2r):
    src = edge_index[0].astype(jnp.int32)
    dst = edge_index[1].astype(jnp.int32)
    p1, dp = _sc_agg(x, src, dst, with_deg=True)
    h = _tc_layer(p1, dp, x, W1l, b1l.reshape(1, D), W1r, last=False)
    (p2,) = _sc_agg(h, src, dst, with_deg=False)
    return _tc_layer(p2, dp, h, W2l, b2l.reshape(1, D), W2r, last=True)

# --- scband reference (transcript-rebuilt; emitter-appended) ---
"""Pipeline reference for scband-graph-sage-120259084718 (READ-ONLY COPY).

The authoritative reference and input builder live on the scoring server;
editing this copy changes nothing except your own understanding.
"""

import jax, jax.numpy as jnp
import numpy as np

IN_CH = 128
HID_CH = 128
OUT_CH = 128
N_NODES = 10000
N_EDGES = 320000


def setup_inputs(seed: int = 0) -> dict:
    key = jax.random.key(seed)
    ks = jax.random.split(key, 8)
    x = jax.random.normal(ks[0], (N_NODES, IN_CH), dtype=jnp.float32)
    edge_index = jax.random.randint(ks[1], (2, N_EDGES), 0, N_NODES, dtype=jnp.int64)
    s1 = 1.0 / np.sqrt(IN_CH)
    s2 = 1.0 / np.sqrt(HID_CH)
    W1l = jax.random.uniform(ks[2], (IN_CH, HID_CH), jnp.float32, -s1, s1)
    b1l = jnp.zeros((HID_CH,), jnp.float32)
    W1r = jax.random.uniform(ks[3], (IN_CH, HID_CH), jnp.float32, -s1, s1)
    W2l = jax.random.uniform(ks[4], (HID_CH, OUT_CH), jnp.float32, -s2, s2)
    b2l = jnp.zeros((OUT_CH,), jnp.float32)
    W2r = jax.random.uniform(ks[5], (HID_CH, OUT_CH), jnp.float32, -s2, s2)
    return {"x": x, "edge_index": edge_index, "W1l": W1l, "b1l": b1l, "W1r": W1r, "W2l": W2l, "b2l": b2l, "W2r": W2r}


def _sage_conv(x, edge_index, Wl, bl, Wr):
    # PyG SAGEConv with mean aggregation: out = lin_l(mean_j x_j) + lin_r(x)
    src = edge_index[0]
    dst = edge_index[1]
    n = x.shape[0]
    msgs = jnp.take(x, src, axis=0)                       # gather source features
    agg = jax.ops.segment_sum(msgs, dst, num_segments=n)  # scatter-add by dst
    deg = jax.ops.segment_sum(jnp.ones((edge_index.shape[1],), x.dtype), dst, num_segments=n)
    mean = agg / jnp.clip(deg, 1.0, None)[:, None]
    return mean @ Wl + bl + x @ Wr


def reference(x, edge_index, W1l, b1l, W1r, W2l, b2l, W2r):
    h = _sage_conv(x, edge_index, W1l, b1l, W1r)
    h = jax.nn.relu(h)
    # dropout is identity in eval mode (training=False)
    h = _sage_conv(h, edge_index, W2l, b2l, W2r)
    return jax.nn.log_softmax(h, axis=1)

if __name__ == "__main__":
    import jax
    _d = setup_inputs()
    print(jax.jit(kernel)(*tuple(_d.values())))

</pallas_src>

<mosaic_0001>
#map = affine_map<(d0, d1) -> (0, 0)>
#map1 = affine_map<(d0, d1) -> (0)>
#map2 = affine_map<(d0, d1) -> (0, 0, 0)>
module attributes {stable_mosaic.version = 14 : i64} {
  func.func @k(%arg0: i32, %arg1: i32, %arg2: memref<10000x128xf32, #tpu.memory_space<hbm>>, %arg3: memref<320000xi32, #tpu.memory_space<hbm>>, %arg4: memref<320000xi32, #tpu.memory_space<hbm>>, %arg5: memref<2x10240x128xf32, #tpu.memory_space<hbm>>, %arg6: memref<80xi32, #tpu.memory_space<vmem>>, %arg7: memref<80xi32, #tpu.memory_space<vmem>>, %arg8: memref<80xi32, #tpu.memory_space<vmem>>, %arg9: memref<80x128xf32, #tpu.memory_space<vmem>>, %arg10: memref<80x128xf32, #tpu.memory_space<vmem>>, %arg11: memref<64x128xf32, #tpu.memory_space<vmem>>, %arg12: memref<10240x128xf32, #tpu.memory_space<vmem_shared>>, %arg13: memref<!tpu.dma_semaphore, #tpu.memory_space<semaphore_mem>>) attributes {dimension_semantics = [#tpu.dimension_semantics<core_parallel>, #tpu.dimension_semantics<subcore_parallel>], iteration_bounds = array<i64: 2, 16>, scalar_prefetch = 0 : i64, scratch_operands = 8 : i64, tpu.core_type = #tpu.core_type<sc_vector_subcore>, window_params = [{transform_indices = #map}, {transform_indices = #map1}, {transform_indices = #map1}, {transform_indices = #map2}]} {
    %mul3A = arith.constant 2 : i32
    %mul3A_0 = arith.muli %arg1, %mul3A : i32
    %add3A = arith.addi %mul3A_0, %arg0 : i32
    %mul3A_1 = arith.constant 10000 : i32
    %mul3A_2 = arith.muli %add3A, %mul3A_1 : i32
    %broadcast_in_dim3A = arith.constant 1.000000e+00 : f32
    %broadcast_in_dim3A_3 = vector.broadcast %broadcast_in_dim3A : f32 to vector<16xf32>
    %broadcast_in_dim3A_4 = arith.constant 0.000000e+00 : f32
    %broadcast_in_dim3A_5 = vector.broadcast %broadcast_in_dim3A_4 : f32 to vector<16xf32>
    %scan3A = arith.constant 0 : i32
    %scan3A_6 = arith.constant 0 : i32
    %scan3A_7 = arith.constant 64 : i32
    %scan3A_8 = arith.addi %scan3A_6, %scan3A_7 : i32
    %scan3A_9 = arith.constant 1 : i32
    %scan3A_10 = scf.for %scan3A_121 = %scan3A_6 to %scan3A_8 step %scan3A_9 iter_args(%scan3A_122 = %scan3A) -> (i32)  : i32 {
      %swap3A = arith.index_cast %scan3A_121 : i32 to index
      %swap3A_123 = arith.constant 0 : index
      %swap3A_124 = tpu.vector_load %arg11[%swap3A, %swap3A_123] {strides = array<i32>} : memref<64x128xf32, #tpu.memory_space<vmem>>, vector<1x16xf32>,
      %swap3A_125 = vector.shape_cast %swap3A_124 : vector<1x16xf32> to vector<16xf32>
      %swap3A_126 = vector.shape_cast %broadcast_in_dim3A_5 : vector<16xf32> to vector<1x16xf32>
      tpu.vector_store %arg11[%swap3A, %swap3A_123], %swap3A_126 {strides = array<i32>} : memref<64x128xf32, #tpu.memory_space<vmem>>, vector<1x16xf32>,
      %swap3A_127 = arith.index_cast %scan3A_121 : i32 to index
      %swap3A_128 = arith.constant 16 : index
      %swap3A_129 = tpu.vector_load %arg11[%swap3A_127, %swap3A_128] {strides = array<i32>} : memref<64x128xf32, #tpu.memory_space<vmem>>, vector<1x16xf32>,
      %swap3A_130 = vector.shape_cast %swap3A_129 : vector<1x16xf32> to vector<16xf32>
      %swap3A_131 = vector.shape_cast %broadcast_in_dim3A_5 : vector<16xf32> to vector<1x16xf32>
      tpu.vector_store %arg11[%swap3A_127, %swap3A_128], %swap3A_131 {strides = array<i32>} : memref<64x128xf32, #tpu.memory_space<vmem>>, vector<1x16xf32>,
      %swap3A_132 = arith.index_cast %scan3A_121 : i32 to index
      %swap3A_133 = arith.constant 32 : index
      %swap3A_134 = tpu.vector_load %arg11[%swap3A_132, %swap3A_133] {strides = array<i32>} : memref<64x128xf32, #tpu.memory_space<vmem>>, vector<1x16xf32>,
      %swap3A_135 = vector.shape_cast %swap3A_134 : vector<1x16xf32> to vector<16xf32>
      %swap3A_136 = vector.shape_cast %broadcast_in_dim3A_5 : vector<16xf32> to vector<1x16xf32>
      tpu.vector_store %arg11[%swap3A_132, %swap3A_133], %swap3A_136 {strides = array<i32>} : memref<64x128xf32, #tpu.memory_space<vmem>>, vector<1x16xf32>,
      %swap3A_137 = arith.index_cast %scan3A_121 : i32 to index
      %swap3A_138 = arith.constant 48 : index
      %swap3A_139 = tpu.vector_load %arg11[%swap3A_137, %swap3A_138] {strides = array<i32>} : memref<64x128xf32, #tpu.memory_space<vmem>>, vector<1x16xf32>,
      %swap3A_140 = vector.shape_cast %swap3A_139 : vector<1x16xf32> to vector<16xf32>
      %swap3A_141 = vector.shape_cast %broadcast_in_dim3A_5 : vector<16xf32> to vector<1x16xf32>
      tpu.vector_store %arg11[%swap3A_137, %swap3A_138], %swap3A_141 {strides = array<i32>} : memref<64x128xf32, #tpu.memory_space<vmem>>, vector<1x16xf32>,
      %swap3A_142 = arith.index_cast %scan3A_121 : i32 to index
      %swap3A_143 = arith.constant 64 : index
      %swap3A_144 = tpu.vector_load %arg11[%swap3A_142, %swap3A_143] {strides = array<i32>} : memref<64x128xf32, #tpu.memory_space<vmem>>, vector<1x16xf32>,
      %swap3A_145 = vector.shape_cast %swap3A_144 : vector<1x16xf32> to vector<16xf32>
      %swap3A_146 = vector.shape_cast %broadcast_in_dim3A_5 : vector<16xf32> to vector<1x16xf32>
      tpu.vector_store %arg11[%swap3A_142, %swap3A_143], %swap3A_146 {strides = array<i32>} : memref<64x128xf32, #tpu.memory_space<vmem>>, vector<1x16xf32>,
      %swap3A_147 = arith.index_cast %scan3A_121 : i32 to index
      %swap3A_148 = arith.constant 80 : index
      %swap3A_149 = tpu.vector_load %arg11[%swap3A_147, %swap3A_148] {strides = array<i32>} : memref<64x128xf32, #tpu.memory_space<vmem>>, vector<1x16xf32>,
      %swap3A_150 = vector.shape_cast %swap3A_149 : vector<1x16xf32> to vector<16xf32>
      %swap3A_151 = vector.shape_cast %broadcast_in_dim3A_5 : vector<16xf32> to vector<1x16xf32>
      tpu.vector_store %arg11[%swap3A_147, %swap3A_148], %swap3A_151 {strides = array<i32>} : memref<64x128xf32, #tpu.memory_space<vmem>>, vector<1x16xf32>,
      %swap3A_152 = arith.index_cast %scan3A_121 : i32 to index
      %swap3A_153 = arith.constant 96 : index
      %swap3A_154 = tpu.vector_load %arg11[%swap3A_152, %swap3A_153] {strides = array<i32>} : memref<64x128xf32, #tpu.memory_space<vmem>>, vector<1x16xf32>,
      %swap3A_155 = vector.shape_cast %swap3A_154 : vector<1x16xf32> to vector<16xf32>
      %swap3A_156 = vector.shape_cast %broadcast_in_dim3A_5 : vector<16xf32> to vector<1x16xf32>
      tpu.vector_store %arg11[%swap3A_152, %swap3A_153], %swap3A_156 {strides = array<i32>} : memref<64x128xf32, #tpu.memory_space<vmem>>, vector<1x16xf32>,
      %swap3A_157 = arith.index_cast %scan3A_121 : i32 to index
      %swap3A_158 = arith.constant 112 : index
      %swap3A_159 = tpu.vector_load %arg11[%swap3A_157, %swap3A_158] {strides = array<i32>} : memref<64x128xf32, #tpu.memory_space<vmem>>, vector<1x16xf32>,
      %swap3A_160 = vector.shape_cast %swap3A_159 : vector<1x16xf32> to vector<16xf32>
      %swap3A_161 = vector.shape_cast %broadcast_in_dim3A_5 : vector<16xf32> to vector<1x16xf32>
      tpu.vector_store %arg11[%swap3A_157, %swap3A_158], %swap3A_161 {strides = array<i32>} : memref<64x128xf32, #tpu.memory_space<vmem>>, vector<1x16xf32>,
      %scan3A_162 = arith.constant 0 : i32
      scf.yield %scan3A_162 : i32
    }
    %scan3A_11 = arith.constant 64 : i32
    %mul3A_12 = arith.constant 640 : i32
    %mul3A_13 = arith.muli %arg1, %mul3A_12 : i32
    %add3A_14 = arith.constant 0 : i32
    %add3A_15 = arith.addi %mul3A_13, %add3A_14 : i32
    "tpu.region"() ({
      %run_scoped3A = tpu.sem_alloc : memref<!tpu.dma_semaphore, #tpu.memory_space<semaphore_mem>>
      %dma_start3A = arith.constant 0 : i32
      %dma_start3A_121 = tpu.memref_slice %arg12[%add3A_15, %dma_start3A] : memref<10240x128xf32, #tpu.memory_space<vmem_shared>> -> memref<64x128xf32, #tpu.memory_space<vmem_shared>>
      %dma_start3A_122 = arith.constant 0 : i32
      %dma_start3A_123 = tpu.memref_slice %arg12[%add3A_15, %dma_start3A_122] : memref<10240x128xf32, #tpu.memory_space<vmem_shared>> -> memref<64x128xf32, #tpu.memory_space<vmem_shared>>
      tpu.enqueue_dma source(%arg11 : memref<64x128xf32, #tpu.memory_space<vmem>>) target(%dma_start3A_123 : memref<64x128xf32, #tpu.memory_space<vmem_shared>>) target_semaphore(%run_scoped3A : memref<!tpu.dma_semaphore, #tpu.memory_space<semaphore_mem>>)
      %dma_wait3A = arith.constant 0 : i32
      %dma_wait3A_124 = tpu.memref_slice %arg12[%add3A_15, %dma_wait3A] : memref<10240x128xf32, #tpu.memory_space<vmem_shared>> -> memref<64x128xf32, #tpu.memory_space<vmem_shared>>
      %dma_wait3A_125 = arith.constant 0 : i32
      %dma_wait3A_126 = tpu.memref_slice %arg12[%add3A_15, %dma_wait3A_125] : memref<10240x128xf32, #tpu.memory_space<vmem_shared>> -> memref<64x128xf32, #tpu.memory_space<vmem_shared>>
      tpu.wait_dma2 semaphore(%run_scoped3A : memref<!tpu.dma_semaphore, #tpu.memory_space<semaphore_mem>>) src(%arg11 : memref<64x128xf32, #tpu.memory_space<vmem>>) dst(%dma_wait3A_126 : memref<64x128xf32, #tpu.memory_space<vmem_shared>>)
      tpu.yield
    }) : () -> ()
    %mul3A_16 = arith.constant 640 : i32
    %mul3A_17 = arith.muli %arg1, %mul3A_16 : i32
    %add3A_18 = arith.constant 64 : i32
    %add3A_19 = arith.addi %mul3A_17, %add3A_18 : i32
    "tpu.region"() ({
      %run_scoped3A = tpu.sem_alloc : memref<!tpu.dma_semaphore, #tpu.memory_space<semaphore_mem>>
      %dma_start3A = arith.constant 0 : i32
      %dma_start3A_121 = tpu.memref_slice %arg12[%add3A_19, %dma_start3A] : memref<10240x128xf32, #tpu.memory_space<vmem_shared>> -> memref<64x128xf32, #tpu.memory_space<vmem_shared>>
      %dma_start3A_122 = arith.constant 0 : i32
      %dma_start3A_123 = tpu.memref_slice %arg12[%add3A_19, %dma_start3A_122] : memref<10240x128xf32, #tpu.memory_space<vmem_shared>> -> memref<64x128xf32, #tpu.memory_space<vmem_shared>>
      tpu.enqueue_dma source(%arg11 : memref<64x128xf32, #tpu.memory_space<vmem>>) target(%dma_start3A_123 : memref<64x128xf32, #tpu.memory_space<vmem_shared>>) target_semaphore(%run_scoped3A : memref<!tpu.dma_semaphore, #tpu.memory_space<semaphore_mem>>)
      %dma_wait3A = arith.constant 0 : i32
      %dma_wait3A_124 = tpu.memref_slice %arg12[%add3A_19, %dma_wait3A] : memref<10240x128xf32, #tpu.memory_space<vmem_shared>> -> memref<64x128xf32, #tpu.memory_space<vmem_shared>>
      %dma_wait3A_125 = arith.constant 0 : i32
      %dma_wait3A_126 = tpu.memref_slice %arg12[%add3A_19, %dma_wait3A_125] : memref<10240x128xf32, #tpu.memory_space<vmem_shared>> -> memref<64x128xf32, #tpu.memory_space<vmem_shared>>
      tpu.wait_dma2 semaphore(%run_scoped3A : memref<!tpu.dma_semaphore, #tpu.memory_space<semaphore_mem>>) src(%arg11 : memref<64x128xf32, #tpu.memory_space<vmem>>) dst(%dma_wait3A_126 : memref<64x128xf32, #tpu.memory_space<vmem_shared>>)
      tpu.yield
    }) : () -> ()
    %mul3A_20 = arith.constant 640 : i32
    %mul3A_21 = arith.muli %arg1, %mul3A_20 : i32
    %add3A_22 = arith.constant 128 : i32
    %add3A_23 = arith.addi %mul3A_21, %add3A_22 : i32
    "tpu.region"() ({
      %run_scoped3A = tpu.sem_alloc : memref<!tpu.dma_semaphore, #tpu.memory_space<semaphore_mem>>
      %dma_start3A = arith.constant 0 : i32
      %dma_start3A_121 = tpu.memref_slice %arg12[%add3A_23, %dma_start3A] : memref<10240x128xf32, #tpu.memory_space<vmem_shared>> -> memref<64x128xf32, #tpu.memory_space<vmem_shared>>
      %dma_start3A_122 = arith.constant 0 : i32
      %dma_start3A_123 = tpu.memref_slice %arg12[%add3A_23, %dma_start3A_122] : memref<10240x128xf32, #tpu.memory_space<vmem_shared>> -> memref<64x128xf32, #tpu.memory_space<vmem_shared>>
      tpu.enqueue_dma source(%arg11 : memref<64x128xf32, #tpu.memory_space<vmem>>) target(%dma_start3A_123 : memref<64x128xf32, #tpu.memory_space<vmem_shared>>) target_semaphore(%run_scoped3A : memref<!tpu.dma_semaphore, #tpu.memory_space<semaphore_mem>>)
      %dma_wait3A = arith.constant 0 : i32
      %dma_wait3A_124 = tpu.memref_slice %arg12[%add3A_23, %dma_wait3A] : memref<10240x128xf32, #tpu.memory_space<vmem_shared>> -> memref<64x128xf32, #tpu.memory_space<vmem_shared>>
      %dma_wait3A_125 = arith.constant 0 : i32
      %dma_wait3A_126 = tpu.memref_slice %arg12[%add3A_23, %dma_wait3A_125] : memref<10240x128xf32, #tpu.memory_space<vmem_shared>> -> memref<64x128xf32, #tpu.memory_space<vmem_shared>>
      tpu.wait_dma2 semaphore(%run_scoped3A : memref<!tpu.dma_semaphore, #tpu.memory_space<semaphore_mem>>) src(%arg11 : memref<64x128xf32, #tpu.memory_space<vmem>>) dst(%dma_wait3A_126 : memref<64x128xf32, #tpu.memory_space<vmem_shared>>)
      tpu.yield
    }) : () -> ()
    %mul3A_24 = arith.constant 640 : i32
    %mul3A_25 = arith.muli %arg1, %mul3A_24 : i32
    %add3A_26 = arith.constant 192 : i32
    %add3A_27 = arith.addi %mul3A_25, %add3A_26 : i32
    "tpu.region"() ({
      %run_scoped3A = tpu.sem_alloc : memref<!tpu.dma_semaphore, #tpu.memory_space<semaphore_mem>>
      %dma_start3A = arith.constant 0 : i32
      %dma_start3A_121 = tpu.memref_slice %arg12[%add3A_27, %dma_start3A] : memref<10240x128xf32, #tpu.memory_space<vmem_shared>> -> memref<64x128xf32, #tpu.memory_space<vmem_shared>>
      %dma_start3A_122 = arith.constant 0 : i32
      %dma_start3A_123 = tpu.memref_slice %arg12[%add3A_27, %dma_start3A_122] : memref<10240x128xf32, #tpu.memory_space<vmem_shared>> -> memref<64x128xf32, #tpu.memory_space<vmem_shared>>
      tpu.enqueue_dma source(%arg11 : memref<64x128xf32, #tpu.memory_space<vmem>>) target(%dma_start3A_123 : memref<64x128xf32, #tpu.memory_space<vmem_shared>>) target_semaphore(%run_scoped3A : memref<!tpu.dma_semaphore, #tpu.memory_space<semaphore_mem>>)
      %dma_wait3A = arith.constant 0 : i32
      %dma_wait3A_124 = tpu.memref_slice %arg12[%add3A_27, %dma_wait3A] : memref<10240x128xf32, #tpu.memory_space<vmem_shared>> -> memref<64x128xf32, #tpu.memory_space<vmem_shared>>
      %dma_wait3A_125 = arith.constant 0 : i32
      %dma_wait3A_126 = tpu.memref_slice %arg12[%add3A_27, %dma_wait3A_125] : memref<10240x128xf32, #tpu.memory_space<vmem_shared>> -> memref<64x128xf32, #tpu.memory_space<vmem_shared>>
      tpu.wait_dma2 semaphore(%run_scoped3A : memref<!tpu.dma_semaphore, #tpu.memory_space<semaphore_mem>>) src(%arg11 : memref<64x128xf32, #tpu.memory_space<vmem>>) dst(%dma_wait3A_126 : memref<64x128xf32, #tpu.memory_space<vmem_shared>>)
      tpu.yield
    }) : () -> ()
    %mul3A_28 = arith.constant 640 : i32
    %mul3A_29 = arith.muli %arg1, %mul3A_28 : i32
    %add3A_30 = arith.constant 256 : i32
    %add3A_31 = arith.addi %mul3A_29, %add3A_30 : i32
    "tpu.region"() ({
      %run_scoped3A = tpu.sem_alloc : memref<!tpu.dma_semaphore, #tpu.memory_space<semaphore_mem>>
      %dma_start3A = arith.constant 0 : i32
      %dma_start3A_121 = tpu.memref_slice %arg12[%add3A_31, %dma_start3A] : memref<10240x128xf32, #tpu.memory_space<vmem_shared>> -> memref<64x128xf32, #tpu.memory_space<vmem_shared>>
      %dma_start3A_122 = arith.constant 0 : i32
      %dma_start3A_123 = tpu.memref_slice %arg12[%add3A_31, %dma_start3A_122] : memref<10240x128xf32, #tpu.memory_space<vmem_shared>> -> memref<64x128xf32, #tpu.memory_space<vmem_shared>>
      tpu.enqueue_dma source(%arg11 : memref<64x128xf32, #tpu.memory_space<vmem>>) target(%dma_start3A_123 : memref<64x128xf32, #tpu.memory_space<vmem_shared>>) target_semaphore(%run_scoped3A : memref<!tpu.dma_semaphore, #tpu.memory_space<semaphore_mem>>)
      %dma_wait3A = arith.constant 0 : i32
      %dma_wait3A_124 = tpu.memref_slice %arg12[%add3A_31, %dma_wait3A] : memref<10240x128xf32, #tpu.memory_space<vmem_shared>> -> memref<64x128xf32, #tpu.memory_space<vmem_shared>>
      %dma_wait3A_125 = arith.constant 0 : i32
      %dma_wait3A_126 = tpu.memref_slice %arg12[%add3A_31, %dma_wait3A_125] : memref<10240x128xf32, #tpu.memory_space<vmem_shared>> -> memref<64x128xf32, #tpu.memory_space<vmem_shared>>
      tpu.wait_dma2 semaphore(%run_scoped3A : memref<!tpu.dma_semaphore, #tpu.memory_space<semaphore_mem>>) src(%arg11 : memref<64x128xf32, #tpu.memory_space<vmem>>) dst(%dma_wait3A_126 : memref<64x128xf32, #tpu.memory_space<vmem_shared>>)
      tpu.yield
    }) : () -> ()
    %mul3A_32 = arith.constant 640 : i32
    %mul3A_33 = arith.muli %arg1, %mul3A_32 : i32
    %add3A_34 = arith.constant 320 : i32
    %add3A_35 = arith.addi %mul3A_33, %add3A_34 : i32
    "tpu.region"() ({
      %run_scoped3A = tpu.sem_alloc : memref<!tpu.dma_semaphore, #tpu.memory_space<semaphore_mem>>
      %dma_start3A = arith.constant 0 : i32
      %dma_start3A_121 = tpu.memref_slice %arg12[%add3A_35, %dma_start3A] : memref<10240x128xf32, #tpu.memory_space<vmem_shared>> -> memref<64x128xf32, #tpu.memory_space<vmem_shared>>
      %dma_start3A_122 = arith.constant 0 : i32
      %dma_start3A_123 = tpu.memref_slice %arg12[%add3A_35, %dma_start3A_122] : memref<10240x128xf32, #tpu.memory_space<vmem_shared>> -> memref<64x128xf32, #tpu.memory_space<vmem_shared>>
      tpu.enqueue_dma source(%arg11 : memref<64x128xf32, #tpu.memory_space<vmem>>) target(%dma_start3A_123 : memref<64x128xf32, #tpu.memory_space<vmem_shared>>) target_semaphore(%run_scoped3A : memref<!tpu.dma_semaphore, #tpu.memory_space<semaphore_mem>>)
      %dma_wait3A = arith.constant 0 : i32
      %dma_wait3A_124 = tpu.memref_slice %arg12[%add3A_35, %dma_wait3A] : memref<10240x128xf32, #tpu.memory_space<vmem_shared>> -> memref<64x128xf32, #tpu.memory_space<vmem_shared>>
      %dma_wait3A_125 = arith.constant 0 : i32
      %dma_wait3A_126 = tpu.memref_slice %arg12[%add3A_35, %dma_wait3A_125] : memref<10240x128xf32, #tpu.memory_space<vmem_shared>> -> memref<64x128xf32, #tpu.memory_space<vmem_shared>>
      tpu.wait_dma2 semaphore(%run_scoped3A : memref<!tpu.dma_semaphore, #tpu.memory_space<semaphore_mem>>) src(%arg11 : memref<64x128xf32, #tpu.memory_space<vmem>>) dst(%dma_wait3A_126 : memref<64x128xf32, #tpu.memory_space<vmem_shared>>)
      tpu.yield
    }) : () -> ()
    %mul3A_36 = arith.constant 640 : i32
    %mul3A_37 = arith.muli %arg1, %mul3A_36 : i32
    %add3A_38 = arith.constant 384 : i32
    %add3A_39 = arith.addi %mul3A_37, %add3A_38 : i32
    "tpu.region"() ({
      %run_scoped3A = tpu.sem_alloc : memref<!tpu.dma_semaphore, #tpu.memory_space<semaphore_mem>>
      %dma_start3A = arith.constant 0 : i32
      %dma_start3A_121 = tpu.memref_slice %arg12[%add3A_39, %dma_start3A] : memref<10240x128xf32, #tpu.memory_space<vmem_shared>> -> memref<64x128xf32, #tpu.memory_space<vmem_shared>>
      %dma_start3A_122 = arith.constant 0 : i32
      %dma_start3A_123 = tpu.memref_slice %arg12[%add3A_39, %dma_start3A_122] : memref<10240x128xf32, #tpu.memory_space<vmem_shared>> -> memref<64x128xf32, #tpu.memory_space<vmem_shared>>
      tpu.enqueue_dma source(%arg11 : memref<64x128xf32, #tpu.memory_space<vmem>>) target(%dma_start3A_123 : memref<64x128xf32, #tpu.memory_space<vmem_shared>>) target_semaphore(%run_scoped3A : memref<!tpu.dma_semaphore, #tpu.memory_space<semaphore_mem>>)
      %dma_wait3A = arith.constant 0 : i32
      %dma_wait3A_124 = tpu.memref_slice %arg12[%add3A_39, %dma_wait3A] : memref<10240x128xf32, #tpu.memory_space<vmem_shared>> -> memref<64x128xf32, #tpu.memory_space<vmem_shared>>
      %dma_wait3A_125 = arith.constant 0 : i32
      %dma_wait3A_126 = tpu.memref_slice %arg12[%add3A_39, %dma_wait3A_125] : memref<10240x128xf32, #tpu.memory_space<vmem_shared>> -> memref<64x128xf32, #tpu.memory_space<vmem_shared>>
      tpu.wait_dma2 semaphore(%run_scoped3A : memref<!tpu.dma_semaphore, #tpu.memory_space<semaphore_mem>>) src(%arg11 : memref<64x128xf32, #tpu.memory_space<vmem>>) dst(%dma_wait3A_126 : memref<64x128xf32, #tpu.memory_space<vmem_shared>>)
      tpu.yield
    }) : () -> ()
    %mul3A_40 = arith.constant 640 : i32
    %mul3A_41 = arith.muli %arg1, %mul3A_40 : i32
    %add3A_42 = arith.constant 448 : i32
    %add3A_43 = arith.addi %mul3A_41, %add3A_42 : i32
    "tpu.region"() ({
      %run_scoped3A = tpu.sem_alloc : memref<!tpu.dma_semaphore, #tpu.memory_space<semaphore_mem>>
      %dma_start3A = arith.constant 0 : i32
      %dma_start3A_121 = tpu.memref_slice %arg12[%add3A_43, %dma_start3A] : memref<10240x128xf32, #tpu.memory_space<vmem_shared>> -> memref<64x128xf32, #tpu.memory_space<vmem_shared>>
      %dma_start3A_122 = arith.constant 0 : i32
      %dma_start3A_123 = tpu.memref_slice %arg12[%add3A_43, %dma_start3A_122] : memref<10240x128xf32, #tpu.memory_space<vmem_shared>> -> memref<64x128xf32, #tpu.memory_space<vmem_shared>>
      tpu.enqueue_dma source(%arg11 : memref<64x128xf32, #tpu.memory_space<vmem>>) target(%dma_start3A_123 : memref<64x128xf32, #tpu.memory_space<vmem_shared>>) target_semaphore(%run_scoped3A : memref<!tpu.dma_semaphore, #tpu.memory_space<semaphore_mem>>)
      %dma_wait3A = arith.constant 0 : i32
      %dma_wait3A_124 = tpu.memref_slice %arg12[%add3A_43, %dma_wait3A] : memref<10240x128xf32, #tpu.memory_space<vmem_shared>> -> memref<64x128xf32, #tpu.memory_space<vmem_shared>>
      %dma_wait3A_125 = arith.constant 0 : i32
      %dma_wait3A_126 = tpu.memref_slice %arg12[%add3A_43, %dma_wait3A_125] : memref<10240x128xf32, #tpu.memory_space<vmem_shared>> -> memref<64x128xf32, #tpu.memory_space<vmem_shared>>
      tpu.wait_dma2 semaphore(%run_scoped3A : memref<!tpu.dma_semaphore, #tpu.memory_space<semaphore_mem>>) src(%arg11 : memref<64x128xf32, #tpu.memory_space<vmem>>) dst(%dma_wait3A_126 : memref<64x128xf32, #tpu.memory_space<vmem_shared>>)
      tpu.yield
    }) : () -> ()
    %mul3A_44 = arith.constant 640 : i32
    %mul3A_45 = arith.muli %arg1, %mul3A_44 : i32
    %add3A_46 = arith.constant 512 : i32
    %add3A_47 = arith.addi %mul3A_45, %add3A_46 : i32
    "tpu.region"() ({
      %run_scoped3A = tpu.sem_alloc : memref<!tpu.dma_semaphore, #tpu.memory_space<semaphore_mem>>
      %dma_start3A = arith.constant 0 : i32
      %dma_start3A_121 = tpu.memref_slice %arg12[%add3A_47, %dma_start3A] : memref<10240x128xf32, #tpu.memory_space<vmem_shared>> -> memref<64x128xf32, #tpu.memory_space<vmem_shared>>
      %dma_start3A_122 = arith.constant 0 : i32
      %dma_start3A_123 = tpu.memref_slice %arg12[%add3A_47, %dma_start3A_122] : memref<10240x128xf32, #tpu.memory_space<vmem_shared>> -> memref<64x128xf32, #tpu.memory_space<vmem_shared>>
      tpu.enqueue_dma source(%arg11 : memref<64x128xf32, #tpu.memory_space<vmem>>) target(%dma_start3A_123 : memref<64x128xf32, #tpu.memory_space<vmem_shared>>) target_semaphore(%run_scoped3A : memref<!tpu.dma_semaphore, #tpu.memory_space<semaphore_mem>>)
      %dma_wait3A = arith.constant 0 : i32
      %dma_wait3A_124 = tpu.memref_slice %arg12[%add3A_47, %dma_wait3A] : memref<10240x128xf32, #tpu.memory_space<vmem_shared>> -> memref<64x128xf32, #tpu.memory_space<vmem_shared>>
      %dma_wait3A_125 = arith.constant 0 : i32
      %dma_wait3A_126 = tpu.memref_slice %arg12[%add3A_47, %dma_wait3A_125] : memref<10240x128xf32, #tpu.memory_space<vmem_shared>> -> memref<64x128xf32, #tpu.memory_space<vmem_shared>>
      tpu.wait_dma2 semaphore(%run_scoped3A : memref<!tpu.dma_semaphore, #tpu.memory_space<semaphore_mem>>) src(%arg11 : memref<64x128xf32, #tpu.memory_space<vmem>>) dst(%dma_wait3A_126 : memref<64x128xf32, #tpu.memory_space<vmem_shared>>)
      tpu.yield
    }) : () -> ()
    %mul3A_48 = arith.constant 640 : i32
    %mul3A_49 = arith.muli %arg1, %mul3A_48 : i32
    %add3A_50 = arith.constant 576 : i32
    %add3A_51 = arith.addi %mul3A_49, %add3A_50 : i32
    "tpu.region"() ({
      %run_scoped3A = tpu.sem_alloc : memref<!tpu.dma_semaphore, #tpu.memory_space<semaphore_mem>>
      %dma_start3A = arith.constant 0 : i32
      %dma_start3A_121 = tpu.memref_slice %arg12[%add3A_51, %dma_start3A] : memref<10240x128xf32, #tpu.memory_space<vmem_shared>> -> memref<64x128xf32, #tpu.memory_space<vmem_shared>>
      %dma_start3A_122 = arith.constant 0 : i32
      %dma_start3A_123 = tpu.memref_slice %arg12[%add3A_51, %dma_start3A_122] : memref<10240x128xf32, #tpu.memory_space<vmem_shared>> -> memref<64x128xf32, #tpu.memory_space<vmem_shared>>
      tpu.enqueue_dma source(%arg11 : memref<64x128xf32, #tpu.memory_space<vmem>>) target(%dma_start3A_123 : memref<64x128xf32, #tpu.memory_space<vmem_shared>>) target_semaphore(%run_scoped3A : memref<!tpu.dma_semaphore, #tpu.memory_space<semaphore_mem>>)
      %dma_wait3A = arith.constant 0 : i32
      %dma_wait3A_124 = tpu.memref_slice %arg12[%add3A_51, %dma_wait3A] : memref<10240x128xf32, #tpu.memory_space<vmem_shared>> -> memref<64x128xf32, #tpu.memory_space<vmem_shared>>
      %dma_wait3A_125 = arith.constant 0 : i32
      %dma_wait3A_126 = tpu.memref_slice %arg12[%add3A_51, %dma_wait3A_125] : memref<10240x128xf32, #tpu.memory_space<vmem_shared>> -> memref<64x128xf32, #tpu.memory_space<vmem_shared>>
      tpu.wait_dma2 semaphore(%run_scoped3A : memref<!tpu.dma_semaphore, #tpu.memory_space<semaphore_mem>>) src(%arg11 : memref<64x128xf32, #tpu.memory_space<vmem>>) dst(%dma_wait3A_126 : memref<64x128xf32, #tpu.memory_space<vmem_shared>>)
      tpu.yield
    }) : () -> ()
    %barrier3A = arith.constant 0 : index
    tpu.barrier barrier_id(%barrier3A)
    %scan3A_52 = arith.constant 0 : i32
    %scan3A_53 = arith.constant 0 : i32
    %scan3A_54 = arith.constant 125 : i32
    %scan3A_55 = arith.addi %scan3A_53, %scan3A_54 : i32
    %scan3A_56 = arith.constant 1 : i32
    %scan3A_57 = scf.for %scan3A_121 = %scan3A_53 to %scan3A_55 step %scan3A_56 iter_args(%scan3A_122 = %scan3A_52) -> (i32)  : i32 {
      %mul3A_123 = arith.constant 80 : i32
      %mul3A_124 = arith.muli %scan3A_121, %mul3A_123 : i32
      %add3A_125 = arith.addi %mul3A_2, %mul3A_124 : i32
      "tpu.region"() ({
        %run_scoped3A = tpu.sem_alloc : memref<!tpu.dma_semaphore, #tpu.memory_space<semaphore_mem>>
        %dma_start3A_131 = tpu.memref_slice %arg4[%add3A_125] : memref<320000xi32, #tpu.memory_space<hbm>> -> memref<80xi32, #tpu.memory_space<hbm>>
        %dma_start3A_132 = tpu.memref_slice %arg4[%add3A_125] : memref<320000xi32, #tpu.memory_space<hbm>> -> memref<80xi32, #tpu.memory_space<hbm>>
        tpu.enqueue_dma source(%dma_start3A_132 : memref<80xi32, #tpu.memory_space<hbm>>) target(%arg7 : memref<80xi32, #tpu.memory_space<vmem>>) target_semaphore(%run_scoped3A : memref<!tpu.dma_semaphore, #tpu.memory_space<semaphore_mem>>)
        %dma_wait3A_133 = tpu.memref_slice %arg4[%add3A_125] : memref<320000xi32, #tpu.memory_space<hbm>> -> memref<80xi32, #tpu.memory_space<hbm>>
        %dma_wait3A_134 = tpu.memref_slice %arg4[%add3A_125] : memref<320000xi32, #tpu.memory_space<hbm>> -> memref<80xi32, #tpu.memory_space<hbm>>
        tpu.wait_dma2 semaphore(%run_scoped3A : memref<!tpu.dma_semaphore, #tpu.memory_space<semaphore_mem>>) src(%dma_wait3A_134 : memref<80xi32, #tpu.memory_space<hbm>>) dst(%arg7 : memref<80xi32, #tpu.memory_space<vmem>>)
        tpu.yield
      }) : () -> ()
      "tpu.region"() ({
        %run_scoped3A = tpu.sem_alloc : memref<!tpu.dma_semaphore, #tpu.memory_space<semaphore_mem>>
        %dma_start3A_131 = tpu.memref_slice %arg3[%add3A_125] : memref<320000xi32, #tpu.memory_space<hbm>> -> memref<80xi32, #tpu.memory_space<hbm>>
        %dma_start3A_132 = tpu.memref_slice %arg3[%add3A_125] : memref<320000xi32, #tpu.memory_space<hbm>> -> memref<80xi32, #tpu.memory_space<hbm>>
        tpu.enqueue_dma source(%dma_start3A_132 : memref<80xi32, #tpu.memory_space<hbm>>) target(%arg6 : memref<80xi32, #tpu.memory_space<vmem>>) target_semaphore(%run_scoped3A : memref<!tpu.dma_semaphore, #tpu.memory_space<semaphore_mem>>)
        %dma_wait3A_133 = tpu.memref_slice %arg3[%add3A_125] : memref<320000xi32, #tpu.memory_space<hbm>> -> memref<80xi32, #tpu.memory_space<hbm>>
        %dma_wait3A_134 = tpu.memref_slice %arg3[%add3A_125] : memref<320000xi32, #tpu.memory_space<hbm>> -> memref<80xi32, #tpu.memory_space<hbm>>
        tpu.wait_dma2 semaphore(%run_scoped3A : memref<!tpu.dma_semaphore, #tpu.memory_space<semaphore_mem>>) src(%dma_wait3A_134 : memref<80xi32, #tpu.memory_space<hbm>>) dst(%arg6 : memref<80xi32, #tpu.memory_space<vmem>>)
        tpu.yield
      }) : () -> ()
      %dma_start3A = arith.constant 0 : i32
      %dma_start3A_126 = arith.constant 0 : i32
      %dma_start3A_127 = tpu.memref_slice %arg2[%dma_start3A, %dma_start3A_126] : memref<10000x128xf32, #tpu.memory_space<hbm>> -> memref<10000x128xf32, #tpu.memory_space<hbm>>
      tpu.enqueue_indirect_dma source(%dma_start3A_127 : memref<10000x128xf32, #tpu.memory_space<hbm>>) target(%arg9 : memref<80x128xf32, #tpu.memory_space<vmem>>) offsets(%arg6 : memref<80xi32, #tpu.memory_space<vmem>>) semaphore(%arg13 : memref<!tpu.dma_semaphore, #tpu.memory_space<semaphore_mem>>)
      %dma_wait3A = arith.constant 0 : i32
      %dma_wait3A_128 = arith.constant 0 : i32
      %dma_wait3A_129 = tpu.memref_slice %arg2[%dma_wait3A, %dma_wait3A_128] : memref<10000x128xf32, #tpu.memory_space<hbm>> -> memref<10000x128xf32, #tpu.memory_space<hbm>>
      tpu.wait_indirect_dma semaphore(%arg13 : memref<!tpu.dma_semaphore, #tpu.memory_space<semaphore_mem>>) src(%dma_wait3A_129 : memref<10000x128xf32, #tpu.memory_space<hbm>>) dst(%arg9 : memref<80x128xf32, #tpu.memory_space<vmem>>)
      "tpu.region"() ({
        %run_scoped3A = tpu.sem_alloc : memref<!tpu.dma_semaphore, #tpu.memory_space<semaphore_mem>>
        %dma_start3A_131 = arith.constant 0 : i32
        %dma_start3A_132 = arith.constant 0 : i32
        %dma_start3A_133 = tpu.memref_slice %arg12[%dma_start3A_131, %dma_start3A_132] : memref<10240x128xf32, #tpu.memory_space<vmem_shared>> -> memref<10240x128xf32, #tpu.memory_space<vmem_shared>>
        tpu.enqueue_indirect_dma source(%arg9 : memref<80x128xf32, #tpu.memory_space<vmem>>) target(%dma_start3A_133 : memref<10240x128xf32, #tpu.memory_space<vmem_shared>>) offsets(%arg7 : memref<80xi32, #tpu.memory_space<vmem>>) semaphore(%run_scoped3A : memref<!tpu.dma_semaphore, #tpu.memory_space<semaphore_mem>>) {add = true}
        %dma_wait3A_134 = arith.constant 0 : i32
        %dma_wait3A_135 = arith.constant 0 : i32
        %dma_wait3A_136 = tpu.memref_slice %arg12[%dma_wait3A_134, %dma_wait3A_135] : memref<10240x128xf32, #tpu.memory_space<vmem_shared>> -> memref<10240x128xf32, #tpu.memory_space<vmem_shared>>
        tpu.wait_indirect_dma semaphore(%run_scoped3A : memref<!tpu.dma_semaphore, #tpu.memory_space<semaphore_mem>>) src(%arg9 : memref<80x128xf32, #tpu.memory_space<vmem>>) dst(%dma_wait3A_136 : memref<10240x128xf32, #tpu.memory_space<vmem_shared>>)
        tpu.yield
      }) : () -> ()
      %scan3A_130 = arith.constant 0 : i32
      scf.yield %scan3A_130 : i32
    }
    %scan3A_58 = arith.constant 125 : i32
    %barrier3A_59 = arith.constant 0 : index
    tpu.barrier barrier_id(%barrier3A_59)
    %mul3A_60 = arith.constant 640 : i32
    %mul3A_61 = arith.muli %arg1, %mul3A_60 : i32
    %add3A_62 = arith.constant 0 : i32
    %add3A_63 = arith.addi %mul3A_61, %add3A_62 : i32
    "tpu.region"() ({
      %run_scoped3A = tpu.sem_alloc : memref<!tpu.dma_semaphore, #tpu.memory_space<semaphore_mem>>
      %dma_start3A = arith.constant 0 : i32
      %dma_start3A_121 = tpu.memref_slice %arg12[%add3A_63, %dma_start3A] : memref<10240x128xf32, #tpu.memory_space<vmem_shared>> -> memref<64x128xf32, #tpu.memory_space<vmem_shared>>
      %dma_start3A_122 = arith.constant 0 : i32
      %dma_start3A_123 = tpu.memref_slice %arg12[%add3A_63, %dma_start3A_122] : memref<10240x128xf32, #tpu.memory_space<vmem_shared>> -> memref<64x128xf32, #tpu.memory_space<vmem_shared>>
      tpu.enqueue_dma source(%dma_start3A_123 : memref<64x128xf32, #tpu.memory_space<vmem_shared>>) target(%arg11 : memref<64x128xf32, #tpu.memory_space<vmem>>) target_semaphore(%run_scoped3A : memref<!tpu.dma_semaphore, #tpu.memory_space<semaphore_mem>>)
      %dma_wait3A = arith.constant 0 : i32
      %dma_wait3A_124 = tpu.memref_slice %arg12[%add3A_63, %dma_wait3A] : memref<10240x128xf32, #tpu.memory_space<vmem_shared>> -> memref<64x128xf32, #tpu.memory_space<vmem_shared>>
      %dma_wait3A_125 = arith.constant 0 : i32
      %dma_wait3A_126 = tpu.memref_slice %arg12[%add3A_63, %dma_wait3A_125] : memref<10240x128xf32, #tpu.memory_space<vmem_shared>> -> memref<64x128xf32, #tpu.memory_space<vmem_shared>>
      tpu.wait_dma2 semaphore(%run_scoped3A : memref<!tpu.dma_semaphore, #tpu.memory_space<semaphore_mem>>) src(%dma_wait3A_126 : memref<64x128xf32, #tpu.memory_space<vmem_shared>>) dst(%arg11 : memref<64x128xf32, #tpu.memory_space<vmem>>)
      tpu.yield
    }) : () -> ()
    %add3A_64 = arith.constant 0 : i32
    %add3A_65 = arith.addi %add3A_64, %add3A_63 : i32
    "tpu.region"() ({
      %run_scoped3A = tpu.sem_alloc : memref<!tpu.dma_semaphore, #tpu.memory_space<semaphore_mem>>
      %dma_start3A = arith.constant 0 : i32
      %dma_start3A_121 = tpu.memref_slice %arg5[%arg0, %add3A_65, %dma_start3A] : memref<2x10240x128xf32, #tpu.memory_space<hbm>> -> memref<1x64x128xf32, #tpu.memory_space<hbm>>
      %dma_start3A_122 = tpu.memref_squeeze %dma_start3A_121 : memref<1x64x128xf32, #tpu.memory_space<hbm>> -> memref<64x128xf32, #tpu.memory_space<hbm>>
      %dma_start3A_123 = arith.constant 0 : i32
      %dma_start3A_124 = tpu.memref_slice %arg5[%arg0, %add3A_65, %dma_start3A_123] : memref<2x10240x128xf32, #tpu.memory_space<hbm>> -> memref<1x64x128xf32, #tpu.memory_space<hbm>>
      %dma_start3A_125 = tpu.memref_squeeze %dma_start3A_124 : memref<1x64x128xf32, #tpu.memory_space<hbm>> -> memref<64x128xf32, #tpu.memory_space<hbm>>
      tpu.enqueue_dma source(%arg11 : memref<64x128xf32, #tpu.memory_space<vmem>>) target(%dma_start3A_125 : memref<64x128xf32, #tpu.memory_space<hbm>>) target_semaphore(%run_scoped3A : memref<!tpu.dma_semaphore, #tpu.memory_space<semaphore_mem>>)
      %dma_wait3A = arith.constant 0 : i32
      %dma_wait3A_126 = tpu.memref_slice %arg5[%arg0, %add3A_65, %dma_wait3A] : memref<2x10240x128xf32, #tpu.memory_space<hbm>> -> memref<1x64x128xf32, #tpu.memory_space<hbm>>
      %dma_wait3A_127 = tpu.memref_squeeze %dma_wait3A_126 : memref<1x64x128xf32, #tpu.memory_space<hbm>> -> memref<64x128xf32, #tpu.memory_space<hbm>>
      %dma_wait3A_128 = arith.constant 0 : i32
      %dma_wait3A_129 = tpu.memref_slice %arg5[%arg0, %add3A_65, %dma_wait3A_128] : memref<2x10240x128xf32, #tpu.memory_space<hbm>> -> memref<1x64x128xf32, #tpu.memory_space<hbm>>
      %dma_wait3A_130 = tpu.memref_squeeze %dma_wait3A_129 : memref<1x64x128xf32, #tpu.memory_space<hbm>> -> memref<64x128xf32, #tpu.memory_space<hbm>>
      tpu.wait_dma2 semaphore(%run_scoped3A : memref<!tpu.dma_semaphore, #tpu.memory_space<semaphore_mem>>) src(%arg11 : memref<64x128xf32, #tpu.memory_space<vmem>>) dst(%dma_wait3A_130 : memref<64x128xf32, #tpu.memory_space<hbm>>)
      tpu.yield
    }) : () -> ()
    %mul3A_66 = arith.constant 640 : i32
    %mul3A_67 = arith.muli %arg1, %mul3A_66 : i32
    %add3A_68 = arith.constant 64 : i32
    %add3A_69 = arith.addi %mul3A_67, %add3A_68 : i32
    "tpu.region"() ({
      %run_scoped3A = tpu.sem_alloc : memref<!tpu.dma_semaphore, #tpu.memory_space<semaphore_mem>>
      %dma_start3A = arith.constant 0 : i32
      %dma_start3A_121 = tpu.memref_slice %arg12[%add3A_69, %dma_start3A] : memref<10240x128xf32, #tpu.memory_space<vmem_shared>> -> memref<64x128xf32, #tpu.memory_space<vmem_shared>>
      %dma_start3A_122 = arith.constant 0 : i32
      %dma_start3A_123 = tpu.memref_slice %arg12[%add3A_69, %dma_start3A_122] : memref<10240x128xf32, #tpu.memory_space<vmem_shared>> -> memref<64x128xf32, #tpu.memory_space<vmem_shared>>
      tpu.enqueue_dma source(%dma_start3A_123 : memref<64x128xf32, #tpu.memory_space<vmem_shared>>) target(%arg11 : memref<64x128xf32, #tpu.memory_space<vmem>>) target_semaphore(%run_scoped3A : memref<!tpu.dma_semaphore, #tpu.memory_space<semaphore_mem>>)
      %dma_wait3A = arith.constant 0 : i32
      %dma_wait3A_124 = tpu.memref_slice %arg12[%add3A_69, %dma_wait3A] : memref<10240x128xf32, #tpu.memory_space<vmem_shared>> -> memref<64x128xf32, #tpu.memory_space<vmem_shared>>
      %dma_wait3A_125 = arith.constant 0 : i32
      %dma_wait3A_126 = tpu.memref_slice %arg12[%add3A_69, %dma_wait3A_125] : memref<10240x128xf32, #tpu.memory_space<vmem_shared>> -> memref<64x128xf32, #tpu.memory_space<vmem_shared>>
      tpu.wait_dma2 semaphore(%run_scoped3A : memref<!tpu.dma_semaphore, #tpu.memory_space<semaphore_mem>>) src(%dma_wait3A_126 : memref<64x128xf32, #tpu.memory_space<vmem_shared>>) dst(%arg11 : memref<64x128xf32, #tpu.memory_space<vmem>>)
      tpu.yield
    }) : () -> ()
    %add3A_70 = arith.constant 0 : i32
    %add3A_71 = arith.addi %add3A_70, %add3A_69 : i32
    "tpu.region"() ({
      %run_scoped3A = tpu.sem_alloc : memref<!tpu.dma_semaphore, #tpu.memory_space<semaphore_mem>>
      %dma_start3A = arith.constant 0 : i32
      %dma_start3A_121 = tpu.memref_slice %arg5[%arg0, %add3A_71, %dma_start3A] : memref<2x10240x128xf32, #tpu.memory_space<hbm>> -> memref<1x64x128xf32, #tpu.memory_space<hbm>>
      %dma_start3A_122 = tpu.memref_squeeze %dma_start3A_121 : memref<1x64x128xf32, #tpu.memory_space<hbm>> -> memref<64x128xf32, #tpu.memory_space<hbm>>
      %dma_start3A_123 = arith.constant 0 : i32
      %dma_start3A_124 = tpu.memref_slice %arg5[%arg0, %add3A_71, %dma_start3A_123] : memref<2x10240x128xf32, #tpu.memory_space<hbm>> -> memref<1x64x128xf32, #tpu.memory_space<hbm>>
      %dma_start3A_125 = tpu.memref_squeeze %dma_start3A_124 : memref<1x64x128xf32, #tpu.memory_space<hbm>> -> memref<64x128xf32, #tpu.memory_space<hbm>>
      tpu.enqueue_dma source(%arg11 : memref<64x128xf32, #tpu.memory_space<vmem>>) target(%dma_start3A_125 : memref<64x128xf32, #tpu.memory_space<hbm>>) target_semaphore(%run_scoped3A : memref<!tpu.dma_semaphore, #tpu.memory_space<semaphore_mem>>)
      %dma_wait3A = arith.constant 0 : i32
      %dma_wait3A_126 = tpu.memref_slice %arg5[%arg0, %add3A_71, %dma_wait3A] : memref<2x10240x128xf32, #tpu.memory_space<hbm>> -> memref<1x64x128xf32, #tpu.memory_space<hbm>>
      %dma_wait3A_127 = tpu.memref_squeeze %dma_wait3A_126 : memref<1x64x128xf32, #tpu.memory_space<hbm>> -> memref<64x128xf32, #tpu.memory_space<hbm>>
      %dma_wait3A_128 = arith.constant 0 : i32
      %dma_wait3A_129 = tpu.memref_slice %arg5[%arg0, %add3A_71, %dma_wait3A_128] : memref<2x10240x128xf32, #tpu.memory_space<hbm>> -> memref<1x64x128xf32, #tpu.memory_space<hbm>>
      %dma_wait3A_130 = tpu.memref_squeeze %dma_wait3A_129 : memref<1x64x128xf32, #tpu.memory_space<hbm>> -> memref<64x128xf32, #tpu.memory_space<hbm>>
      tpu.wait_dma2 semaphore(%run_scoped3A : memref<!tpu.dma_semaphore, #tpu.memory_space<semaphore_mem>>) src(%arg11 : memref<64x128xf32, #tpu.memory_space<vmem>>) dst(%dma_wait3A_130 : memref<64x128xf32, #tpu.memory_space<hbm>>)
      tpu.yield
    }) : () -> ()
    %mul3A_72 = arith.constant 640 : i32
    %mul3A_73 = arith.muli %arg1, %mul3A_72 : i32
    %add3A_74 = arith.constant 128 : i32
    %add3A_75 = arith.addi %mul3A_73, %add3A_74 : i32
    "tpu.region"() ({
      %run_scoped3A = tpu.sem_alloc : memref<!tpu.dma_semaphore, #tpu.memory_space<semaphore_mem>>
      %dma_start3A = arith.constant 0 : i32
      %dma_start3A_121 = tpu.memref_slice %arg12[%add3A_75, %dma_start3A] : memref<10240x128xf32, #tpu.memory_space<vmem_shared>> -> memref<64x128xf32, #tpu.memory_space<vmem_shared>>
      %dma_start3A_122 = arith.constant 0 : i32
      %dma_start3A_123 = tpu.memref_slice %arg12[%add3A_75, %dma_start3A_122] : memref<10240x128xf32, #tpu.memory_space<vmem_shared>> -> memref<64x128xf32, #tpu.memory_space<vmem_shared>>
      tpu.enqueue_dma source(%dma_start3A_123 : memref<64x128xf32, #tpu.memory_space<vmem_shared>>) target(%arg11 : memref<64x128xf32, #tpu.memory_space<vmem>>) target_semaphore(%run_scoped3A : memref<!tpu.dma_semaphore, #tpu.memory_space<semaphore_mem>>)
      %dma_wait3A = arith.constant 0 : i32
      %dma_wait3A_124 = tpu.memref_slice %arg12[%add3A_75, %dma_wait3A] : memref<10240x128xf32, #tpu.memory_space<vmem_shared>> -> memref<64x128xf32, #tpu.memory_space<vmem_shared>>
      %dma_wait3A_125 = arith.constant 0 : i32
      %dma_wait3A_126 = tpu.memref_slice %arg12[%add3A_75, %dma_wait3A_125] : memref<10240x128xf32, #tpu.memory_space<vmem_shared>> -> memref<64x128xf32, #tpu.memory_space<vmem_shared>>
      tpu.wait_dma2 semaphore(%run_scoped3A : memref<!tpu.dma_semaphore, #tpu.memory_space<semaphore_mem>>) src(%dma_wait3A_126 : memref<64x128xf32, #tpu.memory_space<vmem_shared>>) dst(%arg11 : memref<64x128xf32, #tpu.memory_space<vmem>>)
      tpu.yield
    }) : () -> ()
    %add3A_76 = arith.constant 0 : i32
    %add3A_77 = arith.addi %add3A_76, %add3A_75 : i32
    "tpu.region"() ({
      %run_scoped3A = tpu.sem_alloc : memref<!tpu.dma_semaphore, #tpu.memory_space<semaphore_mem>>
      %dma_start3A = arith.constant 0 : i32
      %dma_start3A_121 = tpu.memref_slice %arg5[%arg0, %add3A_77, %dma_start3A] : memref<2x10240x128xf32, #tpu.memory_space<hbm>> -> memref<1x64x128xf32, #tpu.memory_space<hbm>>
      %dma_start3A_122 = tpu.memref_squeeze %dma_start3A_121 : memref<1x64x128xf32, #tpu.memory_space<hbm>> -> memref<64x128xf32, #tpu.memory_space<hbm>>
      %dma_start3A_123 = arith.constant 0 : i32
      %dma_start3A_124 = tpu.memref_slice %arg5[%arg0, %add3A_77, %dma_start3A_123] : memref<2x10240x128xf32, #tpu.memory_space<hbm>> -> memref<1x64x128xf32, #tpu.memory_space<hbm>>
      %dma_start3A_125 = tpu.memref_squeeze %dma_start3A_124 : memref<1x64x128xf32, #tpu.memory_space<hbm>> -> memref<64x128xf32, #tpu.memory_space<hbm>>
      tpu.enqueue_dma source(%arg11 : memref<64x128xf32, #tpu.memory_space<vmem>>) target(%dma_start3A_125 : memref<64x128xf32, #tpu.memory_space<hbm>>) target_semaphore(%run_scoped3A : memref<!tpu.dma_semaphore, #tpu.memory_space<semaphore_mem>>)
      %dma_wait3A = arith.constant 0 : i32
      %dma_wait3A_126 = tpu.memref_slice %arg5[%arg0, %add3A_77, %dma_wait3A] : memref<2x10240x128xf32, #tpu.memory_space<hbm>> -> memref<1x64x128xf32, #tpu.memory_space<hbm>>
      %dma_wait3A_127 = tpu.memref_squeeze %dma_wait3A_126 : memref<1x64x128xf32, #tpu.memory_space<hbm>> -> memref<64x128xf32, #tpu.memory_space<hbm>>
      %dma_wait3A_128 = arith.constant 0 : i32
      %dma_wait3A_129 = tpu.memref_slice %arg5[%arg0, %add3A_77, %dma_wait3A_128] : memref<2x10240x128xf32, #tpu.memory_space<hbm>> -> memref<1x64x128xf32, #tpu.memory_space<hbm>>
      %dma_wait3A_130 = tpu.memref_squeeze %dma_wait3A_129 : memref<1x64x128xf32, #tpu.memory_space<hbm>> -> memref<64x128xf32, #tpu.memory_space<hbm>>
      tpu.wait_dma2 semaphore(%run_scoped3A : memref<!tpu.dma_semaphore, #tpu.memory_space<semaphore_mem>>) src(%arg11 : memref<64x128xf32, #tpu.memory_space<vmem>>) dst(%dma_wait3A_130 : memref<64x128xf32, #tpu.memory_space<hbm>>)
      tpu.yield
    }) : () -> ()
    %mul3A_78 = arith.constant 640 : i32
    %mul3A_79 = arith.muli %arg1, %mul3A_78 : i32
    %add3A_80 = arith.constant 192 : i32
    %add3A_81 = arith.addi %mul3A_79, %add3A_80 : i32
    "tpu.region"() ({
      %run_scoped3A = tpu.sem_alloc : memref<!tpu.dma_semaphore, #tpu.memory_space<semaphore_mem>>
      %dma_start3A = arith.constant 0 : i32
      %dma_start3A_121 = tpu.memref_slice %arg12[%add3A_81, %dma_start3A] : memref<10240x128xf32, #tpu.memory_space<vmem_shared>> -> memref<64x128xf32, #tpu.memory_space<vmem_shared>>
      %dma_start3A_122 = arith.constant 0 : i32
      %dma_start3A_123 = tpu.memref_slice %arg12[%add3A_81, %dma_start3A_122] : memref<10240x128xf32, #tpu.memory_space<vmem_shared>> -> memref<64x128xf32, #tpu.memory_space<vmem_shared>>
      tpu.enqueue_dma source(%dma_start3A_123 : memref<64x128xf32, #tpu.memory_space<vmem_shared>>) target(%arg11 : memref<64x128xf32, #tpu.memory_space<vmem>>) target_semaphore(%run_scoped3A : memref<!tpu.dma_semaphore, #tpu.memory_space<semaphore_mem>>)
      %dma_wait3A = arith.constant 0 : i32
      %dma_wait3A_124 = tpu.memref_slice %arg12[%add3A_81, %dma_wait3A] : memref<10240x128xf32, #tpu.memory_space<vmem_shared>> -> memref<64x128xf32, #tpu.memory_space<vmem_shared>>
      %dma_wait3A_125 = arith.constant 0 : i32
      %dma_wait3A_126 = tpu.memref_slice %arg12[%add3A_81, %dma_wait3A_125] : memref<10240x128xf32, #tpu.memory_space<vmem_shared>> -> memref<64x128xf32, #tpu.memory_space<vmem_shared>>
      tpu.wait_dma2 semaphore(%run_scoped3A : memref<!tpu.dma_semaphore, #tpu.memory_space<semaphore_mem>>) src(%dma_wait3A_126 : memref<64x128xf32, #tpu.memory_space<vmem_shared>>) dst(%arg11 : memref<64x128xf32, #tpu.memory_space<vmem>>)
      tpu.yield
    }) : () -> ()
    %add3A_82 = arith.constant 0 : i32
    %add3A_83 = arith.addi %add3A_82, %add3A_81 : i32
    "tpu.region"() ({
      %run_scoped3A = tpu.sem_alloc : memref<!tpu.dma_semaphore, #tpu.memory_space<semaphore_mem>>
      %dma_start3A = arith.constant 0 : i32
      %dma_start3A_121 = tpu.memref_slice %arg5[%arg0, %add3A_83, %dma_start3A] : memref<2x10240x128xf32, #tpu.memory_space<hbm>> -> memref<1x64x128xf32, #tpu.memory_space<hbm>>
      %dma_start3A_122 = tpu.memref_squeeze %dma_start3A_121 : memref<1x64x128xf32, #tpu.memory_space<hbm>> -> memref<64x128xf32, #tpu.memory_space<hbm>>
      %dma_start3A_123 = arith.constant 0 : i32
      %dma_start3A_124 = tpu.memref_slice %arg5[%arg0, %add3A_83, %dma_start3A_123] : memref<2x10240x128xf32, #tpu.memory_space<hbm>> -> memref<1x64x128xf32, #tpu.memory_space<hbm>>
      %dma_start3A_125 = tpu.memref_squeeze %dma_start3A_124 : memref<1x64x128xf32, #tpu.memory_space<hbm>> -> memref<64x128xf32, #tpu.memory_space<hbm>>
      tpu.enqueue_dma source(%arg11 : memref<64x128xf32, #tpu.memory_space<vmem>>) target(%dma_start3A_125 : memref<64x128xf32, #tpu.memory_space<hbm>>) target_semaphore(%run_scoped3A : memref<!tpu.dma_semaphore, #tpu.memory_space<semaphore_mem>>)
      %dma_wait3A = arith.constant 0 : i32
      %dma_wait3A_126 = tpu.memref_slice %arg5[%arg0, %add3A_83, %dma_wait3A] : memref<2x10240x128xf32, #tpu.memory_space<hbm>> -> memref<1x64x128xf32, #tpu.memory_space<hbm>>
      %dma_wait3A_127 = tpu.memref_squeeze %dma_wait3A_126 : memref<1x64x128xf32, #tpu.memory_space<hbm>> -> memref<64x128xf32, #tpu.memory_space<hbm>>
      %dma_wait3A_128 = arith.constant 0 : i32
      %dma_wait3A_129 = tpu.memref_slice %arg5[%arg0, %add3A_83, %dma_wait3A_128] : memref<2x10240x128xf32, #tpu.memory_space<hbm>> -> memref<1x64x128xf32, #tpu.memory_space<hbm>>
      %dma_wait3A_130 = tpu.memref_squeeze %dma_wait3A_129 : memref<1x64x128xf32, #tpu.memory_space<hbm>> -> memref<64x128xf32, #tpu.memory_space<hbm>>
      tpu.wait_dma2 semaphore(%run_scoped3A : memref<!tpu.dma_semaphore, #tpu.memory_space<semaphore_mem>>) src(%arg11 : memref<64x128xf32, #tpu.memory_space<vmem>>) dst(%dma_wait3A_130 : memref<64x128xf32, #tpu.memory_space<hbm>>)
      tpu.yield
    }) : () -> ()
    %mul3A_84 = arith.constant 640 : i32
    %mul3A_85 = arith.muli %arg1, %mul3A_84 : i32
    %add3A_86 = arith.constant 256 : i32
    %add3A_87 = arith.addi %mul3A_85, %add3A_86 : i32
    "tpu.region"() ({
      %run_scoped3A = tpu.sem_alloc : memref<!tpu.dma_semaphore, #tpu.memory_space<semaphore_mem>>
      %dma_start3A = arith.constant 0 : i32
      %dma_start3A_121 = tpu.memref_slice %arg12[%add3A_87, %dma_start3A] : memref<10240x128xf32, #tpu.memory_space<vmem_shared>> -> memref<64x128xf32, #tpu.memory_space<vmem_shared>>
      %dma_start3A_122 = arith.constant 0 : i32
      %dma_start3A_123 = tpu.memref_slice %arg12[%add3A_87, %dma_start3A_122] : memref<10240x128xf32, #tpu.memory_space<vmem_shared>> -> memref<64x128xf32, #tpu.memory_space<vmem_shared>>
      tpu.enqueue_dma source(%dma_start3A_123 : memref<64x128xf32, #tpu.memory_space<vmem_shared>>) target(%arg11 : memref<64x128xf32, #tpu.memory_space<vmem>>) target_semaphore(%run_scoped3A : memref<!tpu.dma_semaphore, #tpu.memory_space<semaphore_mem>>)
      %dma_wait3A = arith.constant 0 : i32
      %dma_wait3A_124 = tpu.memref_slice %arg12[%add3A_87, %dma_wait3A] : memref<10240x128xf32, #tpu.memory_space<vmem_shared>> -> memref<64x128xf32, #tpu.memory_space<vmem_shared>>
      %dma_wait3A_125 = arith.constant 0 : i32
      %dma_wait3A_126 = tpu.memref_slice %arg12[%add3A_87, %dma_wait3A_125] : memref<10240x128xf32, #tpu.memory_space<vmem_shared>> -> memref<64x128xf32, #tpu.memory_space<vmem_shared>>
      tpu.wait_dma2 semaphore(%run_scoped3A : memref<!tpu.dma_semaphore, #tpu.memory_space<semaphore_mem>>) src(%dma_wait3A_126 : memref<64x128xf32, #tpu.memory_space<vmem_shared>>) dst(%arg11 : memref<64x128xf32, #tpu.memory_space<vmem>>)
      tpu.yield
    }) : () -> ()
    %add3A_88 = arith.constant 0 : i32
    %add3A_89 = arith.addi %add3A_88, %add3A_87 : i32
    "tpu.region"() ({
      %run_scoped3A = tpu.sem_alloc : memref<!tpu.dma_semaphore, #tpu.memory_space<semaphore_mem>>
      %dma_start3A = arith.constant 0 : i32
      %dma_start3A_121 = tpu.memref_slice %arg5[%arg0, %add3A_89, %dma_start3A] : memref<2x10240x128xf32, #tpu.memory_space<hbm>> -> memref<1x64x128xf32, #tpu.memory_space<hbm>>
      %dma_start3A_122 = tpu.memref_squeeze %dma_start3A_121 : memref<1x64x128xf32, #tpu.memory_space<hbm>> -> memref<64x128xf32, #tpu.memory_space<hbm>>
      %dma_start3A_123 = arith.constant 0 : i32
      %dma_start3A_124 = tpu.memref_slice %arg5[%arg0, %add3A_89, %dma_start3A_123] : memref<2x10240x128xf32, #tpu.memory_space<hbm>> -> memref<1x64x128xf32, #tpu.memory_space<hbm>>
      %dma_start3A_125 = tpu.memref_squeeze %dma_start3A_124 : memref<1x64x128xf32, #tpu.memory_space<hbm>> -> memref<64x128xf32, #tpu.memory_space<hbm>>
      tpu.enqueue_dma source(%arg11 : memref<64x128xf32, #tpu.memory_space<vmem>>) target(%dma_start3A_125 : memref<64x128xf32, #tpu.memory_space<hbm>>) target_semaphore(%run_scoped3A : memref<!tpu.dma_semaphore, #tpu.memory_space<semaphore_mem>>)
      %dma_wait3A = arith.constant 0 : i32
      %dma_wait3A_126 = tpu.memref_slice %arg5[%arg0, %add3A_89, %dma_wait3A] : memref<2x10240x128xf32, #tpu.memory_space<hbm>> -> memref<1x64x128xf32, #tpu.memory_space<hbm>>
      %dma_wait3A_127 = tpu.memref_squeeze %dma_wait3A_126 : memref<1x64x128xf32, #tpu.memory_space<hbm>> -> memref<64x128xf32, #tpu.memory_space<hbm>>
      %dma_wait3A_128 = arith.constant 0 : i32
      %dma_wait3A_129 = tpu.memref_slice %arg5[%arg0, %add3A_89, %dma_wait3A_128] : memref<2x10240x128xf32, #tpu.memory_space<hbm>> -> memref<1x64x128xf32, #tpu.memory_space<hbm>>
      %dma_wait3A_130 = tpu.memref_squeeze %dma_wait3A_129 : memref<1x64x128xf32, #tpu.memory_space<hbm>> -> memref<64x128xf32, #tpu.memory_space<hbm>>
      tpu.wait_dma2 semaphore(%run_scoped3A : memref<!tpu.dma_semaphore, #tpu.memory_space<semaphore_mem>>) src(%arg11 : memref<64x128xf32, #tpu.memory_space<vmem>>) dst(%dma_wait3A_130 : memref<64x128xf32, #tpu.memory_space<hbm>>)
      tpu.yield
    }) : () -> ()
    %mul3A_90 = arith.constant 640 : i32
    %mul3A_91 = arith.muli %arg1, %mul3A_90 : i32
    %add3A_92 = arith.constant 320 : i32
    %add3A_93 = arith.addi %mul3A_91, %add3A_92 : i32
    "tpu.region"() ({
      %run_scoped3A = tpu.sem_alloc : memref<!tpu.dma_semaphore, #tpu.memory_space<semaphore_mem>>
      %dma_start3A = arith.constant 0 : i32
      %dma_start3A_121 = tpu.memref_slice %arg12[%add3A_93, %dma_start3A] : memref<10240x128xf32, #tpu.memory_space<vmem_shared>> -> memref<64x128xf32, #tpu.memory_space<vmem_shared>>
      %dma_start3A_122 = arith.constant 0 : i32
      %dma_start3A_123 = tpu.memref_slice %arg12[%add3A_93, %dma_start3A_122] : memref<10240x128xf32, #tpu.memory_space<vmem_shared>> -> memref<64x128xf32, #tpu.memory_space<vmem_shared>>
      tpu.enqueue_dma source(%dma_start3A_123 : memref<64x128xf32, #tpu.memory_space<vmem_shared>>) target(%arg11 : memref<64x128xf32, #tpu.memory_space<vmem>>) target_semaphore(%run_scoped3A : memref<!tpu.dma_semaphore, #tpu.memory_space<semaphore_mem>>)
      %dma_wait3A = arith.constant 0 : i32
      %dma_wait3A_124 = tpu.memref_slice %arg12[%add3A_93, %dma_wait3A] : memref<10240x128xf32, #tpu.memory_space<vmem_shared>> -> memref<64x128xf32, #tpu.memory_space<vmem_shared>>
      %dma_wait3A_125 = arith.constant 0 : i32
      %dma_wait3A_126 = tpu.memref_slice %arg12[%add3A_93, %dma_wait3A_125] : memref<10240x128xf32, #tpu.memory_space<vmem_shared>> -> memref<64x128xf32, #tpu.memory_space<vmem_shared>>
      tpu.wait_dma2 semaphore(%run_scoped3A : memref<!tpu.dma_semaphore, #tpu.memory_space<semaphore_mem>>) src(%dma_wait3A_126 : memref<64x128xf32, #tpu.memory_space<vmem_shared>>) dst(%arg11 : memref<64x128xf32, #tpu.memory_space<vmem>>)
      tpu.yield
    }) : () -> ()
    %add3A_94 = arith.constant 0 : i32
    %add3A_95 = arith.addi %add3A_94, %add3A_93 : i32
    "tpu.region"() ({
      %run_scoped3A = tpu.sem_alloc : memref<!tpu.dma_semaphore, #tpu.memory_space<semaphore_mem>>
      %dma_start3A = arith.constant 0 : i32
      %dma_start3A_121 = tpu.memref_slice %arg5[%arg0, %add3A_95, %dma_start3A] : memref<2x10240x128xf32, #tpu.memory_space<hbm>> -> memref<1x64x128xf32, #tpu.memory_space<hbm>>
      %dma_start3A_122 = tpu.memref_squeeze %dma_start3A_121 : memref<1x64x128xf32, #tpu.memory_space<hbm>> -> memref<64x128xf32, #tpu.memory_space<hbm>>
      %dma_start3A_123 = arith.constant 0 : i32
      %dma_start3A_124 = tpu.memref_slice %arg5[%arg0, %add3A_95, %dma_start3A_123] : memref<2x10240x128xf32, #tpu.memory_space<hbm>> -> memref<1x64x128xf32, #tpu.memory_space<hbm>>
      %dma_start3A_125 = tpu.memref_squeeze %dma_start3A_124 : memref<1x64x128xf32, #tpu.memory_space<hbm>> -> memref<64x128xf32, #tpu.memory_space<hbm>>
      tpu.enqueue_dma source(%arg11 : memref<64x128xf32, #tpu.memory_space<vmem>>) target(%dma_start3A_125 : memref<64x128xf32, #tpu.memory_space<hbm>>) target_semaphore(%run_scoped3A : memref<!tpu.dma_semaphore, #tpu.memory_space<semaphore_mem>>)
      %dma_wait3A = arith.constant 0 : i32
      %dma_wait3A_126 = tpu.memref_slice %arg5[%arg0, %add3A_95, %dma_wait3A] : memref<2x10240x128xf32, #tpu.memory_space<hbm>> -> memref<1x64x128xf32, #tpu.memory_space<hbm>>
      %dma_wait3A_127 = tpu.memref_squeeze %dma_wait3A_126 : memref<1x64x128xf32, #tpu.memory_space<hbm>> -> memref<64x128xf32, #tpu.memory_space<hbm>>
      %dma_wait3A_128 = arith.constant 0 : i32
      %dma_wait3A_129 = tpu.memref_slice %arg5[%arg0, %add3A_95, %dma_wait3A_128] : memref<2x10240x128xf32, #tpu.memory_space<hbm>> -> memref<1x64x128xf32, #tpu.memory_space<hbm>>
      %dma_wait3A_130 = tpu.memref_squeeze %dma_wait3A_129 : memref<1x64x128xf32, #tpu.memory_space<hbm>> -> memref<64x128xf32, #tpu.memory_space<hbm>>
      tpu.wait_dma2 semaphore(%run_scoped3A : memref<!tpu.dma_semaphore, #tpu.memory_space<semaphore_mem>>) src(%arg11 : memref<64x128xf32, #tpu.memory_space<vmem>>) dst(%dma_wait3A_130 : memref<64x128xf32, #tpu.memory_space<hbm>>)
      tpu.yield
    }) : () -> ()
    %mul3A_96 = arith.constant 640 : i32
    %mul3A_97 = arith.muli %arg1, %mul3A_96 : i32
    %add3A_98 = arith.constant 384 : i32
    %add3A_99 = arith.addi %mul3A_97, %add3A_98 : i32
    "tpu.region"() ({
      %run_scoped3A = tpu.sem_alloc : memref<!tpu.dma_semaphore, #tpu.memory_space<semaphore_mem>>
      %dma_start3A = arith.constant 0 : i32
      %dma_start3A_121 = tpu.memref_slice %arg12[%add3A_99, %dma_start3A] : memref<10240x128xf32, #tpu.memory_space<vmem_shared>> -> memref<64x128xf32, #tpu.memory_space<vmem_shared>>
      %dma_start3A_122 = arith.constant 0 : i32
      %dma_start3A_123 = tpu.memref_slice %arg12[%add3A_99, %dma_start3A_122] : memref<10240x128xf32, #tpu.memory_space<vmem_shared>> -> memref<64x128xf32, #tpu.memory_space<vmem_shared>>
      tpu.enqueue_dma source(%dma_start3A_123 : memref<64x128xf32, #tpu.memory_space<vmem_shared>>) target(%arg11 : memref<64x128xf32, #tpu.memory_space<vmem>>) target_semaphore(%run_scoped3A : memref<!tpu.dma_semaphore, #tpu.memory_space<semaphore_mem>>)
      %dma_wait3A = arith.constant 0 : i32
      %dma_wait3A_124 = tpu.memref_slice %arg12[%add3A_99, %dma_wait3A] : memref<10240x128xf32, #tpu.memory_space<vmem_shared>> -> memref<64x128xf32, #tpu.memory_space<vmem_shared>>
      %dma_wait3A_125 = arith.constant 0 : i32
      %dma_wait3A_126 = tpu.memref_slice %arg12[%add3A_99, %dma_wait3A_125] : memref<10240x128xf32, #tpu.memory_space<vmem_shared>> -> memref<64x128xf32, #tpu.memory_space<vmem_shared>>
      tpu.wait_dma2 semaphore(%run_scoped3A : memref<!tpu.dma_semaphore, #tpu.memory_space<semaphore_mem>>) src(%dma_wait3A_126 : memref<64x128xf32, #tpu.memory_space<vmem_shared>>) dst(%arg11 : memref<64x128xf32, #tpu.memory_space<vmem>>)
      tpu.yield
    }) : () -> ()
    %add3A_100 = arith.constant 0 : i32
    %add3A_101 = arith.addi %add3A_100, %add3A_99 : i32
    "tpu.region"() ({
      %run_scoped3A = tpu.sem_alloc : memref<!tpu.dma_semaphore, #tpu.memory_space<semaphore_mem>>
      %dma_start3A = arith.constant 0 : i32
      %dma_start3A_121 = tpu.memref_slice %arg5[%arg0, %add3A_101, %dma_start3A] : memref<2x10240x128xf32, #tpu.memory_space<hbm>> -> memref<1x64x128xf32, #tpu.memory_space<hbm>>
      %dma_start3A_122 = tpu.memref_squeeze %dma_start3A_121 : memref<1x64x128xf32, #tpu.memory_space<hbm>> -> memref<64x128xf32, #tpu.memory_space<hbm>>
      %dma_start3A_123 = arith.constant 0 : i32
      %dma_start3A_124 = tpu.memref_slice %arg5[%arg0, %add3A_101, %dma_start3A_123] : memref<2x10240x128xf32, #tpu.memory_space<hbm>> -> memref<1x64x128xf32, #tpu.memory_space<hbm>>
      %dma_start3A_125 = tpu.memref_squeeze %dma_start3A_124 : memref<1x64x128xf32, #tpu.memory_space<hbm>> -> memref<64x128xf32, #tpu.memory_space<hbm>>
      tpu.enqueue_dma source(%arg11 : memref<64x128xf32, #tpu.memory_space<vmem>>) target(%dma_start3A_125 : memref<64x128xf32, #tpu.memory_space<hbm>>) target_semaphore(%run_scoped3A : memref<!tpu.dma_semaphore, #tpu.memory_space<semaphore_mem>>)
      %dma_wait3A = arith.constant 0 : i32
      %dma_wait3A_126 = tpu.memref_slice %arg5[%arg0, %add3A_101, %dma_wait3A] : memref<2x10240x128xf32, #tpu.memory_space<hbm>> -> memref<1x64x128xf32, #tpu.memory_space<hbm>>
      %dma_wait3A_127 = tpu.memref_squeeze %dma_wait3A_126 : memref<1x64x128xf32, #tpu.memory_space<hbm>> -> memref<64x128xf32, #tpu.memory_space<hbm>>
      %dma_wait3A_128 = arith.constant 0 : i32
      %dma_wait3A_129 = tpu.memref_slice %arg5[%arg0, %add3A_101, %dma_wait3A_128] : memref<2x10240x128xf32, #tpu.memory_space<hbm>> -> memref<1x64x128xf32, #tpu.memory_space<hbm>>
      %dma_wait3A_130 = tpu.memref_squeeze %dma_wait3A_129 : memref<1x64x128xf32, #tpu.memory_space<hbm>> -> memref<64x128xf32, #tpu.memory_space<hbm>>
      tpu.wait_dma2 semaphore(%run_scoped3A : memref<!tpu.dma_semaphore, #tpu.memory_space<semaphore_mem>>) src(%arg11 : memref<64x128xf32, #tpu.memory_space<vmem>>) dst(%dma_wait3A_130 : memref<64x128xf32, #tpu.memory_space<hbm>>)
      tpu.yield
    }) : () -> ()
    %mul3A_102 = arith.constant 640 : i32
    %mul3A_103 = arith.muli %arg1, %mul3A_102 : i32
    %add3A_104 = arith.constant 448 : i32
    %add3A_105 = arith.addi %mul3A_103, %add3A_104 : i32
    "tpu.region"() ({
      %run_scoped3A = tpu.sem_alloc : memref<!tpu.dma_semaphore, #tpu.memory_space<semaphore_mem>>
      %dma_start3A = arith.constant 0 : i32
      %dma_start3A_121 = tpu.memref_slice %arg12[%add3A_105, %dma_start3A] : memref<10240x128xf32, #tpu.memory_space<vmem_shared>> -> memref<64x128xf32, #tpu.memory_space<vmem_shared>>
      %dma_start3A_122 = arith.constant 0 : i32
      %dma_start3A_123 = tpu.memref_slice %arg12[%add3A_105, %dma_start3A_122] : memref<10240x128xf32, #tpu.memory_space<vmem_shared>> -> memref<64x128xf32, #tpu.memory_space<vmem_shared>>
      tpu.enqueue_dma source(%dma_start3A_123 : memref<64x128xf32, #tpu.memory_space<vmem_shared>>) target(%arg11 : memref<64x128xf32, #tpu.memory_space<vmem>>) target_semaphore(%run_scoped3A : memref<!tpu.dma_semaphore, #tpu.memory_space<semaphore_mem>>)
      %dma_wait3A = arith.constant 0 : i32
      %dma_wait3A_124 = tpu.memref_slice %arg12[%add3A_105, %dma_wait3A] : memref<10240x128xf32, #tpu.memory_space<vmem_shared>> -> memref<64x128xf32, #tpu.memory_space<vmem_shared>>
      %dma_wait3A_125 = arith.constant 0 : i32
      %dma_wait3A_126 = tpu.memref_slice %arg12[%add3A_105, %dma_wait3A_125] : memref<10240x128xf32, #tpu.memory_space<vmem_shared>> -> memref<64x128xf32, #tpu.memory_space<vmem_shared>>
      tpu.wait_dma2 semaphore(%run_scoped3A : memref<!tpu.dma_semaphore, #tpu.memory_space<semaphore_mem>>) src(%dma_wait3A_126 : memref<64x128xf32, #tpu.memory_space<vmem_shared>>) dst(%arg11 : memref<64x128xf32, #tpu.memory_space<vmem>>)
      tpu.yield
    }) : () -> ()
    %add3A_106 = arith.constant 0 : i32
    %add3A_107 = arith.addi %add3A_106, %add3A_105 : i32
    "tpu.region"() ({
      %run_scoped3A = tpu.sem_alloc : memref<!tpu.dma_semaphore, #tpu.memory_space<semaphore_mem>>
      %dma_start3A = arith.constant 0 : i32
      %dma_start3A_121 = tpu.memref_slice %arg5[%arg0, %add3A_107, %dma_start3A] : memref<2x10240x128xf32, #tpu.memory_space<hbm>> -> memref<1x64x128xf32, #tpu.memory_space<hbm>>
      %dma_start3A_122 = tpu.memref_squeeze %dma_start3A_121 : memref<1x64x128xf32, #tpu.memory_space<hbm>> -> memref<64x128xf32, #tpu.memory_space<hbm>>
      %dma_start3A_123 = arith.constant 0 : i32
      %dma_start3A_124 = tpu.memref_slice %arg5[%arg0, %add3A_107, %dma_start3A_123] : memref<2x10240x128xf32, #tpu.memory_space<hbm>> -> memref<1x64x128xf32, #tpu.memory_space<hbm>>
      %dma_start3A_125 = tpu.memref_squeeze %dma_start3A_124 : memref<1x64x128xf32, #tpu.memory_space<hbm>> -> memref<64x128xf32, #tpu.memory_space<hbm>>
      tpu.enqueue_dma source(%arg11 : memref<64x128xf32, #tpu.memory_space<vmem>>) target(%dma_start3A_125 : memref<64x128xf32, #tpu.memory_space<hbm>>) target_semaphore(%run_scoped3A : memref<!tpu.dma_semaphore, #tpu.memory_space<semaphore_mem>>)
      %dma_wait3A = arith.constant 0 : i32
      %dma_wait3A_126 = tpu.memref_slice %arg5[%arg0, %add3A_107, %dma_wait3A] : memref<2x10240x128xf32, #tpu.memory_space<hbm>> -> memref<1x64x128xf32, #tpu.memory_space<hbm>>
      %dma_wait3A_127 = tpu.memref_squeeze %dma_wait3A_126 : memref<1x64x128xf32, #tpu.memory_space<hbm>> -> memref<64x128xf32, #tpu.memory_space<hbm>>
      %dma_wait3A_128 = arith.constant 0 : i32
      %dma_wait3A_129 = tpu.memref_slice %arg5[%arg0, %add3A_107, %dma_wait3A_128] : memref<2x10240x128xf32, #tpu.memory_space<hbm>> -> memref<1x64x128xf32, #tpu.memory_space<hbm>>
      %dma_wait3A_130 = tpu.memref_squeeze %dma_wait3A_129 : memref<1x64x128xf32, #tpu.memory_space<hbm>> -> memref<64x128xf32, #tpu.memory_space<hbm>>
      tpu.wait_dma2 semaphore(%run_scoped3A : memref<!tpu.dma_semaphore, #tpu.memory_space<semaphore_mem>>) src(%arg11 : memref<64x128xf32, #tpu.memory_space<vmem>>) dst(%dma_wait3A_130 : memref<64x128xf32, #tpu.memory_space<hbm>>)
      tpu.yield
    }) : () -> ()
    %mul3A_108 = arith.constant 640 : i32
    %mul3A_109 = arith.muli %arg1, %mul3A_108 : i32
    %add3A_110 = arith.constant 512 : i32
    %add3A_111 = arith.addi %mul3A_109, %add3A_110 : i32
    "tpu.region"() ({
      %run_scoped3A = tpu.sem_alloc : memref<!tpu.dma_semaphore, #tpu.memory_space<semaphore_mem>>
      %dma_start3A = arith.constant 0 : i32
      %dma_start3A_121 = tpu.memref_slice %arg12[%add3A_111, %dma_start3A] : memref<10240x128xf32, #tpu.memory_space<vmem_shared>> -> memref<64x128xf32, #tpu.memory_space<vmem_shared>>
      %dma_start3A_122 = arith.constant 0 : i32
      %dma_start3A_123 = tpu.memref_slice %arg12[%add3A_111, %dma_start3A_122] : memref<10240x128xf32, #tpu.memory_space<vmem_shared>> -> memref<64x128xf32, #tpu.memory_space<vmem_shared>>
      tpu.enqueue_dma source(%dma_start3A_123 : memref<64x128xf32, #tpu.memory_space<vmem_shared>>) target(%arg11 : memref<64x128xf32, #tpu.memory_space<vmem>>) target_semaphore(%run_scoped3A : memref<!tpu.dma_semaphore, #tpu.memory_space<semaphore_mem>>)
      %dma_wait3A = arith.constant 0 : i32
      %dma_wait3A_124 = tpu.memref_slice %arg12[%add3A_111, %dma_wait3A] : memref<10240x128xf32, #tpu.memory_space<vmem_shared>> -> memref<64x128xf32, #tpu.memory_space<vmem_shared>>
      %dma_wait3A_125 = arith.constant 0 : i32
      %dma_wait3A_126 = tpu.memref_slice %arg12[%add3A_111, %dma_wait3A_125] : memref<10240x128xf32, #tpu.memory_space<vmem_shared>> -> memref<64x128xf32, #tpu.memory_space<vmem_shared>>
      tpu.wait_dma2 semaphore(%run_scoped3A : memref<!tpu.dma_semaphore, #tpu.memory_space<semaphore_mem>>) src(%dma_wait3A_126 : memref<64x128xf32, #tpu.memory_space<vmem_shared>>) dst(%arg11 : memref<64x128xf32, #tpu.memory_space<vmem>>)
      tpu.yield
    }) : () -> ()
    %add3A_112 = arith.constant 0 : i32
    %add3A_113 = arith.addi %add3A_112, %add3A_111 : i32
    "tpu.region"() ({
      %run_scoped3A = tpu.sem_alloc : memref<!tpu.dma_semaphore, #tpu.memory_space<semaphore_mem>>
      %dma_start3A = arith.constant 0 : i32
      %dma_start3A_121 = tpu.memref_slice %arg5[%arg0, %add3A_113, %dma_start3A] : memref<2x10240x128xf32, #tpu.memory_space<hbm>> -> memref<1x64x128xf32, #tpu.memory_space<hbm>>
      %dma_start3A_122 = tpu.memref_squeeze %dma_start3A_121 : memref<1x64x128xf32, #tpu.memory_space<hbm>> -> memref<64x128xf32, #tpu.memory_space<hbm>>
      %dma_start3A_123 = arith.constant 0 : i32
      %dma_start3A_124 = tpu.memref_slice %arg5[%arg0, %add3A_113, %dma_start3A_123] : memref<2x10240x128xf32, #tpu.memory_space<hbm>> -> memref<1x64x128xf32, #tpu.memory_space<hbm>>
      %dma_start3A_125 = tpu.memref_squeeze %dma_start3A_124 : memref<1x64x128xf32, #tpu.memory_space<hbm>> -> memref<64x128xf32, #tpu.memory_space<hbm>>
      tpu.enqueue_dma source(%arg11 : memref<64x128xf32, #tpu.memory_space<vmem>>) target(%dma_start3A_125 : memref<64x128xf32, #tpu.memory_space<hbm>>) target_semaphore(%run_scoped3A : memref<!tpu.dma_semaphore, #tpu.memory_space<semaphore_mem>>)
      %dma_wait3A = arith.constant 0 : i32
      %dma_wait3A_126 = tpu.memref_slice %arg5[%arg0, %add3A_113, %dma_wait3A] : memref<2x10240x128xf32, #tpu.memory_space<hbm>> -> memref<1x64x128xf32, #tpu.memory_space<hbm>>
      %dma_wait3A_127 = tpu.memref_squeeze %dma_wait3A_126 : memref<1x64x128xf32, #tpu.memory_space<hbm>> -> memref<64x128xf32, #tpu.memory_space<hbm>>
      %dma_wait3A_128 = arith.constant 0 : i32
      %dma_wait3A_129 = tpu.memref_slice %arg5[%arg0, %add3A_113, %dma_wait3A_128] : memref<2x10240x128xf32, #tpu.memory_space<hbm>> -> memref<1x64x128xf32, #tpu.memory_space<hbm>>
      %dma_wait3A_130 = tpu.memref_squeeze %dma_wait3A_129 : memref<1x64x128xf32, #tpu.memory_space<hbm>> -> memref<64x128xf32, #tpu.memory_space<hbm>>
      tpu.wait_dma2 semaphore(%run_scoped3A : memref<!tpu.dma_semaphore, #tpu.memory_space<semaphore_mem>>) src(%arg11 : memref<64x128xf32, #tpu.memory_space<vmem>>) dst(%dma_wait3A_130 : memref<64x128xf32, #tpu.memory_space<hbm>>)
      tpu.yield
    }) : () -> ()
    %mul3A_114 = arith.constant 640 : i32
    %mul3A_115 = arith.muli %arg1, %mul3A_114 : i32
    %add3A_116 = arith.constant 576 : i32
    %add3A_117 = arith.addi %mul3A_115, %add3A_116 : i32
    "tpu.region"() ({
      %run_scoped3A = tpu.sem_alloc : memref<!tpu.dma_semaphore, #tpu.memory_space<semaphore_mem>>
      %dma_start3A = arith.constant 0 : i32
      %dma_start3A_121 = tpu.memref_slice %arg12[%add3A_117, %dma_start3A] : memref<10240x128xf32, #tpu.memory_space<vmem_shared>> -> memref<64x128xf32, #tpu.memory_space<vmem_shared>>
      %dma_start3A_122 = arith.constant 0 : i32
      %dma_start3A_123 = tpu.memref_slice %arg12[%add3A_117, %dma_start3A_122] : memref<10240x128xf32, #tpu.memory_space<vmem_shared>> -> memref<64x128xf32, #tpu.memory_space<vmem_shared>>
      tpu.enqueue_dma source(%dma_start3A_123 : memref<64x128xf32, #tpu.memory_space<vmem_shared>>) target(%arg11 : memref<64x128xf32, #tpu.memory_space<vmem>>) target_semaphore(%run_scoped3A : memref<!tpu.dma_semaphore, #tpu.memory_space<semaphore_mem>>)
      %dma_wait3A = arith.constant 0 : i32
      %dma_wait3A_124 = tpu.memref_slice %arg12[%add3A_117, %dma_wait3A] : memref<10240x128xf32, #tpu.memory_space<vmem_shared>> -> memref<64x128xf32, #tpu.memory_space<vmem_shared>>
      %dma_wait3A_125 = arith.constant 0 : i32
      %dma_wait3A_126 = tpu.memref_slice %arg12[%add3A_117, %dma_wait3A_125] : memref<10240x128xf32, #tpu.memory_space<vmem_shared>> -> memref<64x128xf32, #tpu.memory_space<vmem_shared>>
      tpu.wait_dma2 semaphore(%run_scoped3A : memref<!tpu.dma_semaphore, #tpu.memory_space<semaphore_mem>>) src(%dma_wait3A_126 : memref<64x128xf32, #tpu.memory_space<vmem_shared>>) dst(%arg11 : memref<64x128xf32, #tpu.memory_space<vmem>>)
      tpu.yield
    }) : () -> ()
    %add3A_118 = arith.constant 0 : i32
    %add3A_119 = arith.addi %add3A_118, %add3A_117 : i32
    "tpu.region"() ({
      %run_scoped3A = tpu.sem_alloc : memref<!tpu.dma_semaphore, #tpu.memory_space<semaphore_mem>>
      %dma_start3A = arith.constant 0 : i32
      %dma_start3A_121 = tpu.memref_slice %arg5[%arg0, %add3A_119, %dma_start3A] : memref<2x10240x128xf32, #tpu.memory_space<hbm>> -> memref<1x64x128xf32, #tpu.memory_space<hbm>>
      %dma_start3A_122 = tpu.memref_squeeze %dma_start3A_121 : memref<1x64x128xf32, #tpu.memory_space<hbm>> -> memref<64x128xf32, #tpu.memory_space<hbm>>
      %dma_start3A_123 = arith.constant 0 : i32
      %dma_start3A_124 = tpu.memref_slice %arg5[%arg0, %add3A_119, %dma_start3A_123] : memref<2x10240x128xf32, #tpu.memory_space<hbm>> -> memref<1x64x128xf32, #tpu.memory_space<hbm>>
      %dma_start3A_125 = tpu.memref_squeeze %dma_start3A_124 : memref<1x64x128xf32, #tpu.memory_space<hbm>> -> memref<64x128xf32, #tpu.memory_space<hbm>>
      tpu.enqueue_dma source(%arg11 : memref<64x128xf32, #tpu.memory_space<vmem>>) target(%dma_start3A_125 : memref<64x128xf32, #tpu.memory_space<hbm>>) target_semaphore(%run_scoped3A : memref<!tpu.dma_semaphore, #tpu.memory_space<semaphore_mem>>)
      %dma_wait3A = arith.constant 0 : i32
      %dma_wait3A_126 = tpu.memref_slice %arg5[%arg0, %add3A_119, %dma_wait3A] : memref<2x10240x128xf32, #tpu.memory_space<hbm>> -> memref<1x64x128xf32, #tpu.memory_space<hbm>>
      %dma_wait3A_127 = tpu.memref_squeeze %dma_wait3A_126 : memref<1x64x128xf32, #tpu.memory_space<hbm>> -> memref<64x128xf32, #tpu.memory_space<hbm>>
      %dma_wait3A_128 = arith.constant 0 : i32
      %dma_wait3A_129 = tpu.memref_slice %arg5[%arg0, %add3A_119, %dma_wait3A_128] : memref<2x10240x128xf32, #tpu.memory_space<hbm>> -> memref<1x64x128xf32, #tpu.memory_space<hbm>>
      %dma_wait3A_130 = tpu.memref_squeeze %dma_wait3A_129 : memref<1x64x128xf32, #tpu.memory_space<hbm>> -> memref<64x128xf32, #tpu.memory_space<hbm>>
      tpu.wait_dma2 semaphore(%run_scoped3A : memref<!tpu.dma_semaphore, #tpu.memory_space<semaphore_mem>>) src(%arg11 : memref<64x128xf32, #tpu.memory_space<vmem>>) dst(%dma_wait3A_130 : memref<64x128xf32, #tpu.memory_space<hbm>>)
      tpu.yield
    }) : () -> ()
    %barrier3A_120 = arith.constant 0 : index
    tpu.barrier barrier_id(%barrier3A_120)
    return
  }
}

#map = affine_map<(d0, d1) -> (0, 0)>
#map1 = affine_map<(d0, d1) -> (0)>
#map2 = affine_map<(d0, d1) -> (0, 0, 0)>
module attributes {stable_mosaic.version = 14 : i64} {
  func.func @k(%arg0: i32, %arg1: i32, %arg2: memref<10000x128xf32, #tpu.memory_space<hbm>>, %arg3: memref<320000xi32, #tpu.memory_space<hbm>>, %arg4: memref<320000xi32, #tpu.memory_space<hbm>>, %arg5: memref<2x10240x128xf32, #tpu.memory_space<hbm>>, %arg6: memref<2x10240x128xf32, #tpu.memory_space<hbm>>, %arg7: memref<80xi32, #tpu.memory_space<vmem>>, %arg8: memref<80xi32, #tpu.memory_space<vmem>>, %arg9: memref<80xi32, #tpu.memory_space<vmem>>, %arg10: memref<80x128xf32, #tpu.memory_space<vmem>>, %arg11: memref<80x128xf32, #tpu.memory_space<vmem>>, %arg12: memref<64x128xf32, #tpu.memory_space<vmem>>, %arg13: memref<10240x128xf32, #tpu.memory_space<vmem_shared>>, %arg14: memref<!tpu.dma_semaphore, #tpu.memory_space<semaphore_mem>>) attributes {dimension_semantics = [#tpu.dimension_semantics<core_parallel>, #tpu.dimension_semantics<subcore_parallel>], iteration_bounds = array<i64: 2, 16>, scalar_prefetch = 0 : i64, scratch_operands = 8 : i64, tpu.core_type = #tpu.core_type<sc_vector_subcore>, window_params = [{transform_indices = #map}, {transform_indices = #map1}, {transform_indices = #map1}, {transform_indices = #map2}, {transform_indices = #map2}]} {
    %mul3A = arith.constant 2 : i32
    %mul3A_0 = arith.muli %arg1, %mul3A : i32
    %add3A = arith.addi %mul3A_0, %arg0 : i32
    %mul3A_1 = arith.constant 10000 : i32
    %mul3A_2 = arith.muli %add3A, %mul3A_1 : i32
    %broadcast_in_dim3A = arith.constant 1.000000e+00 : f32
    %broadcast_in_dim3A_3 = vector.broadcast %broadcast_in_dim3A : f32 to vector<16xf32>
    %broadcast_in_dim3A_4 = arith.constant 0.000000e+00 : f32
    %broadcast_in_dim3A_5 = vector.broadcast %broadcast_in_dim3A_4 : f32 to vector<16xf32>
    %scan3A = arith.constant 0 : i32
    %scan3A_6 = arith.constant 0 : i32
    %scan3A_7 = arith.constant 80 : i32
    %scan3A_8 = arith.addi %scan3A_6, %scan3A_7 : i32
    %scan3A_9 = arith.constant 1 : i32
    %scan3A_10 = scf.for %scan3A_245 = %scan3A_6 to %scan3A_8 step %scan3A_9 iter_args(%scan3A_246 = %scan3A) -> (i32)  : i32 {
      %swap3A = arith.index_cast %scan3A_245 : i32 to index
      %swap3A_247 = arith.constant 0 : index
      %swap3A_248 = tpu.vector_load %arg11[%swap3A, %swap3A_247] {strides = array<i32>} : memref<80x128xf32, #tpu.memory_space<vmem>>, vector<1x16xf32>,
      %swap3A_249 = vector.shape_cast %swap3A_248 : vector<1x16xf32> to vector<16xf32>
      %swap3A_250 = vector.shape_cast %broadcast_in_dim3A_3 : vector<16xf32> to vector<1x16xf32>
      tpu.vector_store %arg11[%swap3A, %swap3A_247], %swap3A_250 {strides = array<i32>} : memref<80x128xf32, #tpu.memory_space<vmem>>, vector<1x16xf32>,
      %swap3A_251 = arith.index_cast %scan3A_245 : i32 to index
      %swap3A_252 = arith.constant 16 : index
      %swap3A_253 = tpu.vector_load %arg11[%swap3A_251, %swap3A_252] {strides = array<i32>} : memref<80x128xf32, #tpu.memory_space<vmem>>, vector<1x16xf32>,
      %swap3A_254 = vector.shape_cast %swap3A_253 : vector<1x16xf32> to vector<16xf32>
      %swap3A_255 = vector.shape_cast %broadcast_in_dim3A_3 : vector<16xf32> to vector<1x16xf32>
      tpu.vector_store %arg11[%swap3A_251, %swap3A_252], %swap3A_255 {strides = array<i32>} : memref<80x128xf32, #tpu.memory_space<vmem>>, vector<1x16xf32>,
      %swap3A_256 = arith.index_cast %scan3A_245 : i32 to index
      %swap3A_257 = arith.constant 32 : index
      %swap3A_258 = tpu.vector_load %arg11[%swap3A_256, %swap3A_257] {strides = array<i32>} : memref<80x128xf32, #tpu.memory_space<vmem>>, vector<1x16xf32>,
      %swap3A_259 = vector.shape_cast %swap3A_258 : vector<1x16xf32> to vector<16xf32>
      %swap3A_260 = vector.shape_cast %broadcast_in_dim3A_3 : vector<16xf32> to vector<1x16xf32>
      tpu.vector_store %arg11[%swap3A_256, %swap3A_257], %swap3A_260 {strides = array<i32>} : memref<80x128xf32, #tpu.memory_space<vmem>>, vector<1x16xf32>,
      %swap3A_261 = arith.index_cast %scan3A_245 : i32 to index
      %swap3A_262 = arith.constant 48 : index
      %swap3A_263 = tpu.vector_load %arg11[%swap3A_261, %swap3A_262] {strides = array<i32>} : memref<80x128xf32, #tpu.memory_space<vmem>>, vector<1x16xf32>,
      %swap3A_264 = vector.shape_cast %swap3A_263 : vector<1x16xf32> to vector<16xf32>
      %swap3A_265 = vector.shape_cast %broadcast_in_dim3A_3 : vector<16xf32> to vector<1x16xf32>
      tpu.vector_store %arg11[%swap3A_261, %swap3A_262], %swap3A_265 {strides = array<i32>} : memref<80x128xf32, #tpu.memory_space<vmem>>, vector<1x16xf32>,
      %swap3A_266 = arith.index_cast %scan3A_245 : i32 to index
      %swap3A_267 = arith.constant 64 : index
      %swap3A_268 = tpu.vector_load %arg11[%swap3A_266, %swap3A_267] {strides = array<i32>} : memref<80x128xf32, #tpu.memory_space<vmem>>, vector<1x16xf32>,
      %swap3A_269 = vector.shape_cast %swap3A_268 : vector<1x16xf32> to vector<16xf32>
      %swap3A_270 = vector.shape_cast %broadcast_in_dim3A_3 : vector<16xf32> to vector<1x16xf32>
      tpu.vector_store %arg11[%swap3A_266, %swap3A_267], %swap3A_270 {strides = array<i32>} : memref<80x128xf32, #tpu.memory_space<vmem>>, vector<1x16xf32>,
      %swap3A_271 = arith.index_cast %scan3A_245 : i32 to index
      %swap3A_272 = arith.constant 80 : index
      %swap3A_273 = tpu.vector_load %arg11[%swap3A_271, %swap3A_272] {strides = array<i32>} : memref<80x128xf32, #tpu.memory_space<vmem>>, vector<1x16xf32>,
      %swap3A_274 = vector.shape_cast %swap3A_273 : vector<1x16xf32> to vector<16xf32>
      %swap3A_275 = vector.shape_cast %broadcast_in_dim3A_3 : vector<16xf32> to vector<1x16xf32>
      tpu.vector_store %arg11[%swap3A_271, %swap3A_272], %swap3A_275 {strides = array<i32>} : memref<80x128xf32, #tpu.memory_space<vmem>>, vector<1x16xf32>,
      %swap3A_276 = arith.index_cast %scan3A_245 : i32 to index
      %swap3A_277 = arith.constant 96 : index
      %swap3A_278 = tpu.vector_load %arg11[%swap3A_276, %swap3A_277] {strides = array<i32>} : memref<80x128xf32, #tpu.memory_space<vmem>>, vector<1x16xf32>,
      %swap3A_279 = vector.shape_cast %swap3A_278 : vector<1x16xf32> to vector<16xf32>
      %swap3A_280 = vector.shape_cast %broadcast_in_dim3A_3 : vector<16xf32> to vector<1x16xf32>
      tpu.vector_store %arg11[%swap3A_276, %swap3A_277], %swap3A_280 {strides = array<i32>} : memref<80x128xf32, #tpu.memory_space<vmem>>, vector<1x16xf32>,
      %swap3A_281 = arith.index_cast %scan3A_245 : i32 to index
      %swap3A_282 = arith.constant 112 : index
      %swap3A_283 = tpu.vector_load %arg11[%swap3A_281, %swap3A_282] {strides = array<i32>} : memref<80x128xf32, #tpu.memory_space<vmem>>, vector<1x16xf32>,
      %swap3A_284 = vector.shape_cast %swap3A_283 : vector<1x16xf32> to vector<16xf32>
      %swap3A_285 = vector.shape_cast %broadcast_in_dim3A_3 : vector<16xf32> to vector<1x16xf32>
      tpu.vector_store %arg11[%swap3A_281, %swap3A_282], %swap3A_285 {strides = array<i32>} : memref<80x128xf32, #tpu.memory_space<vmem>>, vector<1x16xf32>,
      %scan3A_286 = arith.constant 0 : i32
      scf.yield %scan3A_286 : i32
    }
    %scan3A_11 = arith.constant 80 : i32
    %scan3A_12 = arith.constant 0 : i32
    %scan3A_13 = arith.constant 0 : i32
    %scan3A_14 = arith.constant 64 : i32
    %scan3A_15 = arith.addi %scan3A_13, %scan3A_14 : i32
    %scan3A_16 = arith.constant 1 : i32
    %scan3A_17 = scf.for %scan3A_245 = %scan3A_13 to %scan3A_15 step %scan3A_16 iter_args(%scan3A_246 = %scan3A_12) -> (i32)  : i32 {
      %swap3A = arith.index_cast %scan3A_245 : i32 to index
      %swap3A_247 = arith.constant 0 : index
      %swap3A_248 = tpu.vector_load %arg12[%swap3A, %swap3A_247] {strides = array<i32>} : memref<64x128xf32, #tpu.memory_space<vmem>>, vector<1x16xf32>,
      %swap3A_249 = vector.shape_cast %swap3A_248 : vector<1x16xf32> to vector<16xf32>
      %swap3A_250 = vector.shape_cast %broadcast_in_dim3A_5 : vector<16xf32> to vector<1x16xf32>
      tpu.vector_store %arg12[%swap3A, %swap3A_247], %swap3A_250 {strides = array<i32>} : memref<64x128xf32, #tpu.memory_space<vmem>>, vector<1x16xf32>,
      %swap3A_251 = arith.index_cast %scan3A_245 : i32 to index
      %swap3A_252 = arith.constant 16 : index
      %swap3A_253 = tpu.vector_load %arg12[%swap3A_251, %swap3A_252] {strides = array<i32>} : memref<64x128xf32, #tpu.memory_space<vmem>>, vector<1x16xf32>,
      %swap3A_254 = vector.shape_cast %swap3A_253 : vector<1x16xf32> to vector<16xf32>
      %swap3A_255 = vector.shape_cast %broadcast_in_dim3A_5 : vector<16xf32> to vector<1x16xf32>
      tpu.vector_store %arg12[%swap3A_251, %swap3A_252], %swap3A_255 {strides = array<i32>} : memref<64x128xf32, #tpu.memory_space<vmem>>, vector<1x16xf32>,
      %swap3A_256 = arith.index_cast %scan3A_245 : i32 to index
      %swap3A_257 = arith.constant 32 : index
      %swap3A_258 = tpu.vector_load %arg12[%swap3A_256, %swap3A_257] {strides = array<i32>} : memref<64x128xf32, #tpu.memory_space<vmem>>, vector<1x16xf32>,
      %swap3A_259 = vector.shape_cast %swap3A_258 : vector<1x16xf32> to vector<16xf32>
      %swap3A_260 = vector.shape_cast %broadcast_in_dim3A_5 : vector<16xf32> to vector<1x16xf32>
      tpu.vector_store %arg12[%swap3A_256, %swap3A_257], %swap3A_260 {strides = array<i32>} : memref<64x128xf32, #tpu.memory_space<vmem>>, vector<1x16xf32>,
      %swap3A_261 = arith.index_cast %scan3A_245 : i32 to index
      %swap3A_262 = arith.constant 48 : index
      %swap3A_263 = tpu.vector_load %arg12[%swap3A_261, %swap3A_262] {strides = array<i32>} : memref<64x128xf32, #tpu.memory_space<vmem>>, vector<1x16xf32>,
      %swap3A_264 = vector.shape_cast %swap3A_263 : vector<1x16xf32> to vector<16xf32>
      %swap3A_265 = vector.shape_cast %broadcast_in_dim3A_5 : vector<16xf32> to vector<1x16xf32>
      tpu.vector_store %arg12[%swap3A_261, %swap3A_262], %swap3A_265 {strides = array<i32>} : memref<64x128xf32, #tpu.memory_space<vmem>>, vector<1x16xf32>,
      %swap3A_266 = arith.index_cast %scan3A_245 : i32 to index
      %swap3A_267 = arith.constant 64 : index
      %swap3A_268 = tpu.vector_load %arg12[%swap3A_266, %swap3A_267] {strides = array<i32>} : memref<64x128xf32, #tpu.memory_space<vmem>>, vector<1x16xf32>,
      %swap3A_269 = vector.shape_cast %swap3A_268 : vector<1x16xf32> to vector<16xf32>
      %swap3A_270 = vector.shape_cast %broadcast_in_dim3A_5 : vector<16xf32> to vector<1x16xf32>
      tpu.vector_store %arg12[%swap3A_266, %swap3A_267], %swap3A_270 {strides = array<i32>} : memref<64x128xf32, #tpu.memory_space<vmem>>, vector<1x16xf32>,
      %swap3A_271 = arith.index_cast %scan3A_245 : i32 to index
      %swap3A_272 = arith.constant 80 : index
      %swap3A_273 = tpu.vector_load %arg12[%swap3A_271, %swap3A_272] {strides = array<i32>} : memref<64x128xf32, #tpu.memory_space<vmem>>, vector<1x16xf32>,
      %swap3A_274 = vector.shape_cast %swap3A_273 : vector<1x16xf32> to vector<16xf32>
      %swap3A_275 = vector.shape_cast %broadcast_in_dim3A_5 : vector<16xf32> to vector<1x16xf32>
      tpu.vector_store %arg12[%swap3A_271, %swap3A_272], %swap3A_275 {strides = array<i32>} : memref<64x128xf32, #tpu.memory_space<vmem>>, vector<1x16xf32>,
      %swap3A_276 = arith.index_cast %scan3A_245 : i32 to index
      %swap3A_277 = arith.constant 96 : index
      %swap3A_278 = tpu.vector_load %arg12[%swap3A_276, %swap3A_277] {strides = array<i32>} : memref<64x128xf32, #tpu.memory_space<vmem>>, vector<1x16xf32>,
      %swap3A_279 = vector.shape_cast %swap3A_278 : vector<1x16xf32> to vector<16xf32>
      %swap3A_280 = vector.shape_cast %broadcast_in_dim3A_5 : vector<16xf32> to vector<1x16xf32>
      tpu.vector_store %arg12[%swap3A_276, %swap3A_277], %swap3A_280 {strides = array<i32>} : memref<64x128xf32, #tpu.memory_space<vmem>>, vector<1x16xf32>,
      %swap3A_281 = arith.index_cast %scan3A_245 : i32 to index
      %swap3A_282 = arith.constant 112 : index
      %swap3A_283 = tpu.vector_load %arg12[%swap3A_281, %swap3A_282] {strides = array<i32>} : memref<64x128xf32, #tpu.memory_space<vmem>>, vector<1x16xf32>,
      %swap3A_284 = vector.shape_cast %swap3A_283 : vector<1x16xf32> to vector<16xf32>
      %swap3A_285 = vector.shape_cast %broadcast_in_dim3A_5 : vector<16xf32> to vector<1x16xf32>
      tpu.vector_store %arg12[%swap3A_281, %swap3A_282], %swap3A_285 {strides = array<i32>} : memref<64x128xf32, #tpu.memory_space<vmem>>, vector<1x16xf32>,
      %scan3A_286 = arith.constant 0 : i32
      scf.yield %scan3A_286 : i32
    }
    %scan3A_18 = arith.constant 64 : i32
    %mul3A_19 = arith.constant 640 : i32
    %mul3A_20 = arith.muli %arg1, %mul3A_19 : i32
    %add3A_21 = arith.constant 0 : i32
    %add3A_22 = arith.addi %mul3A_20, %add3A_21 : i32
    "tpu.region"() ({
      %run_scoped3A = tpu.sem_alloc : memref<!tpu.dma_semaphore, #tpu.memory_space<semaphore_mem>>
      %dma_start3A = arith.constant 0 : i32
      %dma_start3A_245 = tpu.memref_slice %arg13[%add3A_22, %dma_start3A] : memref<10240x128xf32, #tpu.memory_space<vmem_shared>> -> memref<64x128xf32, #tpu.memory_space<vmem_shared>>
      %dma_start3A_246 = arith.constant 0 : i32
      %dma_start3A_247 = tpu.memref_slice %arg13[%add3A_22, %dma_start3A_246] : memref<10240x128xf32, #tpu.memory_space<vmem_shared>> -> memref<64x128xf32, #tpu.memory_space<vmem_shared>>
      tpu.enqueue_dma source(%arg12 : memref<64x128xf32, #tpu.memory_space<vmem>>) target(%dma_start3A_247 : memref<64x128xf32, #tpu.memory_space<vmem_shared>>) target_semaphore(%run_scoped3A : memref<!tpu.dma_semaphore, #tpu.memory_space<semaphore_mem>>)
      %dma_wait3A = arith.constant 0 : i32
      %dma_wait3A_248 = tpu.memref_slice %arg13[%add3A_22, %dma_wait3A] : memref<10240x128xf32, #tpu.memory_space<vmem_shared>> -> memref<64x128xf32, #tpu.memory_space<vmem_shared>>
      %dma_wait3A_249 = arith.constant 0 : i32
      %dma_wait3A_250 = tpu.memref_slice %arg13[%add3A_22, %dma_wait3A_249] : memref<10240x128xf32, #tpu.memory_space<vmem_shared>> -> memref<64x128xf32, #tpu.memory_space<vmem_shared>>
      tpu.wait_dma2 semaphore(%run_scoped3A : memref<!tpu.dma_semaphore, #tpu.memory_space<semaphore_mem>>) src(%arg12 : memref<64x128xf32, #tpu.memory_space<vmem>>) dst(%dma_wait3A_250 : memref<64x128xf32, #tpu.memory_space<vmem_shared>>)
      tpu.yield
    }) : () -> ()
    %mul3A_23 = arith.constant 640 : i32
    %mul3A_24 = arith.muli %arg1, %mul3A_23 : i32
    %add3A_25 = arith.constant 64 : i32
    %add3A_26 = arith.addi %mul3A_24, %add3A_25 : i32
    "tpu.region"() ({
      %run_scoped3A = tpu.sem_alloc : memref<!tpu.dma_semaphore, #tpu.memory_space<semaphore_mem>>
      %dma_start3A = arith.constant 0 : i32
      %dma_start3A_245 = tpu.memref_slice %arg13[%add3A_26, %dma_start3A] : memref<10240x128xf32, #tpu.memory_space<vmem_shared>> -> memref<64x128xf32, #tpu.memory_space<vmem_shared>>
      %dma_start3A_246 = arith.constant 0 : i32
      %dma_start3A_247 = tpu.memref_slice %arg13[%add3A_26, %dma_start3A_246] : memref<10240x128xf32, #tpu.memory_space<vmem_shared>> -> memref<64x128xf32, #tpu.memory_space<vmem_shared>>
      tpu.enqueue_dma source(%arg12 : memref<64x128xf32, #tpu.memory_space<vmem>>) target(%dma_start3A_247 : memref<64x128xf32, #tpu.memory_space<vmem_shared>>) target_semaphore(%run_scoped3A : memref<!tpu.dma_semaphore, #tpu.memory_space<semaphore_mem>>)
      %dma_wait3A = arith.constant 0 : i32
      %dma_wait3A_248 = tpu.memref_slice %arg13[%add3A_26, %dma_wait3A] : memref<10240x128xf32, #tpu.memory_space<vmem_shared>> -> memref<64x128xf32, #tpu.memory_space<vmem_shared>>
      %dma_wait3A_249 = arith.constant 0 : i32
      %dma_wait3A_250 = tpu.memref_slice %arg13[%add3A_26, %dma_wait3A_249] : memref<10240x128xf32, #tpu.memory_space<vmem_shared>> -> memref<64x128xf32, #tpu.memory_space<vmem_shared>>
      tpu.wait_dma2 semaphore(%run_scoped3A : memref<!tpu.dma_semaphore, #tpu.memory_space<semaphore_mem>>) src(%arg12 : memref<64x128xf32, #tpu.memory_space<vmem>>) dst(%dma_wait3A_250 : memref<64x128xf32, #tpu.memory_space<vmem_shared>>)
      tpu.yield
    }) : () -> ()
    %mul3A_27 = arith.constant 640 : i32
    %mul3A_28 = arith.muli %arg1, %mul3A_27 : i32
    %add3A_29 = arith.constant 128 : i32
    %add3A_30 = arith.addi %mul3A_28, %add3A_29 : i32
    "tpu.region"() ({
      %run_scoped3A = tpu.sem_alloc : memref<!tpu.dma_semaphore, #tpu.memory_space<semaphore_mem>>
      %dma_start3A = arith.constant 0 : i32
      %dma_start3A_245 = tpu.memref_slice %arg13[%add3A_30, %dma_start3A] : memref<10240x128xf32, #tpu.memory_space<vmem_shared>> -> memref<64x128xf32, #tpu.memory_space<vmem_shared>>
      %dma_start3A_246 = arith.constant 0 : i32
      %dma_start3A_247 = tpu.memref_slice %arg13[%add3A_30, %dma_start3A_246] : memref<10240x128xf32, #tpu.memory_space<vmem_shared>> -> memref<64x128xf32, #tpu.memory_space<vmem_shared>>
      tpu.enqueue_dma source(%arg12 : memref<64x128xf32, #tpu.memory_space<vmem>>) target(%dma_start3A_247 : memref<64x128xf32, #tpu.memory_space<vmem_shared>>) target_semaphore(%run_scoped3A : memref<!tpu.dma_semaphore, #tpu.memory_space<semaphore_mem>>)
      %dma_wait3A = arith.constant 0 : i32
      %dma_wait3A_248 = tpu.memref_slice %arg13[%add3A_30, %dma_wait3A] : memref<10240x128xf32, #tpu.memory_space<vmem_shared>> -> memref<64x128xf32, #tpu.memory_space<vmem_shared>>
      %dma_wait3A_249 = arith.constant 0 : i32
      %dma_wait3A_250 = tpu.memref_slice %arg13[%add3A_30, %dma_wait3A_249] : memref<10240x128xf32, #tpu.memory_space<vmem_shared>> -> memref<64x128xf32, #tpu.memory_space<vmem_shared>>
      tpu.wait_dma2 semaphore(%run_scoped3A : memref<!tpu.dma_semaphore, #tpu.memory_space<semaphore_mem>>) src(%arg12 : memref<64x128xf32, #tpu.memory_space<vmem>>) dst(%dma_wait3A_250 : memref<64x128xf32, #tpu.memory_space<vmem_shared>>)
      tpu.yield
    }) : () -> ()
    %mul3A_31 = arith.constant 640 : i32
    %mul3A_32 = arith.muli %arg1, %mul3A_31 : i32
    %add3A_33 = arith.constant 192 : i32
    %add3A_34 = arith.addi %mul3A_32, %add3A_33 : i32
    "tpu.region"() ({
      %run_scoped3A = tpu.sem_alloc : memref<!tpu.dma_semaphore, #tpu.memory_space<semaphore_mem>>
      %dma_start3A = arith.constant 0 : i32
      %dma_start3A_245 = tpu.memref_slice %arg13[%add3A_34, %dma_start3A] : memref<10240x128xf32, #tpu.memory_space<vmem_shared>> -> memref<64x128xf32, #tpu.memory_space<vmem_shared>>
      %dma_start3A_246 = arith.constant 0 : i32
      %dma_start3A_247 = tpu.memref_slice %arg13[%add3A_34, %dma_start3A_246] : memref<10240x128xf32, #tpu.memory_space<vmem_shared>> -> memref<64x128xf32, #tpu.memory_space<vmem_shared>>
      tpu.enqueue_dma source(%arg12 : memref<64x128xf32, #tpu.memory_space<vmem>>) target(%dma_start3A_247 : memref<64x128xf32, #tpu.memory_space<vmem_shared>>) target_semaphore(%run_scoped3A : memref<!tpu.dma_semaphore, #tpu.memory_space<semaphore_mem>>)
      %dma_wait3A = arith.constant 0 : i32
      %dma_wait3A_248 = tpu.memref_slice %arg13[%add3A_34, %dma_wait3A] : memref<10240x128xf32, #tpu.memory_space<vmem_shared>> -> memref<64x128xf32, #tpu.memory_space<vmem_shared>>
      %dma_wait3A_249 = arith.constant 0 : i32
      %dma_wait3A_250 = tpu.memref_slice %arg13[%add3A_34, %dma_wait3A_249] : memref<10240x128xf32, #tpu.memory_space<vmem_shared>> -> memref<64x128xf32, #tpu.memory_space<vmem_shared>>
      tpu.wait_dma2 semaphore(%run_scoped3A : memref<!tpu.dma_semaphore, #tpu.memory_space<semaphore_mem>>) src(%arg12 : memref<64x128xf32, #tpu.memory_space<vmem>>) dst(%dma_wait3A_250 : memref<64x128xf32, #tpu.memory_space<vmem_shared>>)
      tpu.yield
    }) : () -> ()
    %mul3A_35 = arith.constant 640 : i32
    %mul3A_36 = arith.muli %arg1, %mul3A_35 : i32
    %add3A_37 = arith.constant 256 : i32
    %add3A_38 = arith.addi %mul3A_36, %add3A_37 : i32
    "tpu.region"() ({
      %run_scoped3A = tpu.sem_alloc : memref<!tpu.dma_semaphore, #tpu.memory_space<semaphore_mem>>
      %dma_start3A = arith.constant 0 : i32
      %dma_start3A_245 = tpu.memref_slice %arg13[%add3A_38, %dma_start3A] : memref<10240x128xf32, #tpu.memory_space<vmem_shared>> -> memref<64x128xf32, #tpu.memory_space<vmem_shared>>
      %dma_start3A_246 = arith.constant 0 : i32
      %dma_start3A_247 = tpu.memref_slice %arg13[%add3A_38, %dma_start3A_246] : memref<10240x128xf32, #tpu.memory_space<vmem_shared>> -> memref<64x128xf32, #tpu.memory_space<vmem_shared>>
      tpu.enqueue_dma source(%arg12 : memref<64x128xf32, #tpu.memory_space<vmem>>) target(%dma_start3A_247 : memref<64x128xf32, #tpu.memory_space<vmem_shared>>) target_semaphore(%run_scoped3A : memref<!tpu.dma_semaphore, #tpu.memory_space<semaphore_mem>>)
      %dma_wait3A = arith.constant 0 : i32
      %dma_wait3A_248 = tpu.memref_slice %arg13[%add3A_38, %dma_wait3A] : memref<10240x128xf32, #tpu.memory_space<vmem_shared>> -> memref<64x128xf32, #tpu.memory_space<vmem_shared>>
      %dma_wait3A_249 = arith.constant 0 : i32
      %dma_wait3A_250 = tpu.memref_slice %arg13[%add3A_38, %dma_wait3A_249] : memref<10240x128xf32, #tpu.memory_space<vmem_shared>> -> memref<64x128xf32, #tpu.memory_space<vmem_shared>>
      tpu.wait_dma2 semaphore(%run_scoped3A : memref<!tpu.dma_semaphore, #tpu.memory_space<semaphore_mem>>) src(%arg12 : memref<64x128xf32, #tpu.memory_space<vmem>>) dst(%dma_wait3A_250 : memref<64x128xf32, #tpu.memory_space<vmem_shared>>)
      tpu.yield
    }) : () -> ()
    %mul3A_39 = arith.constant 640 : i32
    %mul3A_40 = arith.muli %arg1, %mul3A_39 : i32
    %add3A_41 = arith.constant 320 : i32
    %add3A_42 = arith.addi %mul3A_40, %add3A_41 : i32
    "tpu.region"() ({
      %run_scoped3A = tpu.sem_alloc : memref<!tpu.dma_semaphore, #tpu.memory_space<semaphore_mem>>
      %dma_start3A = arith.constant 0 : i32
      %dma_start3A_245 = tpu.memref_slice %arg13[%add3A_42, %dma_start3A] : memref<10240x128xf32, #tpu.memory_space<vmem_shared>> -> memref<64x128xf32, #tpu.memory_space<vmem_shared>>
      %dma_start3A_246 = arith.constant 0 : i32
      %dma_start3A_247 = tpu.memref_slice %arg13[%add3A_42, %dma_start3A_246] : memref<10240x128xf32, #tpu.memory_space<vmem_shared>> -> memref<64x128xf32, #tpu.memory_space<vmem_shared>>
      tpu.enqueue_dma source(%arg12 : memref<64x128xf32, #tpu.memory_space<vmem>>) target(%dma_start3A_247 : memref<64x128xf32, #tpu.memory_space<vmem_shared>>) target_semaphore(%run_scoped3A : memref<!tpu.dma_semaphore, #tpu.memory_space<semaphore_mem>>)
      %dma_wait3A = arith.constant 0 : i32
      %dma_wait3A_248 = tpu.memref_slice %arg13[%add3A_42, %dma_wait3A] : memref<10240x128xf32, #tpu.memory_space<vmem_shared>> -> memref<64x128xf32, #tpu.memory_space<vmem_shared>>
      %dma_wait3A_249 = arith.constant 0 : i32
      %dma_wait3A_250 = tpu.memref_slice %arg13[%add3A_42, %dma_wait3A_249] : memref<10240x128xf32, #tpu.memory_space<vmem_shared>> -> memref<64x128xf32, #tpu.memory_space<vmem_shared>>
      tpu.wait_dma2 semaphore(%run_scoped3A : memref<!tpu.dma_semaphore, #tpu.memory_space<semaphore_mem>>) src(%arg12 : memref<64x128xf32, #tpu.memory_space<vmem>>) dst(%dma_wait3A_250 : memref<64x128xf32, #tpu.memory_space<vmem_shared>>)
      tpu.yield
    }) : () -> ()
    %mul3A_43 = arith.constant 640 : i32
    %mul3A_44 = arith.muli %arg1, %mul3A_43 : i32
    %add3A_45 = arith.constant 384 : i32
    %add3A_46 = arith.addi %mul3A_44, %add3A_45 : i32
    "tpu.region"() ({
      %run_scoped3A = tpu.sem_alloc : memref<!tpu.dma_semaphore, #tpu.memory_space<semaphore_mem>>
      %dma_start3A = arith.constant 0 : i32
      %dma_start3A_245 = tpu.memref_slice %arg13[%add3A_46, %dma_start3A] : memref<10240x128xf32, #tpu.memory_space<vmem_shared>> -> memref<64x128xf32, #tpu.memory_space<vmem_shared>>
      %dma_start3A_246 = arith.constant 0 : i32
      %dma_start3A_247 = tpu.memref_slice %arg13[%add3A_46, %dma_start3A_246] : memref<10240x128xf32, #tpu.memory_space<vmem_shared>> -> memref<64x128xf32, #tpu.memory_space<vmem_shared>>
      tpu.enqueue_dma source(%arg12 : memref<64x128xf32, #tpu.memory_space<vmem>>) target(%dma_start3A_247 : memref<64x128xf32, #tpu.memory_space<vmem_shared>>) target_semaphore(%run_scoped3A : memref<!tpu.dma_semaphore, #tpu.memory_space<semaphore_mem>>)
      %dma_wait3A = arith.constant 0 : i32
      %dma_wait3A_248 = tpu.memref_slice %arg13[%add3A_46, %dma_wait3A] : memref<10240x128xf32, #tpu.memory_space<vmem_shared>> -> memref<64x128xf32, #tpu.memory_space<vmem_shared>>
      %dma_wait3A_249 = arith.constant 0 : i32
      %dma_wait3A_250 = tpu.memref_slice %arg13[%add3A_46, %dma_wait3A_249] : memref<10240x128xf32, #tpu.memory_space<vmem_shared>> -> memref<64x128xf32, #tpu.memory_space<vmem_shared>>
      tpu.wait_dma2 semaphore(%run_scoped3A : memref<!tpu.dma_semaphore, #tpu.memory_space<semaphore_mem>>) src(%arg12 : memref<64x128xf32, #tpu.memory_space<vmem>>) dst(%dma_wait3A_250 : memref<64x128xf32, #tpu.memory_space<vmem_shared>>)
      tpu.yield
    }) : () -> ()
    %mul3A_47 = arith.constant 640 : i32
    %mul3A_48 = arith.muli %arg1, %mul3A_47 : i32
    %add3A_49 = arith.constant 448 : i32
    %add3A_50 = arith.addi %mul3A_48, %add3A_49 : i32
    "tpu.region"() ({
      %run_scoped3A = tpu.sem_alloc : memref<!tpu.dma_semaphore, #tpu.memory_space<semaphore_mem>>
      %dma_start3A = arith.constant 0 : i32
      %dma_start3A_245 = tpu.memref_slice %arg13[%add3A_50, %dma_start3A] : memref<10240x128xf32, #tpu.memory_space<vmem_shared>> -> memref<64x128xf32, #tpu.memory_space<vmem_shared>>
      %dma_start3A_246 = arith.constant 0 : i32
      %dma_start3A_247 = tpu.memref_slice %arg13[%add3A_50, %dma_start3A_246] : memref<10240x128xf32, #tpu.memory_space<vmem_shared>> -> memref<64x128xf32, #tpu.memory_space<vmem_shared>>
      tpu.enqueue_dma source(%arg12 : memref<64x128xf32, #tpu.memory_space<vmem>>) target(%dma_start3A_247 : memref<64x128xf32, #tpu.memory_space<vmem_shared>>) target_semaphore(%run_scoped3A : memref<!tpu.dma_semaphore, #tpu.memory_space<semaphore_mem>>)
      %dma_wait3A = arith.constant 0 : i32
      %dma_wait3A_248 = tpu.memref_slice %arg13[%add3A_50, %dma_wait3A] : memref<10240x128xf32, #tpu.memory_space<vmem_shared>> -> memref<64x128xf32, #tpu.memory_space<vmem_shared>>
      %dma_wait3A_249 = arith.constant 0 : i32
      %dma_wait3A_250 = tpu.memref_slice %arg13[%add3A_50, %dma_wait3A_249] : memref<10240x128xf32, #tpu.memory_space<vmem_shared>> -> memref<64x128xf32, #tpu.memory_space<vmem_shared>>
      tpu.wait_dma2 semaphore(%run_scoped3A : memref<!tpu.dma_semaphore, #tpu.memory_space<semaphore_mem>>) src(%arg12 : memref<64x128xf32, #tpu.memory_space<vmem>>) dst(%dma_wait3A_250 : memref<64x128xf32, #tpu.memory_space<vmem_shared>>)
      tpu.yield
    }) : () -> ()
    %mul3A_51 = arith.constant 640 : i32
    %mul3A_52 = arith.muli %arg1, %mul3A_51 : i32
    %add3A_53 = arith.constant 512 : i32
    %add3A_54 = arith.addi %mul3A_52, %add3A_53 : i32
    "tpu.region"() ({
      %run_scoped3A = tpu.sem_alloc : memref<!tpu.dma_semaphore, #tpu.memory_space<semaphore_mem>>
      %dma_start3A = arith.constant 0 : i32
      %dma_start3A_245 = tpu.memref_slice %arg13[%add3A_54, %dma_start3A] : memref<10240x128xf32, #tpu.memory_space<vmem_shared>> -> memref<64x128xf32, #tpu.memory_space<vmem_shared>>
      %dma_start3A_246 = arith.constant 0 : i32
      %dma_start3A_247 = tpu.memref_slice %arg13[%add3A_54, %dma_start3A_246] : memref<10240x128xf32, #tpu.memory_space<vmem_shared>> -> memref<64x128xf32, #tpu.memory_space<vmem_shared>>
      tpu.enqueue_dma source(%arg12 : memref<64x128xf32, #tpu.memory_space<vmem>>) target(%dma_start3A_247 : memref<64x128xf32, #tpu.memory_space<vmem_shared>>) target_semaphore(%run_scoped3A : memref<!tpu.dma_semaphore, #tpu.memory_space<semaphore_mem>>)
      %dma_wait3A = arith.constant 0 : i32
      %dma_wait3A_248 = tpu.memref_slice %arg13[%add3A_54, %dma_wait3A] : memref<10240x128xf32, #tpu.memory_space<vmem_shared>> -> memref<64x128xf32, #tpu.memory_space<vmem_shared>>
      %dma_wait3A_249 = arith.constant 0 : i32
      %dma_wait3A_250 = tpu.memref_slice %arg13[%add3A_54, %dma_wait3A_249] : memref<10240x128xf32, #tpu.memory_space<vmem_shared>> -> memref<64x128xf32, #tpu.memory_space<vmem_shared>>
      tpu.wait_dma2 semaphore(%run_scoped3A : memref<!tpu.dma_semaphore, #tpu.memory_space<semaphore_mem>>) src(%arg12 : memref<64x128xf32, #tpu.memory_space<vmem>>) dst(%dma_wait3A_250 : memref<64x128xf32, #tpu.memory_space<vmem_shared>>)
      tpu.yield
    }) : () -> ()
    %mul3A_55 = arith.constant 640 : i32
    %mul3A_56 = arith.muli %arg1, %mul3A_55 : i32
    %add3A_57 = arith.constant 576 : i32
    %add3A_58 = arith.addi %mul3A_56, %add3A_57 : i32
    "tpu.region"() ({
      %run_scoped3A = tpu.sem_alloc : memref<!tpu.dma_semaphore, #tpu.memory_space<semaphore_mem>>
      %dma_start3A = arith.constant 0 : i32
      %dma_start3A_245 = tpu.memref_slice %arg13[%add3A_58, %dma_start3A] : memref<10240x128xf32, #tpu.memory_space<vmem_shared>> -> memref<64x128xf32, #tpu.memory_space<vmem_shared>>
      %dma_start3A_246 = arith.constant 0 : i32
      %dma_start3A_247 = tpu.memref_slice %arg13[%add3A_58, %dma_start3A_246] : memref<10240x128xf32, #tpu.memory_space<vmem_shared>> -> memref<64x128xf32, #tpu.memory_space<vmem_shared>>
      tpu.enqueue_dma source(%arg12 : memref<64x128xf32, #tpu.memory_space<vmem>>) target(%dma_start3A_247 : memref<64x128xf32, #tpu.memory_space<vmem_shared>>) target_semaphore(%run_scoped3A : memref<!tpu.dma_semaphore, #tpu.memory_space<semaphore_mem>>)
      %dma_wait3A = arith.constant 0 : i32
      %dma_wait3A_248 = tpu.memref_slice %arg13[%add3A_58, %dma_wait3A] : memref<10240x128xf32, #tpu.memory_space<vmem_shared>> -> memref<64x128xf32, #tpu.memory_space<vmem_shared>>
      %dma_wait3A_249 = arith.constant 0 : i32
      %dma_wait3A_250 = tpu.memref_slice %arg13[%add3A_58, %dma_wait3A_249] : memref<10240x128xf32, #tpu.memory_space<vmem_shared>> -> memref<64x128xf32, #tpu.memory_space<vmem_shared>>
      tpu.wait_dma2 semaphore(%run_scoped3A : memref<!tpu.dma_semaphore, #tpu.memory_space<semaphore_mem>>) src(%arg12 : memref<64x128xf32, #tpu.memory_space<vmem>>) dst(%dma_wait3A_250 : memref<64x128xf32, #tpu.memory_space<vmem_shared>>)
      tpu.yield
    }) : () -> ()
    %barrier3A = arith.constant 0 : index
    tpu.barrier barrier_id(%barrier3A)
    %scan3A_59 = arith.constant 0 : i32
    %scan3A_60 = arith.constant 0 : i32
    %scan3A_61 = arith.constant 125 : i32
    %scan3A_62 = arith.addi %scan3A_60, %scan3A_61 : i32
    %scan3A_63 = arith.constant 1 : i32
    %scan3A_64 = scf.for %scan3A_245 = %scan3A_60 to %scan3A_62 step %scan3A_63 iter_args(%scan3A_246 = %scan3A_59) -> (i32)  : i32 {
      %mul3A_247 = arith.constant 80 : i32
      %mul3A_248 = arith.muli %scan3A_245, %mul3A_247 : i32
      %add3A_249 = arith.addi %mul3A_2, %mul3A_248 : i32
      "tpu.region"() ({
        %run_scoped3A = tpu.sem_alloc : memref<!tpu.dma_semaphore, #tpu.memory_space<semaphore_mem>>
        %dma_start3A_255 = tpu.memref_slice %arg4[%add3A_249] : memref<320000xi32, #tpu.memory_space<hbm>> -> memref<80xi32, #tpu.memory_space<hbm>>
        %dma_start3A_256 = tpu.memref_slice %arg4[%add3A_249] : memref<320000xi32, #tpu.memory_space<hbm>> -> memref<80xi32, #tpu.memory_space<hbm>>
        tpu.enqueue_dma source(%dma_start3A_256 : memref<80xi32, #tpu.memory_space<hbm>>) target(%arg8 : memref<80xi32, #tpu.memory_space<vmem>>) target_semaphore(%run_scoped3A : memref<!tpu.dma_semaphore, #tpu.memory_space<semaphore_mem>>)
        %dma_wait3A_257 = tpu.memref_slice %arg4[%add3A_249] : memref<320000xi32, #tpu.memory_space<hbm>> -> memref<80xi32, #tpu.memory_space<hbm>>
        %dma_wait3A_258 = tpu.memref_slice %arg4[%add3A_249] : memref<320000xi32, #tpu.memory_space<hbm>> -> memref<80xi32, #tpu.memory_space<hbm>>
        tpu.wait_dma2 semaphore(%run_scoped3A : memref<!tpu.dma_semaphore, #tpu.memory_space<semaphore_mem>>) src(%dma_wait3A_258 : memref<80xi32, #tpu.memory_space<hbm>>) dst(%arg8 : memref<80xi32, #tpu.memory_space<vmem>>)
        tpu.yield
      }) : () -> ()
      "tpu.region"() ({
        %run_scoped3A = tpu.sem_alloc : memref<!tpu.dma_semaphore, #tpu.memory_space<semaphore_mem>>
        %dma_start3A_255 = tpu.memref_slice %arg3[%add3A_249] : memref<320000xi32, #tpu.memory_space<hbm>> -> memref<80xi32, #tpu.memory_space<hbm>>
        %dma_start3A_256 = tpu.memref_slice %arg3[%add3A_249] : memref<320000xi32, #tpu.memory_space<hbm>> -> memref<80xi32, #tpu.memory_space<hbm>>
        tpu.enqueue_dma source(%dma_start3A_256 : memref<80xi32, #tpu.memory_space<hbm>>) target(%arg7 : memref<80xi32, #tpu.memory_space<vmem>>) target_semaphore(%run_scoped3A : memref<!tpu.dma_semaphore, #tpu.memory_space<semaphore_mem>>)
        %dma_wait3A_257 = tpu.memref_slice %arg3[%add3A_249] : memref<320000xi32, #tpu.memory_space<hbm>> -> memref<80xi32, #tpu.memory_space<hbm>>
        %dma_wait3A_258 = tpu.memref_slice %arg3[%add3A_249] : memref<320000xi32, #tpu.memory_space<hbm>> -> memref<80xi32, #tpu.memory_space<hbm>>
        tpu.wait_dma2 semaphore(%run_scoped3A : memref<!tpu.dma_semaphore, #tpu.memory_space<semaphore_mem>>) src(%dma_wait3A_258 : memref<80xi32, #tpu.memory_space<hbm>>) dst(%arg7 : memref<80xi32, #tpu.memory_space<vmem>>)
        tpu.yield
      }) : () -> ()
      %dma_start3A = arith.constant 0 : i32
      %dma_start3A_250 = arith.constant 0 : i32
      %dma_start3A_251 = tpu.memref_slice %arg2[%dma_start3A, %dma_start3A_250] : memref<10000x128xf32, #tpu.memory_space<hbm>> -> memref<10000x128xf32, #tpu.memory_space<hbm>>
      tpu.enqueue_indirect_dma source(%dma_start3A_251 : memref<10000x128xf32, #tpu.memory_space<hbm>>) target(%arg10 : memref<80x128xf32, #tpu.memory_space<vmem>>) offsets(%arg7 : memref<80xi32, #tpu.memory_space<vmem>>) semaphore(%arg14 : memref<!tpu.dma_semaphore, #tpu.memory_space<semaphore_mem>>)
      %dma_wait3A = arith.constant 0 : i32
      %dma_wait3A_252 = arith.constant 0 : i32
      %dma_wait3A_253 = tpu.memref_slice %arg2[%dma_wait3A, %dma_wait3A_252] : memref<10000x128xf32, #tpu.memory_space<hbm>> -> memref<10000x128xf32, #tpu.memory_space<hbm>>
      tpu.wait_indirect_dma semaphore(%arg14 : memref<!tpu.dma_semaphore, #tpu.memory_space<semaphore_mem>>) src(%dma_wait3A_253 : memref<10000x128xf32, #tpu.memory_space<hbm>>) dst(%arg10 : memref<80x128xf32, #tpu.memory_space<vmem>>)
      "tpu.region"() ({
        %run_scoped3A = tpu.sem_alloc : memref<!tpu.dma_semaphore, #tpu.memory_space<semaphore_mem>>
        %dma_start3A_255 = arith.constant 0 : i32
        %dma_start3A_256 = arith.constant 0 : i32
        %dma_start3A_257 = tpu.memref_slice %arg13[%dma_start3A_255, %dma_start3A_256] : memref<10240x128xf32, #tpu.memory_space<vmem_shared>> -> memref<10240x128xf32, #tpu.memory_space<vmem_shared>>
        tpu.enqueue_indirect_dma source(%arg10 : memref<80x128xf32, #tpu.memory_space<vmem>>) target(%dma_start3A_257 : memref<10240x128xf32, #tpu.memory_space<vmem_shared>>) offsets(%arg8 : memref<80xi32, #tpu.memory_space<vmem>>) semaphore(%run_scoped3A : memref<!tpu.dma_semaphore, #tpu.memory_space<semaphore_mem>>) {add = true}
        %dma_wait3A_258 = arith.constant 0 : i32
        %dma_wait3A_259 = arith.constant 0 : i32
        %dma_wait3A_260 = tpu.memref_slice %arg13[%dma_wait3A_258, %dma_wait3A_259] : memref<10240x128xf32, #tpu.memory_space<vmem_shared>> -> memref<10240x128xf32, #tpu.memory_space<vmem_shared>>
        tpu.wait_indirect_dma semaphore(%run_scoped3A : memref<!tpu.dma_semaphore, #tpu.memory_space<semaphore_mem>>) src(%arg10 : memref<80x128xf32, #tpu.memory_space<vmem>>) dst(%dma_wait3A_260 : memref<10240x128xf32, #tpu.memory_space<vmem_shared>>)
        tpu.yield
      }) : () -> ()
      %scan3A_254 = arith.constant 0 : i32
      scf.yield %scan3A_254 : i32
    }
    %scan3A_65 = arith.constant 125 : i32
    %barrier3A_66 = arith.constant 0 : index
    tpu.barrier barrier_id(%barrier3A_66)
    %mul3A_67 = arith.constant 640 : i32
    %mul3A_68 = arith.muli %arg1, %mul3A_67 : i32
    %add3A_69 = arith.constant 0 : i32
    %add3A_70 = arith.addi %mul3A_68, %add3A_69 : i32
    "tpu.region"() ({
      %run_scoped3A = tpu.sem_alloc : memref<!tpu.dma_semaphore, #tpu.memory_space<semaphore_mem>>
      %dma_start3A = arith.constant 0 : i32
      %dma_start3A_245 = tpu.memref_slice %arg13[%add3A_70, %dma_start3A] : memref<10240x128xf32, #tpu.memory_space<vmem_shared>> -> memref<64x128xf32, #tpu.memory_space<vmem_shared>>
      %dma_start3A_246 = arith.constant 0 : i32
      %dma_start3A_247 = tpu.memref_slice %arg13[%add3A_70, %dma_start3A_246] : memref<10240x128xf32, #tpu.memory_space<vmem_shared>> -> memref<64x128xf32, #tpu.memory_space<vmem_shared>>
      tpu.enqueue_dma source(%dma_start3A_247 : memref<64x128xf32, #tpu.memory_space<vmem_shared>>) target(%arg12 : memref<64x128xf32, #tpu.memory_space<vmem>>) target_semaphore(%run_scoped3A : memref<!tpu.dma_semaphore, #tpu.memory_space<semaphore_mem>>)
      %dma_wait3A = arith.constant 0 : i32
      %dma_wait3A_248 = tpu.memref_slice %arg13[%add3A_70, %dma_wait3A] : memref<10240x128xf32, #tpu.memory_space<vmem_shared>> -> memref<64x128xf32, #tpu.memory_space<vmem_shared>>
      %dma_wait3A_249 = arith.constant 0 : i32
      %dma_wait3A_250 = tpu.memref_slice %arg13[%add3A_70, %dma_wait3A_249] : memref<10240x128xf32, #tpu.memory_space<vmem_shared>> -> memref<64x128xf32, #tpu.memory_space<vmem_shared>>
      tpu.wait_dma2 semaphore(%run_scoped3A : memref<!tpu.dma_semaphore, #tpu.memory_space<semaphore_mem>>) src(%dma_wait3A_250 : memref<64x128xf32, #tpu.memory_space<vmem_shared>>) dst(%arg12 : memref<64x128xf32, #tpu.memory_space<vmem>>)
      tpu.yield
    }) : () -> ()
    %add3A_71 = arith.constant 0 : i32
    %add3A_72 = arith.addi %add3A_71, %add3A_70 : i32
    "tpu.region"() ({
      %run_scoped3A = tpu.sem_alloc : memref<!tpu.dma_semaphore, #tpu.memory_space<semaphore_mem>>
      %dma_start3A = arith.constant 0 : i32
      %dma_start3A_245 = tpu.memref_slice %arg5[%arg0, %add3A_72, %dma_start3A] : memref<2x10240x128xf32, #tpu.memory_space<hbm>> -> memref<1x64x128xf32, #tpu.memory_space<hbm>>
      %dma_start3A_246 = tpu.memref_squeeze %dma_start3A_245 : memref<1x64x128xf32, #tpu.memory_space<hbm>> -> memref<64x128xf32, #tpu.memory_space<hbm>>
      %dma_start3A_247 = arith.constant 0 : i32
      %dma_start3A_248 = tpu.memref_slice %arg5[%arg0, %add3A_72, %dma_start3A_247] : memref<2x10240x128xf32, #tpu.memory_space<hbm>> -> memref<1x64x128xf32, #tpu.memory_space<hbm>>
      %dma_start3A_249 = tpu.memref_squeeze %dma_start3A_248 : memref<1x64x128xf32, #tpu.memory_space<hbm>> -> memref<64x128xf32, #tpu.memory_space<hbm>>
      tpu.enqueue_dma source(%arg12 : memref<64x128xf32, #tpu.memory_space<vmem>>) target(%dma_start3A_249 : memref<64x128xf32, #tpu.memory_space<hbm>>) target_semaphore(%run_scoped3A : memref<!tpu.dma_semaphore, #tpu.memory_space<semaphore_mem>>)
      %dma_wait3A = arith.constant 0 : i32
      %dma_wait3A_250 = tpu.memref_slice %arg5[%arg0, %add3A_72, %dma_wait3A] : memref<2x10240x128xf32, #tpu.memory_space<hbm>> -> memref<1x64x128xf32, #tpu.memory_space<hbm>>
      %dma_wait3A_251 = tpu.memref_squeeze %dma_wait3A_250 : memref<1x64x128xf32, #tpu.memory_space<hbm>> -> memref<64x128xf32, #tpu.memory_space<hbm>>
      %dma_wait3A_252 = arith.constant 0 : i32
      %dma_wait3A_253 = tpu.memref_slice %arg5[%arg0, %add3A_72, %dma_wait3A_252] : memref<2x10240x128xf32, #tpu.memory_space<hbm>> -> memref<1x64x128xf32, #tpu.memory_space<hbm>>
      %dma_wait3A_254 = tpu.memref_squeeze %dma_wait3A_253 : memref<1x64x128xf32, #tpu.memory_space<hbm>> -> memref<64x128xf32, #tpu.memory_space<hbm>>
      tpu.wait_dma2 semaphore(%run_scoped3A : memref<!tpu.dma_semaphore, #tpu.memory_space<semaphore_mem>>) src(%arg12 : memref<64x128xf32, #tpu.memory_space<vmem>>) dst(%dma_wait3A_254 : memref<64x128xf32, #tpu.memory_space<hbm>>)
      tpu.yield
    }) : () -> ()
    %mul3A_73 = arith.constant 640 : i32
    %mul3A_74 = arith.muli %arg1, %mul3A_73 : i32
    %add3A_75 = arith.constant 64 : i32
    %add3A_76 = arith.addi %mul3A_74, %add3A_75 : i32
    "tpu.region"() ({
      %run_scoped3A = tpu.sem_alloc : memref<!tpu.dma_semaphore, #tpu.memory_space<semaphore_mem>>
      %dma_start3A = arith.constant 0 : i32
      %dma_start3A_245 = tpu.memref_slice %arg13[%add3A_76, %dma_start3A] : memref<10240x128xf32, #tpu.memory_space<vmem_shared>> -> memref<64x128xf32, #tpu.memory_space<vmem_shared>>
      %dma_start3A_246 = arith.constant 0 : i32
      %dma_start3A_247 = tpu.memref_slice %arg13[%add3A_76, %dma_start3A_246] : memref<10240x128xf32, #tpu.memory_space<vmem_shared>> -> memref<64x128xf32, #tpu.memory_space<vmem_shared>>
      tpu.enqueue_dma source(%dma_start3A_247 : memref<64x128xf32, #tpu.memory_space<vmem_shared>>) target(%arg12 : memref<64x128xf32, #tpu.memory_space<vmem>>) target_semaphore(%run_scoped3A : memref<!tpu.dma_semaphore, #tpu.memory_space<semaphore_mem>>)
      %dma_wait3A = arith.constant 0 : i32
      %dma_wait3A_248 = tpu.memref_slice %arg13[%add3A_76, %dma_wait3A] : memref<10240x128xf32, #tpu.memory_space<vmem_shared>> -> memref<64x128xf32, #tpu.memory_space<vmem_shared>>
      %dma_wait3A_249 = arith.constant 0 : i32
      %dma_wait3A_250 = tpu.memref_slice %arg13[%add3A_76, %dma_wait3A_249] : memref<10240x128xf32, #tpu.memory_space<vmem_shared>> -> memref<64x128xf32, #tpu.memory_space<vmem_shared>>
      tpu.wait_dma2 semaphore(%run_scoped3A : memref<!tpu.dma_semaphore, #tpu.memory_space<semaphore_mem>>) src(%dma_wait3A_250 : memref<64x128xf32, #tpu.memory_space<vmem_shared>>) dst(%arg12 : memref<64x128xf32, #tpu.memory_space<vmem>>)
      tpu.yield
    }) : () -> ()
    %add3A_77 = arith.constant 0 : i32
    %add3A_78 = arith.addi %add3A_77, %add3A_76 : i32
    "tpu.region"() ({
      %run_scoped3A = tpu.sem_alloc : memref<!tpu.dma_semaphore, #tpu.memory_space<semaphore_mem>>
      %dma_start3A = arith.constant 0 : i32
      %dma_start3A_245 = tpu.memref_slice %arg5[%arg0, %add3A_78, %dma_start3A] : memref<2x10240x128xf32, #tpu.memory_space<hbm>> -> memref<1x64x128xf32, #tpu.memory_space<hbm>>
      %dma_start3A_246 = tpu.memref_squeeze %dma_start3A_245 : memref<1x64x128xf32, #tpu.memory_space<hbm>> -> memref<64x128xf32, #tpu.memory_space<hbm>>
      %dma_start3A_247 = arith.constant 0 : i32
      %dma_start3A_248 = tpu.memref_slice %arg5[%arg0, %add3A_78, %dma_start3A_247] : memref<2x10240x128xf32, #tpu.memory_space<hbm>> -> memref<1x64x128xf32, #tpu.memory_space<hbm>>
      %dma_start3A_249 = tpu.memref_squeeze %dma_start3A_248 : memref<1x64x128xf32, #tpu.memory_space<hbm>> -> memref<64x128xf32, #tpu.memory_space<hbm>>
      tpu.enqueue_dma source(%arg12 : memref<64x128xf32, #tpu.memory_space<vmem>>) target(%dma_start3A_249 : memref<64x128xf32, #tpu.memory_space<hbm>>) target_semaphore(%run_scoped3A : memref<!tpu.dma_semaphore, #tpu.memory_space<semaphore_mem>>)
      %dma_wait3A = arith.constant 0 : i32
      %dma_wait3A_250 = tpu.memref_slice %arg5[%arg0, %add3A_78, %dma_wait3A] : memref<2x10240x128xf32, #tpu.memory_space<hbm>> -> memref<1x64x128xf32, #tpu.memory_space<hbm>>
      %dma_wait3A_251 = tpu.memref_squeeze %dma_wait3A_250 : memref<1x64x128xf32, #tpu.memory_space<hbm>> -> memref<64x128xf32, #tpu.memory_space<hbm>>
      %dma_wait3A_252 = arith.constant 0 : i32
      %dma_wait3A_253 = tpu.memref_slice %arg5[%arg0, %add3A_78, %dma_wait3A_252] : memref<2x10240x128xf32, #tpu.memory_space<hbm>> -> memref<1x64x128xf32, #tpu.memory_space<hbm>>
      %dma_wait3A_254 = tpu.memref_squeeze %dma_wait3A_253 : memref<1x64x128xf32, #tpu.memory_space<hbm>> -> memref<64x128xf32, #tpu.memory_space<hbm>>
      tpu.wait_dma2 semaphore(%run_scoped3A : memref<!tpu.dma_semaphore, #tpu.memory_space<semaphore_mem>>) src(%arg12 : memref<64x128xf32, #tpu.memory_space<vmem>>) dst(%dma_wait3A_254 : memref<64x128xf32, #tpu.memory_space<hbm>>)
      tpu.yield
    }) : () -> ()
    %mul3A_79 = arith.constant 640 : i32
    %mul3A_80 = arith.muli %arg1, %mul3A_79 : i32
    %add3A_81 = arith.constant 128 : i32
    %add3A_82 = arith.addi %mul3A_80, %add3A_81 : i32
    "tpu.region"() ({
      %run_scoped3A = tpu.sem_alloc : memref<!tpu.dma_semaphore, #tpu.memory_space<semaphore_mem>>
      %dma_start3A = arith.constant 0 : i32
      %dma_start3A_245 = tpu.memref_slice %arg13[%add3A_82, %dma_start3A] : memref<10240x128xf32, #tpu.memory_space<vmem_shared>> -> memref<64x128xf32, #tpu.memory_space<vmem_shared>>
      %dma_start3A_246 = arith.constant 0 : i32
      %dma_start3A_247 = tpu.memref_slice %arg13[%add3A_82, %dma_start3A_246] : memref<10240x128xf32, #tpu.memory_space<vmem_shared>> -> memref<64x128xf32, #tpu.memory_space<vmem_shared>>
      tpu.enqueue_dma source(%dma_start3A_247 : memref<64x128xf32, #tpu.memory_space<vmem_shared>>) target(%arg12 : memref<64x128xf32, #tpu.memory_space<vmem>>) target_semaphore(%run_scoped3A : memref<!tpu.dma_semaphore, #tpu.memory_space<semaphore_mem>>)
      %dma_wait3A = arith.constant 0 : i32
      %dma_wait3A_248 = tpu.memref_slice %arg13[%add3A_82, %dma_wait3A] : memref<10240x128xf32, #tpu.memory_space<vmem_shared>> -> memref<64x128xf32, #tpu.memory_space<vmem_shared>>
      %dma_wait3A_249 = arith.constant 0 : i32
      %dma_wait3A_250 = tpu.memref_slice %arg13[%add3A_82, %dma_wait3A_249] : memref<10240x128xf32, #tpu.memory_space<vmem_shared>> -> memref<64x128xf32, #tpu.memory_space<vmem_shared>>
      tpu.wait_dma2 semaphore(%run_scoped3A : memref<!tpu.dma_semaphore, #tpu.memory_space<semaphore_mem>>) src(%dma_wait3A_250 : memref<64x128xf32, #tpu.memory_space<vmem_shared>>) dst(%arg12 : memref<64x128xf32, #tpu.memory_space<vmem>>)
      tpu.yield
    }) : () -> ()
    %add3A_83 = arith.constant 0 : i32
    %add3A_84 = arith.addi %add3A_83, %add3A_82 : i32
    "tpu.region"() ({
      %run_scoped3A = tpu.sem_alloc : memref<!tpu.dma_semaphore, #tpu.memory_space<semaphore_mem>>
      %dma_start3A = arith.constant 0 : i32
      %dma_start3A_245 = tpu.memref_slice %arg5[%arg0, %add3A_84, %dma_start3A] : memref<2x10240x128xf32, #tpu.memory_space<hbm>> -> memref<1x64x128xf32, #tpu.memory_space<hbm>>
      %dma_start3A_246 = tpu.memref_squeeze %dma_start3A_245 : memref<1x64x128xf32, #tpu.memory_space<hbm>> -> memref<64x128xf32, #tpu.memory_space<hbm>>
      %dma_start3A_247 = arith.constant 0 : i32
      %dma_start3A_248 = tpu.memref_slice %arg5[%arg0, %add3A_84, %dma_start3A_247] : memref<2x10240x128xf32, #tpu.memory_space<hbm>> -> memref<1x64x128xf32, #tpu.memory_space<hbm>>
      %dma_start3A_249 = tpu.memref_squeeze %dma_start3A_248 : memref<1x64x128xf32, #tpu.memory_space<hbm>> -> memref<64x128xf32, #tpu.memory_space<hbm>>
      tpu.enqueue_dma source(%arg12 : memref<64x128xf32, #tpu.memory_space<vmem>>) target(%dma_start3A_249 : memref<64x128xf32, #tpu.memory_space<hbm>>) target_semaphore(%run_scoped3A : memref<!tpu.dma_semaphore, #tpu.memory_space<semaphore_mem>>)
      %dma_wait3A = arith.constant 0 : i32
      %dma_wait3A_250 = tpu.memref_slice %arg5[%arg0, %add3A_84, %dma_wait3A] : memref<2x10240x128xf32, #tpu.memory_space<hbm>> -> memref<1x64x128xf32, #tpu.memory_space<hbm>>
      %dma_wait3A_251 = tpu.memref_squeeze %dma_wait3A_250 : memref<1x64x128xf32, #tpu.memory_space<hbm>> -> memref<64x128xf32, #tpu.memory_space<hbm>>
      %dma_wait3A_252 = arith.constant 0 : i32
      %dma_wait3A_253 = tpu.memref_slice %arg5[%arg0, %add3A_84, %dma_wait3A_252] : memref<2x10240x128xf32, #tpu.memory_space<hbm>> -> memref<1x64x128xf32, #tpu.memory_space<hbm>>
      %dma_wait3A_254 = tpu.memref_squeeze %dma_wait3A_253 : memref<1x64x128xf32, #tpu.memory_space<hbm>> -> memref<64x128xf32, #tpu.memory_space<hbm>>
      tpu.wait_dma2 semaphore(%run_scoped3A : memref<!tpu.dma_semaphore, #tpu.memory_space<semaphore_mem>>) src(%arg12 : memref<64x128xf32, #tpu.memory_space<vmem>>) dst(%dma_wait3A_254 : memref<64x128xf32, #tpu.memory_space<hbm>>)
      tpu.yield
    }) : () -> ()
    %mul3A_85 = arith.constant 640 : i32
    %mul3A_86 = arith.muli %arg1, %mul3A_85 : i32
    %add3A_87 = arith.constant 192 : i32
    %add3A_88 = arith.addi %mul3A_86, %add3A_87 : i32
    "tpu.region"() ({
      %run_scoped3A = tpu.sem_alloc : memref<!tpu.dma_semaphore, #tpu.memory_space<semaphore_mem>>
      %dma_start3A = arith.constant 0 : i32
      %dma_start3A_245 = tpu.memref_slice %arg13[%add3A_88, %dma_start3A] : memref<10240x128xf32, #tpu.memory_space<vmem_shared>> -> memref<64x128xf32, #tpu.memory_space<vmem_shared>>
      %dma_start3A_246 = arith.constant 0 : i32
      %dma_start3A_247 = tpu.memref_slice %arg13[%add3A_88, %dma_start3A_246] : memref<10240x128xf32, #tpu.memory_space<vmem_shared>> -> memref<64x128xf32, #tpu.memory_space<vmem_shared>>
      tpu.enqueue_dma source(%dma_start3A_247 : memref<64x128xf32, #tpu.memory_space<vmem_shared>>) target(%arg12 : memref<64x128xf32, #tpu.memory_space<vmem>>) target_semaphore(%run_scoped3A : memref<!tpu.dma_semaphore, #tpu.memory_space<semaphore_mem>>)
      %dma_wait3A = arith.constant 0 : i32
      %dma_wait3A_248 = tpu.memref_slice %arg13[%add3A_88, %dma_wait3A] : memref<10240x128xf32, #tpu.memory_space<vmem_shared>> -> memref<64x128xf32, #tpu.memory_space<vmem_shared>>
      %dma_wait3A_249 = arith.constant 0 : i32
      %dma_wait3A_250 = tpu.memref_slice %arg13[%add3A_88, %dma_wait3A_249] : memref<10240x128xf32, #tpu.memory_space<vmem_shared>> -> memref<64x128xf32, #tpu.memory_space<vmem_shared>>
      tpu.wait_dma2 semaphore(%run_scoped3A : memref<!tpu.dma_semaphore, #tpu.memory_space<semaphore_mem>>) src(%dma_wait3A_250 : memref<64x128xf32, #tpu.memory_space<vmem_shared>>) dst(%arg12 : memref<64x128xf32, #tpu.memory_space<vmem>>)
      tpu.yield
    }) : () -> ()
    %add3A_89 = arith.constant 0 : i32
    %add3A_90 = arith.addi %add3A_89, %add3A_88 : i32
    "tpu.region"() ({
      %run_scoped3A = tpu.sem_alloc : memref<!tpu.dma_semaphore, #tpu.memory_space<semaphore_mem>>
      %dma_start3A = arith.constant 0 : i32
      %dma_start3A_245 = tpu.memref_slice %arg5[%arg0, %add3A_90, %dma_start3A] : memref<2x10240x128xf32, #tpu.memory_space<hbm>> -> memref<1x64x128xf32, #tpu.memory_space<hbm>>
      %dma_start3A_246 = tpu.memref_squeeze %dma_start3A_245 : memref<1x64x128xf32, #tpu.memory_space<hbm>> -> memref<64x128xf32, #tpu.memory_space<hbm>>
      %dma_start3A_247 = arith.constant 0 : i32
      %dma_start3A_248 = tpu.memref_slice %arg5[%arg0, %add3A_90, %dma_start3A_247] : memref<2x10240x128xf32, #tpu.memory_space<hbm>> -> memref<1x64x128xf32, #tpu.memory_space<hbm>>
      %dma_start3A_249 = tpu.memref_squeeze %dma_start3A_248 : memref<1x64x128xf32, #tpu.memory_space<hbm>> -> memref<64x128xf32, #tpu.memory_space<hbm>>
      tpu.enqueue_dma source(%arg12 : memref<64x128xf32, #tpu.memory_space<vmem>>) target(%dma_start3A_249 : memref<64x128xf32, #tpu.memory_space<hbm>>) target_semaphore(%run_scoped3A : memref<!tpu.dma_semaphore, #tpu.memory_space<semaphore_mem>>)
      %dma_wait3A = arith.constant 0 : i32
      %dma_wait3A_250 = tpu.memref_slice %arg5[%arg0, %add3A_90, %dma_wait3A] : memref<2x10240x128xf32, #tpu.memory_space<hbm>> -> memref<1x64x128xf32, #tpu.memory_space<hbm>>
      %dma_wait3A_251 = tpu.memref_squeeze %dma_wait3A_250 : memref<1x64x128xf32, #tpu.memory_space<hbm>> -> memref<64x128xf32, #tpu.memory_space<hbm>>
      %dma_wait3A_252 = arith.constant 0 : i32
      %dma_wait3A_253 = tpu.memref_slice %arg5[%arg0, %add3A_90, %dma_wait3A_252] : memref<2x10240x128xf32, #tpu.memory_space<hbm>> -> memref<1x64x128xf32, #tpu.memory_space<hbm>>
      %dma_wait3A_254 = tpu.memref_squeeze %dma_wait3A_253 : memref<1x64x128xf32, #tpu.memory_space<hbm>> -> memref<64x128xf32, #tpu.memory_space<hbm>>
      tpu.wait_dma2 semaphore(%run_scoped3A : memref<!tpu.dma_semaphore, #tpu.memory_space<semaphore_mem>>) src(%arg12 : memref<64x128xf32, #tpu.memory_space<vmem>>) dst(%dma_wait3A_254 : memref<64x128xf32, #tpu.memory_space<hbm>>)
      tpu.yield
    }) : () -> ()
    %mul3A_91 = arith.constant 640 : i32
    %mul3A_92 = arith.muli %arg1, %mul3A_91 : i32
    %add3A_93 = arith.constant 256 : i32
    %add3A_94 = arith.addi %mul3A_92, %add3A_93 : i32
    "tpu.region"() ({
      %run_scoped3A = tpu.sem_alloc : memref<!tpu.dma_semaphore, #tpu.memory_space<semaphore_mem>>
      %dma_start3A = arith.constant 0 : i32
      %dma_start3A_245 = tpu.memref_slice %arg13[%add3A_94, %dma_start3A] : memref<10240x128xf32, #tpu.memory_space<vmem_shared>> -> memref<64x128xf32, #tpu.memory_space<vmem_shared>>
      %dma_start3A_246 = arith.constant 0 : i32
      %dma_start3A_247 = tpu.memref_slice %arg13[%add3A_94, %dma_start3A_246] : memref<10240x128xf32, #tpu.memory_space<vmem_shared>> -> memref<64x128xf32, #tpu.memory_space<vmem_shared>>
      tpu.enqueue_dma source(%dma_start3A_247 : memref<64x128xf32, #tpu.memory_space<vmem_shared>>) target(%arg12 : memref<64x128xf32, #tpu.memory_space<vmem>>) target_semaphore(%run_scoped3A : memref<!tpu.dma_semaphore, #tpu.memory_space<semaphore_mem>>)
      %dma_wait3A = arith.constant 0 : i32
      %dma_wait3A_248 = tpu.memref_slice %arg13[%add3A_94, %dma_wait3A] : memref<10240x128xf32, #tpu.memory_space<vmem_shared>> -> memref<64x128xf32, #tpu.memory_space<vmem_shared>>
      %dma_wait3A_249 = arith.constant 0 : i32
      %dma_wait3A_250 = tpu.memref_slice %arg13[%add3A_94, %dma_wait3A_249] : memref<10240x128xf32, #tpu.memory_space<vmem_shared>> -> memref<64x128xf32, #tpu.memory_space<vmem_shared>>
      tpu.wait_dma2 semaphore(%run_scoped3A : memref<!tpu.dma_semaphore, #tpu.memory_space<semaphore_mem>>) src(%dma_wait3A_250 : memref<64x128xf32, #tpu.memory_space<vmem_shared>>) dst(%arg12 : memref<64x128xf32, #tpu.memory_space<vmem>>)
      tpu.yield
    }) : () -> ()
    %add3A_95 = arith.constant 0 : i32
    %add3A_96 = arith.addi %add3A_95, %add3A_94 : i32
    "tpu.region"() ({
      %run_scoped3A = tpu.sem_alloc : memref<!tpu.dma_semaphore, #tpu.memory_space<semaphore_mem>>
      %dma_start3A = arith.constant 0 : i32
      %dma_start3A_245 = tpu.memref_slice %arg5[%arg0, %add3A_96, %dma_start3A] : memref<2x10240x128xf32, #tpu.memory_space<hbm>> -> memref<1x64x128xf32, #tpu.memory_space<hbm>>
      %dma_start3A_246 = tpu.memref_squeeze %dma_start3A_245 : memref<1x64x128xf32, #tpu.memory_space<hbm>> -> memref<64x128xf32, #tpu.memory_space<hbm>>
      %dma_start3A_247 = arith.constant 0 : i32
      %dma_start3A_248 = tpu.memref_slice %arg5[%arg0, %add3A_96, %dma_start3A_247] : memref<2x10240x128xf32, #tpu.memory_space<hbm>> -> memref<1x64x128xf32, #tpu.memory_space<hbm>>
      %dma_start3A_249 = tpu.memref_squeeze %dma_start3A_248 : memref<1x64x128xf32, #tpu.memory_space<hbm>> -> memref<64x128xf32, #tpu.memory_space<hbm>>
      tpu.enqueue_dma source(%arg12 : memref<64x128xf32, #tpu.memory_space<vmem>>) target(%dma_start3A_249 : memref<64x128xf32, #tpu.memory_space<hbm>>) target_semaphore(%run_scoped3A : memref<!tpu.dma_semaphore, #tpu.memory_space<semaphore_mem>>)
      %dma_wait3A = arith.constant 0 : i32
      %dma_wait3A_250 = tpu.memref_slice %arg5[%arg0, %add3A_96, %dma_wait3A] : memref<2x10240x128xf32, #tpu.memory_space<hbm>> -> memref<1x64x128xf32, #tpu.memory_space<hbm>>
      %dma_wait3A_251 = tpu.memref_squeeze %dma_wait3A_250 : memref<1x64x128xf32, #tpu.memory_space<hbm>> -> memref<64x128xf32, #tpu.memory_space<hbm>>
      %dma_wait3A_252 = arith.constant 0 : i32
      %dma_wait3A_253 = tpu.memref_slice %arg5[%arg0, %add3A_96, %dma_wait3A_252] : memref<2x10240x128xf32, #tpu.memory_space<hbm>> -> memref<1x64x128xf32, #tpu.memory_space<hbm>>
      %dma_wait3A_254 = tpu.memref_squeeze %dma_wait3A_253 : memref<1x64x128xf32, #tpu.memory_space<hbm>> -> memref<64x128xf32, #tpu.memory_space<hbm>>
      tpu.wait_dma2 semaphore(%run_scoped3A : memref<!tpu.dma_semaphore, #tpu.memory_space<semaphore_mem>>) src(%arg12 : memref<64x128xf32, #tpu.memory_space<vmem>>) dst(%dma_wait3A_254 : memref<64x128xf32, #tpu.memory_space<hbm>>)
      tpu.yield
    }) : () -> ()
    %mul3A_97 = arith.constant 640 : i32
    %mul3A_98 = arith.muli %arg1, %mul3A_97 : i32
    %add3A_99 = arith.constant 320 : i32
    %add3A_100 = arith.addi %mul3A_98, %add3A_99 : i32
    "tpu.region"() ({
      %run_scoped3A = tpu.sem_alloc : memref<!tpu.dma_semaphore, #tpu.memory_space<semaphore_mem>>
      %dma_start3A = arith.constant 0 : i32
      %dma_start3A_245 = tpu.memref_slice %arg13[%add3A_100, %dma_start3A] : memref<10240x128xf32, #tpu.memory_space<vmem_shared>> -> memref<64x128xf32, #tpu.memory_space<vmem_shared>>
      %dma_start3A_246 = arith.constant 0 : i32
      %dma_start3A_247 = tpu.memref_slice %arg13[%add3A_100, %dma_start3A_246] : memref<10240x128xf32, #tpu.memory_space<vmem_shared>> -> memref<64x128xf32, #tpu.memory_space<vmem_shared>>
      tpu.enqueue_dma source(%dma_start3A_247 : memref<64x128xf32, #tpu.memory_space<vmem_shared>>) target(%arg12 : memref<64x128xf32, #tpu.memory_space<vmem>>) target_semaphore(%run_scoped3A : memref<!tpu.dma_semaphore, #tpu.memory_space<semaphore_mem>>)
      %dma_wait3A = arith.constant 0 : i32
      %dma_wait3A_248 = tpu.memref_slice %arg13[%add3A_100, %dma_wait3A] : memref<10240x128xf32, #tpu.memory_space<vmem_shared>> -> memref<64x128xf32, #tpu.memory_space<vmem_shared>>
      %dma_wait3A_249 = arith.constant 0 : i32
      %dma_wait3A_250 = tpu.memref_slice %arg13[%add3A_100, %dma_wait3A_249] : memref<10240x128xf32, #tpu.memory_space<vmem_shared>> -> memref<64x128xf32, #tpu.memory_space<vmem_shared>>
      tpu.wait_dma2 semaphore(%run_scoped3A : memref<!tpu.dma_semaphore, #tpu.memory_space<semaphore_mem>>) src(%dma_wait3A_250 : memref<64x128xf32, #tpu.memory_space<vmem_shared>>) dst(%arg12 : memref<64x128xf32, #tpu.memory_space<vmem>>)
      tpu.yield
    }) : () -> ()
    %add3A_101 = arith.constant 0 : i32
    %add3A_102 = arith.addi %add3A_101, %add3A_100 : i32
    "tpu.region"() ({
      %run_scoped3A = tpu.sem_alloc : memref<!tpu.dma_semaphore, #tpu.memory_space<semaphore_mem>>
      %dma_start3A = arith.constant 0 : i32
      %dma_start3A_245 = tpu.memref_slice %arg5[%arg0, %add3A_102, %dma_start3A] : memref<2x10240x128xf32, #tpu.memory_space<hbm>> -> memref<1x64x128xf32, #tpu.memory_space<hbm>>
      %dma_start3A_246 = tpu.memref_squeeze %dma_start3A_245 : memref<1x64x128xf32, #tpu.memory_space<hbm>> -> memref<64x128xf32, #tpu.memory_space<hbm>>
      %dma_start3A_247 = arith.constant 0 : i32
      %dma_start3A_248 = tpu.memref_slice %arg5[%arg0, %add3A_102, %dma_start3A_247] : memref<2x10240x128xf32, #tpu.memory_space<hbm>> -> memref<1x64x128xf32, #tpu.memory_space<hbm>>
      %dma_start3A_249 = tpu.memref_squeeze %dma_start3A_248 : memref<1x64x128xf32, #tpu.memory_space<hbm>> -> memref<64x128xf32, #tpu.memory_space<hbm>>
      tpu.enqueue_dma source(%arg12 : memref<64x128xf32, #tpu.memory_space<vmem>>) target(%dma_start3A_249 : memref<64x128xf32, #tpu.memory_space<hbm>>) target_semaphore(%run_scoped3A : memref<!tpu.dma_semaphore, #tpu.memory_space<semaphore_mem>>)
      %dma_wait3A = arith.constant 0 : i32
      %dma_wait3A_250 = tpu.memref_slice %arg5[%arg0, %add3A_102, %dma_wait3A] : memref<2x10240x128xf32, #tpu.memory_space<hbm>> -> memref<1x64x128xf32, #tpu.memory_space<hbm>>
      %dma_wait3A_251 = tpu.memref_squeeze %dma_wait3A_250 : memref<1x64x128xf32, #tpu.memory_space<hbm>> -> memref<64x128xf32, #tpu.memory_space<hbm>>
      %dma_wait3A_252 = arith.constant 0 : i32
      %dma_wait3A_253 = tpu.memref_slice %arg5[%arg0, %add3A_102, %dma_wait3A_252] : memref<2x10240x128xf32, #tpu.memory_space<hbm>> -> memref<1x64x128xf32, #tpu.memory_space<hbm>>
      %dma_wait3A_254 = tpu.memref_squeeze %dma_wait3A_253 : memref<1x64x128xf32, #tpu.memory_space<hbm>> -> memref<64x128xf32, #tpu.memory_space<hbm>>
      tpu.wait_dma2 semaphore(%run_scoped3A : memref<!tpu.dma_semaphore, #tpu.memory_space<semaphore_mem>>) src(%arg12 : memref<64x128xf32, #tpu.memory_space<vmem>>) dst(%dma_wait3A_254 : memref<64x128xf32, #tpu.memory_space<hbm>>)
      tpu.yield
    }) : () -> ()
    %mul3A_103 = arith.constant 640 : i32
    %mul3A_104 = arith.muli %arg1, %mul3A_103 : i32
    %add3A_105 = arith.constant 384 : i32
    %add3A_106 = arith.addi %mul3A_104, %add3A_105 : i32
    "tpu.region"() ({
      %run_scoped3A = tpu.sem_alloc : memref<!tpu.dma_semaphore, #tpu.memory_space<semaphore_mem>>
      %dma_start3A = arith.constant 0 : i32
      %dma_start3A_245 = tpu.memref_slice %arg13[%add3A_106, %dma_start3A] : memref<10240x128xf32, #tpu.memory_space<vmem_shared>> -> memref<64x128xf32, #tpu.memory_space<vmem_shared>>
      %dma_start3A_246 = arith.constant 0 : i32
      %dma_start3A_247 = tpu.memref_slice %arg13[%add3A_106, %dma_start3A_246] : memref<10240x128xf32, #tpu.memory_space<vmem_shared>> -> memref<64x128xf32, #tpu.memory_space<vmem_shared>>
      tpu.enqueue_dma source(%dma_start3A_247 : memref<64x128xf32, #tpu.memory_space<vmem_shared>>) target(%arg12 : memref<64x128xf32, #tpu.memory_space<vmem>>) target_semaphore(%run_scoped3A : memref<!tpu.dma_semaphore, #tpu.memory_space<semaphore_mem>>)
      %dma_wait3A = arith.constant 0 : i32
      %dma_wait3A_248 = tpu.memref_slice %arg13[%add3A_106, %dma_wait3A] : memref<10240x128xf32, #tpu.memory_space<vmem_shared>> -> memref<64x128xf32, #tpu.memory_space<vmem_shared>>
      %dma_wait3A_249 = arith.constant 0 : i32
      %dma_wait3A_250 = tpu.memref_slice %arg13[%add3A_106, %dma_wait3A_249] : memref<10240x128xf32, #tpu.memory_space<vmem_shared>> -> memref<64x128xf32, #tpu.memory_space<vmem_shared>>
      tpu.wait_dma2 semaphore(%run_scoped3A : memref<!tpu.dma_semaphore, #tpu.memory_space<semaphore_mem>>) src(%dma_wait3A_250 : memref<64x128xf32, #tpu.memory_space<vmem_shared>>) dst(%arg12 : memref<64x128xf32, #tpu.memory_space<vmem>>)
      tpu.yield
    }) : () -> ()
    %add3A_107 = arith.constant 0 : i32
    %add3A_108 = arith.addi %add3A_107, %add3A_106 : i32
    "tpu.region"() ({
      %run_scoped3A = tpu.sem_alloc : memref<!tpu.dma_semaphore, #tpu.memory_space<semaphore_mem>>
      %dma_start3A = arith.constant 0 : i32
      %dma_start3A_245 = tpu.memref_slice %arg5[%arg0, %add3A_108, %dma_start3A] : memref<2x10240x128xf32, #tpu.memory_space<hbm>> -> memref<1x64x128xf32, #tpu.memory_space<hbm>>
      %dma_start3A_246 = tpu.memref_squeeze %dma_start3A_245 : memref<1x64x128xf32, #tpu.memory_space<hbm>> -> memref<64x128xf32, #tpu.memory_space<hbm>>
      %dma_start3A_247 = arith.constant 0 : i32
      %dma_start3A_248 = tpu.memref_slice %arg5[%arg0, %add3A_108, %dma_start3A_247] : memref<2x10240x128xf32, #tpu.memory_space<hbm>> -> memref<1x64x128xf32, #tpu.memory_space<hbm>>
      %dma_start3A_249 = tpu.memref_squeeze %dma_start3A_248 : memref<1x64x128xf32, #tpu.memory_space<hbm>> -> memref<64x128xf32, #tpu.memory_space<hbm>>
      tpu.enqueue_dma source(%arg12 : memref<64x128xf32, #tpu.memory_space<vmem>>) target(%dma_start3A_249 : memref<64x128xf32, #tpu.memory_space<hbm>>) target_semaphore(%run_scoped3A : memref<!tpu.dma_semaphore, #tpu.memory_space<semaphore_mem>>)
      %dma_wait3A = arith.constant 0 : i32
      %dma_wait3A_250 = tpu.memref_slice %arg5[%arg0, %add3A_108, %dma_wait3A] : memref<2x10240x128xf32, #tpu.memory_space<hbm>> -> memref<1x64x128xf32, #tpu.memory_space<hbm>>
      %dma_wait3A_251 = tpu.memref_squeeze %dma_wait3A_250 : memref<1x64x128xf32, #tpu.memory_space<hbm>> -> memref<64x128xf32, #tpu.memory_space<hbm>>
      %dma_wait3A_252 = arith.constant 0 : i32
      %dma_wait3A_253 = tpu.memref_slice %arg5[%arg0, %add3A_108, %dma_wait3A_252] : memref<2x10240x128xf32, #tpu.memory_space<hbm>> -> memref<1x64x128xf32, #tpu.memory_space<hbm>>
      %dma_wait3A_254 = tpu.memref_squeeze %dma_wait3A_253 : memref<1x64x128xf32, #tpu.memory_space<hbm>> -> memref<64x128xf32, #tpu.memory_space<hbm>>
      tpu.wait_dma2 semaphore(%run_scoped3A : memref<!tpu.dma_semaphore, #tpu.memory_space<semaphore_mem>>) src(%arg12 : memref<64x128xf32, #tpu.memory_space<vmem>>) dst(%dma_wait3A_254 : memref<64x128xf32, #tpu.memory_space<hbm>>)
      tpu.yield
    }) : () -> ()
    %mul3A_109 = arith.constant 640 : i32
    %mul3A_110 = arith.muli %arg1, %mul3A_109 : i32
    %add3A_111 = arith.constant 448 : i32
    %add3A_112 = arith.addi %mul3A_110, %add3A_111 : i32
    "tpu.region"() ({
      %run_scoped3A = tpu.sem_alloc : memref<!tpu.dma_semaphore, #tpu.memory_space<semaphore_mem>>
      %dma_start3A = arith.constant 0 : i32
      %dma_start3A_245 = tpu.memref_slice %arg13[%add3A_112, %dma_start3A] : memref<10240x128xf32, #tpu.memory_space<vmem_shared>> -> memref<64x128xf32, #tpu.memory_space<vmem_shared>>
      %dma_start3A_246 = arith.constant 0 : i32
      %dma_start3A_247 = tpu.memref_slice %arg13[%add3A_112, %dma_start3A_246] : memref<10240x128xf32, #tpu.memory_space<vmem_shared>> -> memref<64x128xf32, #tpu.memory_space<vmem_shared>>
      tpu.enqueue_dma source(%dma_start3A_247 : memref<64x128xf32, #tpu.memory_space<vmem_shared>>) target(%arg12 : memref<64x128xf32, #tpu.memory_space<vmem>>) target_semaphore(%run_scoped3A : memref<!tpu.dma_semaphore, #tpu.memory_space<semaphore_mem>>)
      %dma_wait3A = arith.constant 0 : i32
      %dma_wait3A_248 = tpu.memref_slice %arg13[%add3A_112, %dma_wait3A] : memref<10240x128xf32, #tpu.memory_space<vmem_shared>> -> memref<64x128xf32, #tpu.memory_space<vmem_shared>>
      %dma_wait3A_249 = arith.constant 0 : i32
      %dma_wait3A_250 = tpu.memref_slice %arg13[%add3A_112, %dma_wait3A_249] : memref<10240x128xf32, #tpu.memory_space<vmem_shared>> -> memref<64x128xf32, #tpu.memory_space<vmem_shared>>
      tpu.wait_dma2 semaphore(%run_scoped3A : memref<!tpu.dma_semaphore, #tpu.memory_space<semaphore_mem>>) src(%dma_wait3A_250 : memref<64x128xf32, #tpu.memory_space<vmem_shared>>) dst(%arg12 : memref<64x128xf32, #tpu.memory_space<vmem>>)
      tpu.yield
    }) : () -> ()
    %add3A_113 = arith.constant 0 : i32
    %add3A_114 = arith.addi %add3A_113, %add3A_112 : i32
    "tpu.region"() ({
      %run_scoped3A = tpu.sem_alloc : memref<!tpu.dma_semaphore, #tpu.memory_space<semaphore_mem>>
      %dma_start3A = arith.constant 0 : i32
      %dma_start3A_245 = tpu.memref_slice %arg5[%arg0, %add3A_114, %dma_start3A] : memref<2x10240x128xf32, #tpu.memory_space<hbm>> -> memref<1x64x128xf32, #tpu.memory_space<hbm>>
      %dma_start3A_246 = tpu.memref_squeeze %dma_start3A_245 : memref<1x64x128xf32, #tpu.memory_space<hbm>> -> memref<64x128xf32, #tpu.memory_space<hbm>>
      %dma_start3A_247 = arith.constant 0 : i32
      %dma_start3A_248 = tpu.memref_slice %arg5[%arg0, %add3A_114, %dma_start3A_247] : memref<2x10240x128xf32, #tpu.memory_space<hbm>> -> memref<1x64x128xf32, #tpu.memory_space<hbm>>
      %dma_start3A_249 = tpu.memref_squeeze %dma_start3A_248 : memref<1x64x128xf32, #tpu.memory_space<hbm>> -> memref<64x128xf32, #tpu.memory_space<hbm>>
      tpu.enqueue_dma source(%arg12 : memref<64x128xf32, #tpu.memory_space<vmem>>) target(%dma_start3A_249 : memref<64x128xf32, #tpu.memory_space<hbm>>) target_semaphore(%run_scoped3A : memref<!tpu.dma_semaphore, #tpu.memory_space<semaphore_mem>>)
      %dma_wait3A = arith.constant 0 : i32
      %dma_wait3A_250 = tpu.memref_slice %arg5[%arg0, %add3A_114, %dma_wait3A] : memref<2x10240x128xf32, #tpu.memory_space<hbm>> -> memref<1x64x128xf32, #tpu.memory_space<hbm>>
      %dma_wait3A_251 = tpu.memref_squeeze %dma_wait3A_250 : memref<1x64x128xf32, #tpu.memory_space<hbm>> -> memref<64x128xf32, #tpu.memory_space<hbm>>
      %dma_wait3A_252 = arith.constant 0 : i32
      %dma_wait3A_253 = tpu.memref_slice %arg5[%arg0, %add3A_114, %dma_wait3A_252] : memref<2x10240x128xf32, #tpu.memory_space<hbm>> -> memref<1x64x128xf32, #tpu.memory_space<hbm>>
      %dma_wait3A_254 = tpu.memref_squeeze %dma_wait3A_253 : memref<1x64x128xf32, #tpu.memory_space<hbm>> -> memref<64x128xf32, #tpu.memory_space<hbm>>
      tpu.wait_dma2 semaphore(%run_scoped3A : memref<!tpu.dma_semaphore, #tpu.memory_space<semaphore_mem>>) src(%arg12 : memref<64x128xf32, #tpu.memory_space<vmem>>) dst(%dma_wait3A_254 : memref<64x128xf32, #tpu.memory_space<hbm>>)
      tpu.yield
    }) : () -> ()
    %mul3A_115 = arith.constant 640 : i32
    %mul3A_116 = arith.muli %arg1, %mul3A_115 : i32
    %add3A_117 = arith.constant 512 : i32
    %add3A_118 = arith.addi %mul3A_116, %add3A_117 : i32
    "tpu.region"() ({
      %run_scoped3A = tpu.sem_alloc : memref<!tpu.dma_semaphore, #tpu.memory_space<semaphore_mem>>
      %dma_start3A = arith.constant 0 : i32
      %dma_start3A_245 = tpu.memref_slice %arg13[%add3A_118, %dma_start3A] : memref<10240x128xf32, #tpu.memory_space<vmem_shared>> -> memref<64x128xf32, #tpu.memory_space<vmem_shared>>
      %dma_start3A_246 = arith.constant 0 : i32
      %dma_start3A_247 = tpu.memref_slice %arg13[%add3A_118, %dma_start3A_246] : memref<10240x128xf32, #tpu.memory_space<vmem_shared>> -> memref<64x128xf32, #tpu.memory_space<vmem_shared>>
      tpu.enqueue_dma source(%dma_start3A_247 : memref<64x128xf32, #tpu.memory_space<vmem_shared>>) target(%arg12 : memref<64x128xf32, #tpu.memory_space<vmem>>) target_semaphore(%run_scoped3A : memref<!tpu.dma_semaphore, #tpu.memory_space<semaphore_mem>>)
      %dma_wait3A = arith.constant 0 : i32
      %dma_wait3A_248 = tpu.memref_slice %arg13[%add3A_118, %dma_wait3A] : memref<10240x128xf32, #tpu.memory_space<vmem_shared>> -> memref<64x128xf32, #tpu.memory_space<vmem_shared>>
      %dma_wait3A_249 = arith.constant 0 : i32
      %dma_wait3A_250 = tpu.memref_slice %arg13[%add3A_118, %dma_wait3A_249] : memref<10240x128xf32, #tpu.memory_space<vmem_shared>> -> memref<64x128xf32, #tpu.memory_space<vmem_shared>>
      tpu.wait_dma2 semaphore(%run_scoped3A : memref<!tpu.dma_semaphore, #tpu.memory_space<semaphore_mem>>) src(%dma_wait3A_250 : memref<64x128xf32, #tpu.memory_space<vmem_shared>>) dst(%arg12 : memref<64x128xf32, #tpu.memory_space<vmem>>)
      tpu.yield
    }) : () -> ()
    %add3A_119 = arith.constant 0 : i32
    %add3A_120 = arith.addi %add3A_119, %add3A_118 : i32
    "tpu.region"() ({
      %run_scoped3A = tpu.sem_alloc : memref<!tpu.dma_semaphore, #tpu.memory_space<semaphore_mem>>
      %dma_start3A = arith.constant 0 : i32
      %dma_start3A_245 = tpu.memref_slice %arg5[%arg0, %add3A_120, %dma_start3A] : memref<2x10240x128xf32, #tpu.memory_space<hbm>> -> memref<1x64x128xf32, #tpu.memory_space<hbm>>
      %dma_start3A_246 = tpu.memref_squeeze %dma_start3A_245 : memref<1x64x128xf32, #tpu.memory_space<hbm>> -> memref<64x128xf32, #tpu.memory_space<hbm>>
      %dma_start3A_247 = arith.constant 0 : i32
      %dma_start3A_248 = tpu.memref_slice %arg5[%arg0, %add3A_120, %dma_start3A_247] : memref<2x10240x128xf32, #tpu.memory_space<hbm>> -> memref<1x64x128xf32, #tpu.memory_space<hbm>>
      %dma_start3A_249 = tpu.memref_squeeze %dma_start3A_248 : memref<1x64x128xf32, #tpu.memory_space<hbm>> -> memref<64x128xf32, #tpu.memory_space<hbm>>
      tpu.enqueue_dma source(%arg12 : memref<64x128xf32, #tpu.memory_space<vmem>>) target(%dma_start3A_249 : memref<64x128xf32, #tpu.memory_space<hbm>>) target_semaphore(%run_scoped3A : memref<!tpu.dma_semaphore, #tpu.memory_space<semaphore_mem>>)
      %dma_wait3A = arith.constant 0 : i32
      %dma_wait3A_250 = tpu.memref_slice %arg5[%arg0, %add3A_120, %dma_wait3A] : memref<2x10240x128xf32, #tpu.memory_space<hbm>> -> memref<1x64x128xf32, #tpu.memory_space<hbm>>
      %dma_wait3A_251 = tpu.memref_squeeze %dma_wait3A_250 : memref<1x64x128xf32, #tpu.memory_space<hbm>> -> memref<64x128xf32, #tpu.memory_space<hbm>>
      %dma_wait3A_252 = arith.constant 0 : i32
      %dma_wait3A_253 = tpu.memref_slice %arg5[%arg0, %add3A_120, %dma_wait3A_252] : memref<2x10240x128xf32, #tpu.memory_space<hbm>> -> memref<1x64x128xf32, #tpu.memory_space<hbm>>
      %dma_wait3A_254 = tpu.memref_squeeze %dma_wait3A_253 : memref<1x64x128xf32, #tpu.memory_space<hbm>> -> memref<64x128xf32, #tpu.memory_space<hbm>>
      tpu.wait_dma2 semaphore(%run_scoped3A : memref<!tpu.dma_semaphore, #tpu.memory_space<semaphore_mem>>) src(%arg12 : memref<64x128xf32, #tpu.memory_space<vmem>>) dst(%dma_wait3A_254 : memref<64x128xf32, #tpu.memory_space<hbm>>)
      tpu.yield
    }) : () -> ()
    %mul3A_121 = arith.constant 640 : i32
    %mul3A_122 = arith.muli %arg1, %mul3A_121 : i32
    %add3A_123 = arith.constant 576 : i32
    %add3A_124 = arith.addi %mul3A_122, %add3A_123 : i32
    "tpu.region"() ({
      %run_scoped3A = tpu.sem_alloc : memref<!tpu.dma_semaphore, #tpu.memory_space<semaphore_mem>>
      %dma_start3A = arith.constant 0 : i32
      %dma_start3A_245 = tpu.memref_slice %arg13[%add3A_124, %dma_start3A] : memref<10240x128xf32, #tpu.memory_space<vmem_shared>> -> memref<64x128xf32, #tpu.memory_space<vmem_shared>>
      %dma_start3A_246 = arith.constant 0 : i32
      %dma_start3A_247 = tpu.memref_slice %arg13[%add3A_124, %dma_start3A_246] : memref<10240x128xf32, #tpu.memory_space<vmem_shared>> -> memref<64x128xf32, #tpu.memory_space<vmem_shared>>
      tpu.enqueue_dma source(%dma_start3A_247 : memref<64x128xf32, #tpu.memory_space<vmem_shared>>) target(%arg12 : memref<64x128xf32, #tpu.memory_space<vmem>>) target_semaphore(%run_scoped3A : memref<!tpu.dma_semaphore, #tpu.memory_space<semaphore_mem>>)
      %dma_wait3A = arith.constant 0 : i32
      %dma_wait3A_248 = tpu.memref_slice %arg13[%add3A_124, %dma_wait3A] : memref<10240x128xf32, #tpu.memory_space<vmem_shared>> -> memref<64x128xf32, #tpu.memory_space<vmem_shared>>
      %dma_wait3A_249 = arith.constant 0 : i32
      %dma_wait3A_250 = tpu.memref_slice %arg13[%add3A_124, %dma_wait3A_249] : memref<10240x128xf32, #tpu.memory_space<vmem_shared>> -> memref<64x128xf32, #tpu.memory_space<vmem_shared>>
      tpu.wait_dma2 semaphore(%run_scoped3A : memref<!tpu.dma_semaphore, #tpu.memory_space<semaphore_mem>>) src(%dma_wait3A_250 : memref<64x128xf32, #tpu.memory_space<vmem_shared>>) dst(%arg12 : memref<64x128xf32, #tpu.memory_space<vmem>>)
      tpu.yield
    }) : () -> ()
    %add3A_125 = arith.constant 0 : i32
    %add3A_126 = arith.addi %add3A_125, %add3A_124 : i32
    "tpu.region"() ({
      %run_scoped3A = tpu.sem_alloc : memref<!tpu.dma_semaphore, #tpu.memory_space<semaphore_mem>>
      %dma_start3A = arith.constant 0 : i32
      %dma_start3A_245 = tpu.memref_slice %arg5[%arg0, %add3A_126, %dma_start3A] : memref<2x10240x128xf32, #tpu.memory_space<hbm>> -> memref<1x64x128xf32, #tpu.memory_space<hbm>>
      %dma_start3A_246 = tpu.memref_squeeze %dma_start3A_245 : memref<1x64x128xf32, #tpu.memory_space<hbm>> -> memref<64x128xf32, #tpu.memory_space<hbm>>
      %dma_start3A_247 = arith.constant 0 : i32
      %dma_start3A_248 = tpu.memref_slice %arg5[%arg0, %add3A_126, %dma_start3A_247] : memref<2x10240x128xf32, #tpu.memory_space<hbm>> -> memref<1x64x128xf32, #tpu.memory_space<hbm>>
      %dma_start3A_249 = tpu.memref_squeeze %dma_start3A_248 : memref<1x64x128xf32, #tpu.memory_space<hbm>> -> memref<64x128xf32, #tpu.memory_space<hbm>>
      tpu.enqueue_dma source(%arg12 : memref<64x128xf32, #tpu.memory_space<vmem>>) target(%dma_start3A_249 : memref<64x128xf32, #tpu.memory_space<hbm>>) target_semaphore(%run_scoped3A : memref<!tpu.dma_semaphore, #tpu.memory_space<semaphore_mem>>)
      %dma_wait3A = arith.constant 0 : i32
      %dma_wait3A_250 = tpu.memref_slice %arg5[%arg0, %add3A_126, %dma_wait3A] : memref<2x10240x128xf32, #tpu.memory_space<hbm>> -> memref<1x64x128xf32, #tpu.memory_space<hbm>>
      %dma_wait3A_251 = tpu.memref_squeeze %dma_wait3A_250 : memref<1x64x128xf32, #tpu.memory_space<hbm>> -> memref<64x128xf32, #tpu.memory_space<hbm>>
      %dma_wait3A_252 = arith.constant 0 : i32
      %dma_wait3A_253 = tpu.memref_slice %arg5[%arg0, %add3A_126, %dma_wait3A_252] : memref<2x10240x128xf32, #tpu.memory_space<hbm>> -> memref<1x64x128xf32, #tpu.memory_space<hbm>>
      %dma_wait3A_254 = tpu.memref_squeeze %dma_wait3A_253 : memref<1x64x128xf32, #tpu.memory_space<hbm>> -> memref<64x128xf32, #tpu.memory_space<hbm>>
      tpu.wait_dma2 semaphore(%run_scoped3A : memref<!tpu.dma_semaphore, #tpu.memory_space<semaphore_mem>>) src(%arg12 : memref<64x128xf32, #tpu.memory_space<vmem>>) dst(%dma_wait3A_254 : memref<64x128xf32, #tpu.memory_space<hbm>>)
      tpu.yield
    }) : () -> ()
    %barrier3A_127 = arith.constant 0 : index
    tpu.barrier barrier_id(%barrier3A_127)
    %scan3A_128 = arith.constant 0 : i32
    %scan3A_129 = arith.constant 0 : i32
    %scan3A_130 = arith.constant 64 : i32
    %scan3A_131 = arith.addi %scan3A_129, %scan3A_130 : i32
    %scan3A_132 = arith.constant 1 : i32
    %scan3A_133 = scf.for %scan3A_245 = %scan3A_129 to %scan3A_131 step %scan3A_132 iter_args(%scan3A_246 = %scan3A_128) -> (i32)  : i32 {
      %swap3A = arith.index_cast %scan3A_245 : i32 to index
      %swap3A_247 = arith.constant 0 : index
      %swap3A_248 = tpu.vector_load %arg12[%swap3A, %swap3A_247] {strides = array<i32>} : memref<64x128xf32, #tpu.memory_space<vmem>>, vector<1x16xf32>,
      %swap3A_249 = vector.shape_cast %swap3A_248 : vector<1x16xf32> to vector<16xf32>
      %swap3A_250 = vector.shape_cast %broadcast_in_dim3A_5 : vector<16xf32> to vector<1x16xf32>
      tpu.vector_store %arg12[%swap3A, %swap3A_247], %swap3A_250 {strides = array<i32>} : memref<64x128xf32, #tpu.memory_space<vmem>>, vector<1x16xf32>,
      %swap3A_251 = arith.index_cast %scan3A_245 : i32 to index
      %swap3A_252 = arith.constant 16 : index
      %swap3A_253 = tpu.vector_load %arg12[%swap3A_251, %swap3A_252] {strides = array<i32>} : memref<64x128xf32, #tpu.memory_space<vmem>>, vector<1x16xf32>,
      %swap3A_254 = vector.shape_cast %swap3A_253 : vector<1x16xf32> to vector<16xf32>
      %swap3A_255 = vector.shape_cast %broadcast_in_dim3A_5 : vector<16xf32> to vector<1x16xf32>
      tpu.vector_store %arg12[%swap3A_251, %swap3A_252], %swap3A_255 {strides = array<i32>} : memref<64x128xf32, #tpu.memory_space<vmem>>, vector<1x16xf32>,
      %swap3A_256 = arith.index_cast %scan3A_245 : i32 to index
      %swap3A_257 = arith.constant 32 : index
      %swap3A_258 = tpu.vector_load %arg12[%swap3A_256, %swap3A_257] {strides = array<i32>} : memref<64x128xf32, #tpu.memory_space<vmem>>, vector<1x16xf32>,
      %swap3A_259 = vector.shape_cast %swap3A_258 : vector<1x16xf32> to vector<16xf32>
      %swap3A_260 = vector.shape_cast %broadcast_in_dim3A_5 : vector<16xf32> to vector<1x16xf32>
      tpu.vector_store %arg12[%swap3A_256, %swap3A_257], %swap3A_260 {strides = array<i32>} : memref<64x128xf32, #tpu.memory_space<vmem>>, vector<1x16xf32>,
      %swap3A_261 = arith.index_cast %scan3A_245 : i32 to index
      %swap3A_262 = arith.constant 48 : index
      %swap3A_263 = tpu.vector_load %arg12[%swap3A_261, %swap3A_262] {strides = array<i32>} : memref<64x128xf32, #tpu.memory_space<vmem>>, vector<1x16xf32>,
      %swap3A_264 = vector.shape_cast %swap3A_263 : vector<1x16xf32> to vector<16xf32>
      %swap3A_265 = vector.shape_cast %broadcast_in_dim3A_5 : vector<16xf32> to vector<1x16xf32>
      tpu.vector_store %arg12[%swap3A_261, %swap3A_262], %swap3A_265 {strides = array<i32>} : memref<64x128xf32, #tpu.memory_space<vmem>>, vector<1x16xf32>,
      %swap3A_266 = arith.index_cast %scan3A_245 : i32 to index
      %swap3A_267 = arith.constant 64 : index
      %swap3A_268 = tpu.vector_load %arg12[%swap3A_266, %swap3A_267] {strides = array<i32>} : memref<64x128xf32, #tpu.memory_space<vmem>>, vector<1x16xf32>,
      %swap3A_269 = vector.shape_cast %swap3A_268 : vector<1x16xf32> to vector<16xf32>
      %swap3A_270 = vector.shape_cast %broadcast_in_dim3A_5 : vector<16xf32> to vector<1x16xf32>
      tpu.vector_store %arg12[%swap3A_266, %swap3A_267], %swap3A_270 {strides = array<i32>} : memref<64x128xf32, #tpu.memory_space<vmem>>, vector<1x16xf32>,
      %swap3A_271 = arith.index_cast %scan3A_245 : i32 to index
      %swap3A_272 = arith.constant 80 : index
      %swap3A_273 = tpu.vector_load %arg12[%swap3A_271, %swap3A_272] {strides = array<i32>} : memref<64x128xf32, #tpu.memory_space<vmem>>, vector<1x16xf32>,
      %swap3A_274 = vector.shape_cast %swap3A_273 : vector<1x16xf32> to vector<16xf32>
      %swap3A_275 = vector.shape_cast %broadcast_in_dim3A_5 : vector<16xf32> to vector<1x16xf32>
      tpu.vector_store %arg12[%swap3A_271, %swap3A_272], %swap3A_275 {strides = array<i32>} : memref<64x128xf32, #tpu.memory_space<vmem>>, vector<1x16xf32>,
      %swap3A_276 = arith.index_cast %scan3A_245 : i32 to index
      %swap3A_277 = arith.constant 96 : index
      %swap3A_278 = tpu.vector_load %arg12[%swap3A_276, %swap3A_277] {strides = array<i32>} : memref<64x128xf32, #tpu.memory_space<vmem>>, vector<1x16xf32>,
      %swap3A_279 = vector.shape_cast %swap3A_278 : vector<1x16xf32> to vector<16xf32>
      %swap3A_280 = vector.shape_cast %broadcast_in_dim3A_5 : vector<16xf32> to vector<1x16xf32>
      tpu.vector_store %arg12[%swap3A_276, %swap3A_277], %swap3A_280 {strides = array<i32>} : memref<64x128xf32, #tpu.memory_space<vmem>>, vector<1x16xf32>,
      %swap3A_281 = arith.index_cast %scan3A_245 : i32 to index
      %swap3A_282 = arith.constant 112 : index
      %swap3A_283 = tpu.vector_load %arg12[%swap3A_281, %swap3A_282] {strides = array<i32>} : memref<64x128xf32, #tpu.memory_space<vmem>>, vector<1x16xf32>,
      %swap3A_284 = vector.shape_cast %swap3A_283 : vector<1x16xf32> to vector<16xf32>
      %swap3A_285 = vector.shape_cast %broadcast_in_dim3A_5 : vector<16xf32> to vector<1x16xf32>
      tpu.vector_store %arg12[%swap3A_281, %swap3A_282], %swap3A_285 {strides = array<i32>} : memref<64x128xf32, #tpu.memory_space<vmem>>, vector<1x16xf32>,
      %scan3A_286 = arith.constant 0 : i32
      scf.yield %scan3A_286 : i32
    }
    %scan3A_134 = arith.constant 64 : i32
    %mul3A_135 = arith.constant 640 : i32
    %mul3A_136 = arith.muli %arg1, %mul3A_135 : i32
    %add3A_137 = arith.constant 0 : i32
    %add3A_138 = arith.addi %mul3A_136, %add3A_137 : i32
    "tpu.region"() ({
      %run_scoped3A = tpu.sem_alloc : memref<!tpu.dma_semaphore, #tpu.memory_space<semaphore_mem>>
      %dma_start3A = arith.constant 0 : i32
      %dma_start3A_245 = tpu.memref_slice %arg13[%add3A_138, %dma_start3A] : memref<10240x128xf32, #tpu.memory_space<vmem_shared>> -> memref<64x128xf32, #tpu.memory_space<vmem_shared>>
      %dma_start3A_246 = arith.constant 0 : i32
      %dma_start3A_247 = tpu.memref_slice %arg13[%add3A_138, %dma_start3A_246] : memref<10240x128xf32, #tpu.memory_space<vmem_shared>> -> memref<64x128xf32, #tpu.memory_space<vmem_shared>>
      tpu.enqueue_dma source(%arg12 : memref<64x128xf32, #tpu.memory_space<vmem>>) target(%dma_start3A_247 : memref<64x128xf32, #tpu.memory_space<vmem_shared>>) target_semaphore(%run_scoped3A : memref<!tpu.dma_semaphore, #tpu.memory_space<semaphore_mem>>)
      %dma_wait3A = arith.constant 0 : i32
      %dma_wait3A_248 = tpu.memref_slice %arg13[%add3A_138, %dma_wait3A] : memref<10240x128xf32, #tpu.memory_space<vmem_shared>> -> memref<64x128xf32, #tpu.memory_space<vmem_shared>>
      %dma_wait3A_249 = arith.constant 0 : i32
      %dma_wait3A_250 = tpu.memref_slice %arg13[%add3A_138, %dma_wait3A_249] : memref<10240x128xf32, #tpu.memory_space<vmem_shared>> -> memref<64x128xf32, #tpu.memory_space<vmem_shared>>
      tpu.wait_dma2 semaphore(%run_scoped3A : memref<!tpu.dma_semaphore, #tpu.memory_space<semaphore_mem>>) src(%arg12 : memref<64x128xf32, #tpu.memory_space<vmem>>) dst(%dma_wait3A_250 : memref<64x128xf32, #tpu.memory_space<vmem_shared>>)
      tpu.yield
    }) : () -> ()
    %mul3A_139 = arith.constant 640 : i32
    %mul3A_140 = arith.muli %arg1, %mul3A_139 : i32
    %add3A_141 = arith.constant 64 : i32
    %add3A_142 = arith.addi %mul3A_140, %add3A_141 : i32
    "tpu.region"() ({
      %run_scoped3A = tpu.sem_alloc : memref<!tpu.dma_semaphore, #tpu.memory_space<semaphore_mem>>
      %dma_start3A = arith.constant 0 : i32
      %dma_start3A_245 = tpu.memref_slice %arg13[%add3A_142, %dma_start3A] : memref<10240x128xf32, #tpu.memory_space<vmem_shared>> -> memref<64x128xf32, #tpu.memory_space<vmem_shared>>
      %dma_start3A_246 = arith.constant 0 : i32
      %dma_start3A_247 = tpu.memref_slice %arg13[%add3A_142, %dma_start3A_246] : memref<10240x128xf32, #tpu.memory_space<vmem_shared>> -> memref<64x128xf32, #tpu.memory_space<vmem_shared>>
      tpu.enqueue_dma source(%arg12 : memref<64x128xf32, #tpu.memory_space<vmem>>) target(%dma_start3A_247 : memref<64x128xf32, #tpu.memory_space<vmem_shared>>) target_semaphore(%run_scoped3A : memref<!tpu.dma_semaphore, #tpu.memory_space<semaphore_mem>>)
      %dma_wait3A = arith.constant 0 : i32
      %dma_wait3A_248 = tpu.memref_slice %arg13[%add3A_142, %dma_wait3A] : memref<10240x128xf32, #tpu.memory_space<vmem_shared>> -> memref<64x128xf32, #tpu.memory_space<vmem_shared>>
      %dma_wait3A_249 = arith.constant 0 : i32
      %dma_wait3A_250 = tpu.memref_slice %arg13[%add3A_142, %dma_wait3A_249] : memref<10240x128xf32, #tpu.memory_space<vmem_shared>> -> memref<64x128xf32, #tpu.memory_space<vmem_shared>>
      tpu.wait_dma2 semaphore(%run_scoped3A : memref<!tpu.dma_semaphore, #tpu.memory_space<semaphore_mem>>) src(%arg12 : memref<64x128xf32, #tpu.memory_space<vmem>>) dst(%dma_wait3A_250 : memref<64x128xf32, #tpu.memory_space<vmem_shared>>)
      tpu.yield
    }) : () -> ()
    %mul3A_143 = arith.constant 640 : i32
    %mul3A_144 = arith.muli %arg1, %mul3A_143 : i32
    %add3A_145 = arith.constant 128 : i32
    %add3A_146 = arith.addi %mul3A_144, %add3A_145 : i32
    "tpu.region"() ({
      %run_scoped3A = tpu.sem_alloc : memref<!tpu.dma_semaphore, #tpu.memory_space<semaphore_mem>>
      %dma_start3A = arith.constant 0 : i32
      %dma_start3A_245 = tpu.memref_slice %arg13[%add3A_146, %dma_start3A] : memref<10240x128xf32, #tpu.memory_space<vmem_shared>> -> memref<64x128xf32, #tpu.memory_space<vmem_shared>>
      %dma_start3A_246 = arith.constant 0 : i32
      %dma_start3A_247 = tpu.memref_slice %arg13[%add3A_146, %dma_start3A_246] : memref<10240x128xf32, #tpu.memory_space<vmem_shared>> -> memref<64x128xf32, #tpu.memory_space<vmem_shared>>
      tpu.enqueue_dma source(%arg12 : memref<64x128xf32, #tpu.memory_space<vmem>>) target(%dma_start3A_247 : memref<64x128xf32, #tpu.memory_space<vmem_shared>>) target_semaphore(%run_scoped3A : memref<!tpu.dma_semaphore, #tpu.memory_space<semaphore_mem>>)
      %dma_wait3A = arith.constant 0 : i32
      %dma_wait3A_248 = tpu.memref_slice %arg13[%add3A_146, %dma_wait3A] : memref<10240x128xf32, #tpu.memory_space<vmem_shared>> -> memref<64x128xf32, #tpu.memory_space<vmem_shared>>
      %dma_wait3A_249 = arith.constant 0 : i32
      %dma_wait3A_250 = tpu.memref_slice %arg13[%add3A_146, %dma_wait3A_249] : memref<10240x128xf32, #tpu.memory_space<vmem_shared>> -> memref<64x128xf32, #tpu.memory_space<vmem_shared>>
      tpu.wait_dma2 semaphore(%run_scoped3A : memref<!tpu.dma_semaphore, #tpu.memory_space<semaphore_mem>>) src(%arg12 : memref<64x128xf32, #tpu.memory_space<vmem>>) dst(%dma_wait3A_250 : memref<64x128xf32, #tpu.memory_space<vmem_shared>>)
      tpu.yield
    }) : () -> ()
    %mul3A_147 = arith.constant 640 : i32
    %mul3A_148 = arith.muli %arg1, %mul3A_147 : i32
    %add3A_149 = arith.constant 192 : i32
    %add3A_150 = arith.addi %mul3A_148, %add3A_149 : i32
    "tpu.region"() ({
      %run_scoped3A = tpu.sem_alloc : memref<!tpu.dma_semaphore, #tpu.memory_space<semaphore_mem>>
      %dma_start3A = arith.constant 0 : i32
      %dma_start3A_245 = tpu.memref_slice %arg13[%add3A_150, %dma_start3A] : memref<10240x128xf32, #tpu.memory_space<vmem_shared>> -> memref<64x128xf32, #tpu.memory_space<vmem_shared>>
      %dma_start3A_246 = arith.constant 0 : i32
      %dma_start3A_247 = tpu.memref_slice %arg13[%add3A_150, %dma_start3A_246] : memref<10240x128xf32, #tpu.memory_space<vmem_shared>> -> memref<64x128xf32, #tpu.memory_space<vmem_shared>>
      tpu.enqueue_dma source(%arg12 : memref<64x128xf32, #tpu.memory_space<vmem>>) target(%dma_start3A_247 : memref<64x128xf32, #tpu.memory_space<vmem_shared>>) target_semaphore(%run_scoped3A : memref<!tpu.dma_semaphore, #tpu.memory_space<semaphore_mem>>)
      %dma_wait3A = arith.constant 0 : i32
      %dma_wait3A_248 = tpu.memref_slice %arg13[%add3A_150, %dma_wait3A] : memref<10240x128xf32, #tpu.memory_space<vmem_shared>> -> memref<64x128xf32, #tpu.memory_space<vmem_shared>>
      %dma_wait3A_249 = arith.constant 0 : i32
      %dma_wait3A_250 = tpu.memref_slice %arg13[%add3A_150, %dma_wait3A_249] : memref<10240x128xf32, #tpu.memory_space<vmem_shared>> -> memref<64x128xf32, #tpu.memory_space<vmem_shared>>
      tpu.wait_dma2 semaphore(%run_scoped3A : memref<!tpu.dma_semaphore, #tpu.memory_space<semaphore_mem>>) src(%arg12 : memref<64x128xf32, #tpu.memory_space<vmem>>) dst(%dma_wait3A_250 : memref<64x128xf32, #tpu.memory_space<vmem_shared>>)
      tpu.yield
    }) : () -> ()
    %mul3A_151 = arith.constant 640 : i32
    %mul3A_152 = arith.muli %arg1, %mul3A_151 : i32
    %add3A_153 = arith.constant 256 : i32
    %add3A_154 = arith.addi %mul3A_152, %add3A_153 : i32
    "tpu.region"() ({
      %run_scoped3A = tpu.sem_alloc : memref<!tpu.dma_semaphore, #tpu.memory_space<semaphore_mem>>
      %dma_start3A = arith.constant 0 : i32
      %dma_start3A_245 = tpu.memref_slice %arg13[%add3A_154, %dma_start3A] : memref<10240x128xf32, #tpu.memory_space<vmem_shared>> -> memref<64x128xf32, #tpu.memory_space<vmem_shared>>
      %dma_start3A_246 = arith.constant 0 : i32
      %dma_start3A_247 = tpu.memref_slice %arg13[%add3A_154, %dma_start3A_246] : memref<10240x128xf32, #tpu.memory_space<vmem_shared>> -> memref<64x128xf32, #tpu.memory_space<vmem_shared>>
      tpu.enqueue_dma source(%arg12 : memref<64x128xf32, #tpu.memory_space<vmem>>) target(%dma_start3A_247 : memref<64x128xf32, #tpu.memory_space<vmem_shared>>) target_semaphore(%run_scoped3A : memref<!tpu.dma_semaphore, #tpu.memory_space<semaphore_mem>>)
      %dma_wait3A = arith.constant 0 : i32
      %dma_wait3A_248 = tpu.memref_slice %arg13[%add3A_154, %dma_wait3A] : memref<10240x128xf32, #tpu.memory_space<vmem_shared>> -> memref<64x128xf32, #tpu.memory_space<vmem_shared>>
      %dma_wait3A_249 = arith.constant 0 : i32
      %dma_wait3A_250 = tpu.memref_slice %arg13[%add3A_154, %dma_wait3A_249] : memref<10240x128xf32, #tpu.memory_space<vmem_shared>> -> memref<64x128xf32, #tpu.memory_space<vmem_shared>>
      tpu.wait_dma2 semaphore(%run_scoped3A : memref<!tpu.dma_semaphore, #tpu.memory_space<semaphore_mem>>) src(%arg12 : memref<64x128xf32, #tpu.memory_space<vmem>>) dst(%dma_wait3A_250 : memref<64x128xf32, #tpu.memory_space<vmem_shared>>)
      tpu.yield
    }) : () -> ()
    %mul3A_155 = arith.constant 640 : i32
    %mul3A_156 = arith.muli %arg1, %mul3A_155 : i32
    %add3A_157 = arith.constant 320 : i32
    %add3A_158 = arith.addi %mul3A_156, %add3A_157 : i32
    "tpu.region"() ({
      %run_scoped3A = tpu.sem_alloc : memref<!tpu.dma_semaphore, #tpu.memory_space<semaphore_mem>>
      %dma_start3A = arith.constant 0 : i32
      %dma_start3A_245 = tpu.memref_slice %arg13[%add3A_158, %dma_start3A] : memref<10240x128xf32, #tpu.memory_space<vmem_shared>> -> memref<64x128xf32, #tpu.memory_space<vmem_shared>>
      %dma_start3A_246 = arith.constant 0 : i32
      %dma_start3A_247 = tpu.memref_slice %arg13[%add3A_158, %dma_start3A_246] : memref<10240x128xf32, #tpu.memory_space<vmem_shared>> -> memref<64x128xf32, #tpu.memory_space<vmem_shared>>
      tpu.enqueue_dma source(%arg12 : memref<64x128xf32, #tpu.memory_space<vmem>>) target(%dma_start3A_247 : memref<64x128xf32, #tpu.memory_space<vmem_shared>>) target_semaphore(%run_scoped3A : memref<!tpu.dma_semaphore, #tpu.memory_space<semaphore_mem>>)
      %dma_wait3A = arith.constant 0 : i32
      %dma_wait3A_248 = tpu.memref_slice %arg13[%add3A_158, %dma_wait3A] : memref<10240x128xf32, #tpu.memory_space<vmem_shared>> -> memref<64x128xf32, #tpu.memory_space<vmem_shared>>
      %dma_wait3A_249 = arith.constant 0 : i32
      %dma_wait3A_250 = tpu.memref_slice %arg13[%add3A_158, %dma_wait3A_249] : memref<10240x128xf32, #tpu.memory_space<vmem_shared>> -> memref<64x128xf32, #tpu.memory_space<vmem_shared>>
      tpu.wait_dma2 semaphore(%run_scoped3A : memref<!tpu.dma_semaphore, #tpu.memory_space<semaphore_mem>>) src(%arg12 : memref<64x128xf32, #tpu.memory_space<vmem>>) dst(%dma_wait3A_250 : memref<64x128xf32, #tpu.memory_space<vmem_shared>>)
      tpu.yield
    }) : () -> ()
    %mul3A_159 = arith.constant 640 : i32
    %mul3A_160 = arith.muli %arg1, %mul3A_159 : i32
    %add3A_161 = arith.constant 384 : i32
    %add3A_162 = arith.addi %mul3A_160, %add3A_161 : i32
    "tpu.region"() ({
      %run_scoped3A = tpu.sem_alloc : memref<!tpu.dma_semaphore, #tpu.memory_space<semaphore_mem>>
      %dma_start3A = arith.constant 0 : i32
      %dma_start3A_245 = tpu.memref_slice %arg13[%add3A_162, %dma_start3A] : memref<10240x128xf32, #tpu.memory_space<vmem_shared>> -> memref<64x128xf32, #tpu.memory_space<vmem_shared>>
      %dma_start3A_246 = arith.constant 0 : i32
      %dma_start3A_247 = tpu.memref_slice %arg13[%add3A_162, %dma_start3A_246] : memref<10240x128xf32, #tpu.memory_space<vmem_shared>> -> memref<64x128xf32, #tpu.memory_space<vmem_shared>>
      tpu.enqueue_dma source(%arg12 : memref<64x128xf32, #tpu.memory_space<vmem>>) target(%dma_start3A_247 : memref<64x128xf32, #tpu.memory_space<vmem_shared>>) target_semaphore(%run_scoped3A : memref<!tpu.dma_semaphore, #tpu.memory_space<semaphore_mem>>)
      %dma_wait3A = arith.constant 0 : i32
      %dma_wait3A_248 = tpu.memref_slice %arg13[%add3A_162, %dma_wait3A] : memref<10240x128xf32, #tpu.memory_space<vmem_shared>> -> memref<64x128xf32, #tpu.memory_space<vmem_shared>>
      %dma_wait3A_249 = arith.constant 0 : i32
      %dma_wait3A_250 = tpu.memref_slice %arg13[%add3A_162, %dma_wait3A_249] : memref<10240x128xf32, #tpu.memory_space<vmem_shared>> -> memref<64x128xf32, #tpu.memory_space<vmem_shared>>
      tpu.wait_dma2 semaphore(%run_scoped3A : memref<!tpu.dma_semaphore, #tpu.memory_space<semaphore_mem>>) src(%arg12 : memref<64x128xf32, #tpu.memory_space<vmem>>) dst(%dma_wait3A_250 : memref<64x128xf32, #tpu.memory_space<vmem_shared>>)
      tpu.yield
    }) : () -> ()
    %mul3A_163 = arith.constant 640 : i32
    %mul3A_164 = arith.muli %arg1, %mul3A_163 : i32
    %add3A_165 = arith.constant 448 : i32
    %add3A_166 = arith.addi %mul3A_164, %add3A_165 : i32
    "tpu.region"() ({
      %run_scoped3A = tpu.sem_alloc : memref<!tpu.dma_semaphore, #tpu.memory_space<semaphore_mem>>
      %dma_start3A = arith.constant 0 : i32
      %dma_start3A_245 = tpu.memref_slice %arg13[%add3A_166, %dma_start3A] : memref<10240x128xf32, #tpu.memory_space<vmem_shared>> -> memref<64x128xf32, #tpu.memory_space<vmem_shared>>
      %dma_start3A_246 = arith.constant 0 : i32
      %dma_start3A_247 = tpu.memref_slice %arg13[%add3A_166, %dma_start3A_246] : memref<10240x128xf32, #tpu.memory_space<vmem_shared>> -> memref<64x128xf32, #tpu.memory_space<vmem_shared>>
      tpu.enqueue_dma source(%arg12 : memref<64x128xf32, #tpu.memory_space<vmem>>) target(%dma_start3A_247 : memref<64x128xf32, #tpu.memory_space<vmem_shared>>) target_semaphore(%run_scoped3A : memref<!tpu.dma_semaphore, #tpu.memory_space<semaphore_mem>>)
      %dma_wait3A = arith.constant 0 : i32
      %dma_wait3A_248 = tpu.memref_slice %arg13[%add3A_166, %dma_wait3A] : memref<10240x128xf32, #tpu.memory_space<vmem_shared>> -> memref<64x128xf32, #tpu.memory_space<vmem_shared>>
      %dma_wait3A_249 = arith.constant 0 : i32
      %dma_wait3A_250 = tpu.memref_slice %arg13[%add3A_166, %dma_wait3A_249] : memref<10240x128xf32, #tpu.memory_space<vmem_shared>> -> memref<64x128xf32, #tpu.memory_space<vmem_shared>>
      tpu.wait_dma2 semaphore(%run_scoped3A : memref<!tpu.dma_semaphore, #tpu.memory_space<semaphore_mem>>) src(%arg12 : memref<64x128xf32, #tpu.memory_space<vmem>>) dst(%dma_wait3A_250 : memref<64x128xf32, #tpu.memory_space<vmem_shared>>)
      tpu.yield
    }) : () -> ()
    %mul3A_167 = arith.constant 640 : i32
    %mul3A_168 = arith.muli %arg1, %mul3A_167 : i32
    %add3A_169 = arith.constant 512 : i32
    %add3A_170 = arith.addi %mul3A_168, %add3A_169 : i32
    "tpu.region"() ({
      %run_scoped3A = tpu.sem_alloc : memref<!tpu.dma_semaphore, #tpu.memory_space<semaphore_mem>>
      %dma_start3A = arith.constant 0 : i32
      %dma_start3A_245 = tpu.memref_slice %arg13[%add3A_170, %dma_start3A] : memref<10240x128xf32, #tpu.memory_space<vmem_shared>> -> memref<64x128xf32, #tpu.memory_space<vmem_shared>>
      %dma_start3A_246 = arith.constant 0 : i32
      %dma_start3A_247 = tpu.memref_slice %arg13[%add3A_170, %dma_start3A_246] : memref<10240x128xf32, #tpu.memory_space<vmem_shared>> -> memref<64x128xf32, #tpu.memory_space<vmem_shared>>
      tpu.enqueue_dma source(%arg12 : memref<64x128xf32, #tpu.memory_space<vmem>>) target(%dma_start3A_247 : memref<64x128xf32, #tpu.memory_space<vmem_shared>>) target_semaphore(%run_scoped3A : memref<!tpu.dma_semaphore, #tpu.memory_space<semaphore_mem>>)
      %dma_wait3A = arith.constant 0 : i32
      %dma_wait3A_248 = tpu.memref_slice %arg13[%add3A_170, %dma_wait3A] : memref<10240x128xf32, #tpu.memory_space<vmem_shared>> -> memref<64x128xf32, #tpu.memory_space<vmem_shared>>
      %dma_wait3A_249 = arith.constant 0 : i32
      %dma_wait3A_250 = tpu.memref_slice %arg13[%add3A_170, %dma_wait3A_249] : memref<10240x128xf32, #tpu.memory_space<vmem_shared>> -> memref<64x128xf32, #tpu.memory_space<vmem_shared>>
      tpu.wait_dma2 semaphore(%run_scoped3A : memref<!tpu.dma_semaphore, #tpu.memory_space<semaphore_mem>>) src(%arg12 : memref<64x128xf32, #tpu.memory_space<vmem>>) dst(%dma_wait3A_250 : memref<64x128xf32, #tpu.memory_space<vmem_shared>>)
      tpu.yield
    }) : () -> ()
    %mul3A_171 = arith.constant 640 : i32
    %mul3A_172 = arith.muli %arg1, %mul3A_171 : i32
    %add3A_173 = arith.constant 576 : i32
    %add3A_174 = arith.addi %mul3A_172, %add3A_173 : i32
    "tpu.region"() ({
      %run_scoped3A = tpu.sem_alloc : memref<!tpu.dma_semaphore, #tpu.memory_space<semaphore_mem>>
      %dma_start3A = arith.constant 0 : i32
      %dma_start3A_245 = tpu.memref_slice %arg13[%add3A_174, %dma_start3A] : memref<10240x128xf32, #tpu.memory_space<vmem_shared>> -> memref<64x128xf32, #tpu.memory_space<vmem_shared>>
      %dma_start3A_246 = arith.constant 0 : i32
      %dma_start3A_247 = tpu.memref_slice %arg13[%add3A_174, %dma_start3A_246] : memref<10240x128xf32, #tpu.memory_space<vmem_shared>> -> memref<64x128xf32, #tpu.memory_space<vmem_shared>>
      tpu.enqueue_dma source(%arg12 : memref<64x128xf32, #tpu.memory_space<vmem>>) target(%dma_start3A_247 : memref<64x128xf32, #tpu.memory_space<vmem_shared>>) target_semaphore(%run_scoped3A : memref<!tpu.dma_semaphore, #tpu.memory_space<semaphore_mem>>)
      %dma_wait3A = arith.constant 0 : i32
      %dma_wait3A_248 = tpu.memref_slice %arg13[%add3A_174, %dma_wait3A] : memref<10240x128xf32, #tpu.memory_space<vmem_shared>> -> memref<64x128xf32, #tpu.memory_space<vmem_shared>>
      %dma_wait3A_249 = arith.constant 0 : i32
      %dma_wait3A_250 = tpu.memref_slice %arg13[%add3A_174, %dma_wait3A_249] : memref<10240x128xf32, #tpu.memory_space<vmem_shared>> -> memref<64x128xf32, #tpu.memory_space<vmem_shared>>
      tpu.wait_dma2 semaphore(%run_scoped3A : memref<!tpu.dma_semaphore, #tpu.memory_space<semaphore_mem>>) src(%arg12 : memref<64x128xf32, #tpu.memory_space<vmem>>) dst(%dma_wait3A_250 : memref<64x128xf32, #tpu.memory_space<vmem_shared>>)
      tpu.yield
    }) : () -> ()
    %barrier3A_175 = arith.constant 0 : index
    tpu.barrier barrier_id(%barrier3A_175)
    %scan3A_176 = arith.constant 0 : i32
    %scan3A_177 = arith.constant 0 : i32
    %scan3A_178 = arith.constant 125 : i32
    %scan3A_179 = arith.addi %scan3A_177, %scan3A_178 : i32
    %scan3A_180 = arith.constant 1 : i32
    %scan3A_181 = scf.for %scan3A_245 = %scan3A_177 to %scan3A_179 step %scan3A_180 iter_args(%scan3A_246 = %scan3A_176) -> (i32)  : i32 {
      %mul3A_247 = arith.constant 80 : i32
      %mul3A_248 = arith.muli %scan3A_245, %mul3A_247 : i32
      %add3A_249 = arith.addi %mul3A_2, %mul3A_248 : i32
      "tpu.region"() ({
        %run_scoped3A = tpu.sem_alloc : memref<!tpu.dma_semaphore, #tpu.memory_space<semaphore_mem>>
        %dma_start3A = tpu.memref_slice %arg4[%add3A_249] : memref<320000xi32, #tpu.memory_space<hbm>> -> memref<80xi32, #tpu.memory_space<hbm>>
        %dma_start3A_251 = tpu.memref_slice %arg4[%add3A_249] : memref<320000xi32, #tpu.memory_space<hbm>> -> memref<80xi32, #tpu.memory_space<hbm>>
        tpu.enqueue_dma source(%dma_start3A_251 : memref<80xi32, #tpu.memory_space<hbm>>) target(%arg8 : memref<80xi32, #tpu.memory_space<vmem>>) target_semaphore(%run_scoped3A : memref<!tpu.dma_semaphore, #tpu.memory_space<semaphore_mem>>)
        %dma_wait3A = tpu.memref_slice %arg4[%add3A_249] : memref<320000xi32, #tpu.memory_space<hbm>> -> memref<80xi32, #tpu.memory_space<hbm>>
        %dma_wait3A_252 = tpu.memref_slice %arg4[%add3A_249] : memref<320000xi32, #tpu.memory_space<hbm>> -> memref<80xi32, #tpu.memory_space<hbm>>
        tpu.wait_dma2 semaphore(%run_scoped3A : memref<!tpu.dma_semaphore, #tpu.memory_space<semaphore_mem>>) src(%dma_wait3A_252 : memref<80xi32, #tpu.memory_space<hbm>>) dst(%arg8 : memref<80xi32, #tpu.memory_space<vmem>>)
        tpu.yield
      }) : () -> ()
      "tpu.region"() ({
        %run_scoped3A = tpu.sem_alloc : memref<!tpu.dma_semaphore, #tpu.memory_space<semaphore_mem>>
        %dma_start3A = arith.constant 0 : i32
        %dma_start3A_251 = arith.constant 0 : i32
        %dma_start3A_252 = tpu.memref_slice %arg13[%dma_start3A, %dma_start3A_251] : memref<10240x128xf32, #tpu.memory_space<vmem_shared>> -> memref<10240x128xf32, #tpu.memory_space<vmem_shared>>
        tpu.enqueue_indirect_dma source(%arg11 : memref<80x128xf32, #tpu.memory_space<vmem>>) target(%dma_start3A_252 : memref<10240x128xf32, #tpu.memory_space<vmem_shared>>) offsets(%arg8 : memref<80xi32, #tpu.memory_space<vmem>>) semaphore(%run_scoped3A : memref<!tpu.dma_semaphore, #tpu.memory_space<semaphore_mem>>) {add = true}
        %dma_wait3A = arith.constant 0 : i32
        %dma_wait3A_253 = arith.constant 0 : i32
        %dma_wait3A_254 = tpu.memref_slice %arg13[%dma_wait3A, %dma_wait3A_253] : memref<10240x128xf32, #tpu.memory_space<vmem_shared>> -> memref<10240x128xf32, #tpu.memory_space<vmem_shared>>
        tpu.wait_indirect_dma semaphore(%run_scoped3A : memref<!tpu.dma_semaphore, #tpu.memory_space<semaphore_mem>>) src(%arg11 : memref<80x128xf32, #tpu.memory_space<vmem>>) dst(%dma_wait3A_254 : memref<10240x128xf32, #tpu.memory_space<vmem_shared>>)
        tpu.yield
      }) : () -> ()
      %scan3A_250 = arith.constant 0 : i32
      scf.yield %scan3A_250 : i32
    }
    %scan3A_182 = arith.constant 125 : i32
    %barrier3A_183 = arith.constant 0 : index
    tpu.barrier barrier_id(%barrier3A_183)
    %mul3A_184 = arith.constant 640 : i32
    %mul3A_185 = arith.muli %arg1, %mul3A_184 : i32
    %add3A_186 = arith.constant 0 : i32
    %add3A_187 = arith.addi %mul3A_185, %add3A_186 : i32
    "tpu.region"() ({
      %run_scoped3A = tpu.sem_alloc : memref<!tpu.dma_semaphore, #tpu.memory_space<semaphore_mem>>
      %dma_start3A = arith.constant 0 : i32
      %dma_start3A_245 = tpu.memref_slice %arg13[%add3A_187, %dma_start3A] : memref<10240x128xf32, #tpu.memory_space<vmem_shared>> -> memref<64x128xf32, #tpu.memory_space<vmem_shared>>
      %dma_start3A_246 = arith.constant 0 : i32
      %dma_start3A_247 = tpu.memref_slice %arg13[%add3A_187, %dma_start3A_246] : memref<10240x128xf32, #tpu.memory_space<vmem_shared>> -> memref<64x128xf32, #tpu.memory_space<vmem_shared>>
      tpu.enqueue_dma source(%dma_start3A_247 : memref<64x128xf32, #tpu.memory_space<vmem_shared>>) target(%arg12 : memref<64x128xf32, #tpu.memory_space<vmem>>) target_semaphore(%run_scoped3A : memref<!tpu.dma_semaphore, #tpu.memory_space<semaphore_mem>>)
      %dma_wait3A = arith.constant 0 : i32
      %dma_wait3A_248 = tpu.memref_slice %arg13[%add3A_187, %dma_wait3A] : memref<10240x128xf32, #tpu.memory_space<vmem_shared>> -> memref<64x128xf32, #tpu.memory_space<vmem_shared>>
      %dma_wait3A_249 = arith.constant 0 : i32
      %dma_wait3A_250 = tpu.memref_slice %arg13[%add3A_187, %dma_wait3A_249] : memref<10240x128xf32, #tpu.memory_space<vmem_shared>> -> memref<64x128xf32, #tpu.memory_space<vmem_shared>>
      tpu.wait_dma2 semaphore(%run_scoped3A : memref<!tpu.dma_semaphore, #tpu.memory_space<semaphore_mem>>) src(%dma_wait3A_250 : memref<64x128xf32, #tpu.memory_space<vmem_shared>>) dst(%arg12 : memref<64x128xf32, #tpu.memory_space<vmem>>)
      tpu.yield
    }) : () -> ()
    %add3A_188 = arith.constant 0 : i32
    %add3A_189 = arith.addi %add3A_188, %add3A_187 : i32
    "tpu.region"() ({
      %run_scoped3A = tpu.sem_alloc : memref<!tpu.dma_semaphore, #tpu.memory_space<semaphore_mem>>
      %dma_start3A = arith.constant 0 : i32
      %dma_start3A_245 = tpu.memref_slice %arg6[%arg0, %add3A_189, %dma_start3A] : memref<2x10240x128xf32, #tpu.memory_space<hbm>> -> memref<1x64x128xf32, #tpu.memory_space<hbm>>
      %dma_start3A_246 = tpu.memref_squeeze %dma_start3A_245 : memref<1x64x128xf32, #tpu.memory_space<hbm>> -> memref<64x128xf32, #tpu.memory_space<hbm>>
      %dma_start3A_247 = arith.constant 0 : i32
      %dma_start3A_248 = tpu.memref_slice %arg6[%arg0, %add3A_189, %dma_start3A_247] : memref<2x10240x128xf32, #tpu.memory_space<hbm>> -> memref<1x64x128xf32, #tpu.memory_space<hbm>>
      %dma_start3A_249 = tpu.memref_squeeze %dma_start3A_248 : memref<1x64x128xf32, #tpu.memory_space<hbm>> -> memref<64x128xf32, #tpu.memory_space<hbm>>
      tpu.enqueue_dma source(%arg12 : memref<64x128xf32, #tpu.memory_space<vmem>>) target(%dma_start3A_249 : memref<64x128xf32, #tpu.memory_space<hbm>>) target_semaphore(%run_scoped3A : memref<!tpu.dma_semaphore, #tpu.memory_space<semaphore_mem>>)
      %dma_wait3A = arith.constant 0 : i32
      %dma_wait3A_250 = tpu.memref_slice %arg6[%arg0, %add3A_189, %dma_wait3A] : memref<2x10240x128xf32, #tpu.memory_space<hbm>> -> memref<1x64x128xf32, #tpu.memory_space<hbm>>
      %dma_wait3A_251 = tpu.memref_squeeze %dma_wait3A_250 : memref<1x64x128xf32, #tpu.memory_space<hbm>> -> memref<64x128xf32, #tpu.memory_space<hbm>>
      %dma_wait3A_252 = arith.constant 0 : i32
      %dma_wait3A_253 = tpu.memref_slice %arg6[%arg0, %add3A_189, %dma_wait3A_252] : memref<2x10240x128xf32, #tpu.memory_space<hbm>> -> memref<1x64x128xf32, #tpu.memory_space<hbm>>
      %dma_wait3A_254 = tpu.memref_squeeze %dma_wait3A_253 : memref<1x64x128xf32, #tpu.memory_space<hbm>> -> memref<64x128xf32, #tpu.memory_space<hbm>>
      tpu.wait_dma2 semaphore(%run_scoped3A : memref<!tpu.dma_semaphore, #tpu.memory_space<semaphore_mem>>) src(%arg12 : memref<64x128xf32, #tpu.memory_space<vmem>>) dst(%dma_wait3A_254 : memref<64x128xf32, #tpu.memory_space<hbm>>)
      tpu.yield
    }) : () -> ()
    %mul3A_190 = arith.constant 640 : i32
    %mul3A_191 = arith.muli %arg1, %mul3A_190 : i32
    %add3A_192 = arith.constant 64 : i32
    %add3A_193 = arith.addi %mul3A_191, %add3A_192 : i32
    "tpu.region"() ({
      %run_scoped3A = tpu.sem_alloc : memref<!tpu.dma_semaphore, #tpu.memory_space<semaphore_mem>>
      %dma_start3A = arith.constant 0 : i32
      %dma_start3A_245 = tpu.memref_slice %arg13[%add3A_193, %dma_start3A] : memref<10240x128xf32, #tpu.memory_space<vmem_shared>> -> memref<64x128xf32, #tpu.memory_space<vmem_shared>>
      %dma_start3A_246 = arith.constant 0 : i32
      %dma_start3A_247 = tpu.memref_slice %arg13[%add3A_193, %dma_start3A_246] : memref<10240x128xf32, #tpu.memory_space<vmem_shared>> -> memref<64x128xf32, #tpu.memory_space<vmem_shared>>
      tpu.enqueue_dma source(%dma_start3A_247 : memref<64x128xf32, #tpu.memory_space<vmem_shared>>) target(%arg12 : memref<64x128xf32, #tpu.memory_space<vmem>>) target_semaphore(%run_scoped3A : memref<!tpu.dma_semaphore, #tpu.memory_space<semaphore_mem>>)
      %dma_wait3A = arith.constant 0 : i32
      %dma_wait3A_248 = tpu.memref_slice %arg13[%add3A_193, %dma_wait3A] : memref<10240x128xf32, #tpu.memory_space<vmem_shared>> -> memref<64x128xf32, #tpu.memory_space<vmem_shared>>
      %dma_wait3A_249 = arith.constant 0 : i32
      %dma_wait3A_250 = tpu.memref_slice %arg13[%add3A_193, %dma_wait3A_249] : memref<10240x128xf32, #tpu.memory_space<vmem_shared>> -> memref<64x128xf32, #tpu.memory_space<vmem_shared>>
      tpu.wait_dma2 semaphore(%run_scoped3A : memref<!tpu.dma_semaphore, #tpu.memory_space<semaphore_mem>>) src(%dma_wait3A_250 : memref<64x128xf32, #tpu.memory_space<vmem_shared>>) dst(%arg12 : memref<64x128xf32, #tpu.memory_space<vmem>>)
      tpu.yield
    }) : () -> ()
    %add3A_194 = arith.constant 0 : i32
    %add3A_195 = arith.addi %add3A_194, %add3A_193 : i32
    "tpu.region"() ({
      %run_scoped3A = tpu.sem_alloc : memref<!tpu.dma_semaphore, #tpu.memory_space<semaphore_mem>>
      %dma_start3A = arith.constant 0 : i32
      %dma_start3A_245 = tpu.memref_slice %arg6[%arg0, %add3A_195, %dma_start3A] : memref<2x10240x128xf32, #tpu.memory_space<hbm>> -> memref<1x64x128xf32, #tpu.memory_space<hbm>>
      %dma_start3A_246 = tpu.memref_squeeze %dma_start3A_245 : memref<1x64x128xf32, #tpu.memory_space<hbm>> -> memref<64x128xf32, #tpu.memory_space<hbm>>
      %dma_start3A_247 = arith.constant 0 : i32
      %dma_start3A_248 = tpu.memref_slice %arg6[%arg0, %add3A_195, %dma_start3A_247] : memref<2x10240x128xf32, #tpu.memory_space<hbm>> -> memref<1x64x128xf32, #tpu.memory_space<hbm>>
      %dma_start3A_249 = tpu.memref_squeeze %dma_start3A_248 : memref<1x64x128xf32, #tpu.memory_space<hbm>> -> memref<64x128xf32, #tpu.memory_space<hbm>>
      tpu.enqueue_dma source(%arg12 : memref<64x128xf32, #tpu.memory_space<vmem>>) target(%dma_start3A_249 : memref<64x128xf32, #tpu.memory_space<hbm>>) target_semaphore(%run_scoped3A : memref<!tpu.dma_semaphore, #tpu.memory_space<semaphore_mem>>)
      %dma_wait3A = arith.constant 0 : i32
      %dma_wait3A_250 = tpu.memref_slice %arg6[%arg0, %add3A_195, %dma_wait3A] : memref<2x10240x128xf32, #tpu.memory_space<hbm>> -> memref<1x64x128xf32, #tpu.memory_space<hbm>>
      %dma_wait3A_251 = tpu.memref_squeeze %dma_wait3A_250 : memref<1x64x128xf32, #tpu.memory_space<hbm>> -> memref<64x128xf32, #tpu.memory_space<hbm>>
      %dma_wait3A_252 = arith.constant 0 : i32
      %dma_wait3A_253 = tpu.memref_slice %arg6[%arg0, %add3A_195, %dma_wait3A_252] : memref<2x10240x128xf32, #tpu.memory_space<hbm>> -> memref<1x64x128xf32, #tpu.memory_space<hbm>>
      %dma_wait3A_254 = tpu.memref_squeeze %dma_wait3A_253 : memref<1x64x128xf32, #tpu.memory_space<hbm>> -> memref<64x128xf32, #tpu.memory_space<hbm>>
      tpu.wait_dma2 semaphore(%run_scoped3A : memref<!tpu.dma_semaphore, #tpu.memory_space<semaphore_mem>>) src(%arg12 : memref<64x128xf32, #tpu.memory_space<vmem>>) dst(%dma_wait3A_254 : memref<64x128xf32, #tpu.memory_space<hbm>>)
      tpu.yield
    }) : () -> ()
    %mul3A_196 = arith.constant 640 : i32
    %mul3A_197 = arith.muli %arg1, %mul3A_196 : i32
    %add3A_198 = arith.constant 128 : i32
    %add3A_199 = arith.addi %mul3A_197, %add3A_198 : i32
    "tpu.region"() ({
      %run_scoped3A = tpu.sem_alloc : memref<!tpu.dma_semaphore, #tpu.memory_space<semaphore_mem>>
      %dma_start3A = arith.constant 0 : i32
      %dma_start3A_245 = tpu.memref_slice %arg13[%add3A_199, %dma_start3A] : memref<10240x128xf32, #tpu.memory_space<vmem_shared>> -> memref<64x128xf32, #tpu.memory_space<vmem_shared>>
      %dma_start3A_246 = arith.constant 0 : i32
      %dma_start3A_247 = tpu.memref_slice %arg13[%add3A_199, %dma_start3A_246] : memref<10240x128xf32, #tpu.memory_space<vmem_shared>> -> memref<64x128xf32, #tpu.memory_space<vmem_shared>>
      tpu.enqueue_dma source(%dma_start3A_247 : memref<64x128xf32, #tpu.memory_space<vmem_shared>>) target(%arg12 : memref<64x128xf32, #tpu.memory_space<vmem>>) target_semaphore(%run_scoped3A : memref<!tpu.dma_semaphore, #tpu.memory_space<semaphore_mem>>)
      %dma_wait3A = arith.constant 0 : i32
      %dma_wait3A_248 = tpu.memref_slice %arg13[%add3A_199, %dma_wait3A] : memref<10240x128xf32, #tpu.memory_space<vmem_shared>> -> memref<64x128xf32, #tpu.memory_space<vmem_shared>>
      %dma_wait3A_249 = arith.constant 0 : i32
      %dma_wait3A_250 = tpu.memref_slice %arg13[%add3A_199, %dma_wait3A_249] : memref<10240x128xf32, #tpu.memory_space<vmem_shared>> -> memref<64x128xf32, #tpu.memory_space<vmem_shared>>
      tpu.wait_dma2 semaphore(%run_scoped3A : memref<!tpu.dma_semaphore, #tpu.memory_space<semaphore_mem>>) src(%dma_wait3A_250 : memref<64x128xf32, #tpu.memory_space<vmem_shared>>) dst(%arg12 : memref<64x128xf32, #tpu.memory_space<vmem>>)
      tpu.yield
    }) : () -> ()
    %add3A_200 = arith.constant 0 : i32
    %add3A_201 = arith.addi %add3A_200, %add3A_199 : i32
    "tpu.region"() ({
      %run_scoped3A = tpu.sem_alloc : memref<!tpu.dma_semaphore, #tpu.memory_space<semaphore_mem>>
      %dma_start3A = arith.constant 0 : i32
      %dma_start3A_245 = tpu.memref_slice %arg6[%arg0, %add3A_201, %dma_start3A] : memref<2x10240x128xf32, #tpu.memory_space<hbm>> -> memref<1x64x128xf32, #tpu.memory_space<hbm>>
      %dma_start3A_246 = tpu.memref_squeeze %dma_start3A_245 : memref<1x64x128xf32, #tpu.memory_space<hbm>> -> memref<64x128xf32, #tpu.memory_space<hbm>>
      %dma_start3A_247 = arith.constant 0 : i32
      %dma_start3A_248 = tpu.memref_slice %arg6[%arg0, %add3A_201, %dma_start3A_247] : memref<2x10240x128xf32, #tpu.memory_space<hbm>> -> memref<1x64x128xf32, #tpu.memory_space<hbm>>
      %dma_start3A_249 = tpu.memref_squeeze %dma_start3A_248 : memref<1x64x128xf32, #tpu.memory_space<hbm>> -> memref<64x128xf32, #tpu.memory_space<hbm>>
      tpu.enqueue_dma source(%arg12 : memref<64x128xf32, #tpu.memory_space<vmem>>) target(%dma_start3A_249 : memref<64x128xf32, #tpu.memory_space<hbm>>) target_semaphore(%run_scoped3A : memref<!tpu.dma_semaphore, #tpu.memory_space<semaphore_mem>>)
      %dma_wait3A = arith.constant 0 : i32
      %dma_wait3A_250 = tpu.memref_slice %arg6[%arg0, %add3A_201, %dma_wait3A] : memref<2x10240x128xf32, #tpu.memory_space<hbm>> -> memref<1x64x128xf32, #tpu.memory_space<hbm>>
      %dma_wait3A_251 = tpu.memref_squeeze %dma_wait3A_250 : memref<1x64x128xf32, #tpu.memory_space<hbm>> -> memref<64x128xf32, #tpu.memory_space<hbm>>
      %dma_wait3A_252 = arith.constant 0 : i32
      %dma_wait3A_253 = tpu.memref_slice %arg6[%arg0, %add3A_201, %dma_wait3A_252] : memref<2x10240x128xf32, #tpu.memory_space<hbm>> -> memref<1x64x128xf32, #tpu.memory_space<hbm>>
      %dma_wait3A_254 = tpu.memref_squeeze %dma_wait3A_253 : memref<1x64x128xf32, #tpu.memory_space<hbm>> -> memref<64x128xf32, #tpu.memory_space<hbm>>
      tpu.wait_dma2 semaphore(%run_scoped3A : memref<!tpu.dma_semaphore, #tpu.memory_space<semaphore_mem>>) src(%arg12 : memref<64x128xf32, #tpu.memory_space<vmem>>) dst(%dma_wait3A_254 : memref<64x128xf32, #tpu.memory_space<hbm>>)
      tpu.yield
    }) : () -> ()
    %mul3A_202 = arith.constant 640 : i32
    %mul3A_203 = arith.muli %arg1, %mul3A_202 : i32
    %add3A_204 = arith.constant 192 : i32
    %add3A_205 = arith.addi %mul3A_203, %add3A_204 : i32
    "tpu.region"() ({
      %run_scoped3A = tpu.sem_alloc : memref<!tpu.dma_semaphore, #tpu.memory_space<semaphore_mem>>
      %dma_start3A = arith.constant 0 : i32
      %dma_start3A_245 = tpu.memref_slice %arg13[%add3A_205, %dma_start3A] : memref<10240x128xf32, #tpu.memory_space<vmem_shared>> -> memref<64x128xf32, #tpu.memory_space<vmem_shared>>
      %dma_start3A_246 = arith.constant 0 : i32
      %dma_start3A_247 = tpu.memref_slice %arg13[%add3A_205, %dma_start3A_246] : memref<10240x128xf32, #tpu.memory_space<vmem_shared>> -> memref<64x128xf32, #tpu.memory_space<vmem_shared>>
      tpu.enqueue_dma source(%dma_start3A_247 : memref<64x128xf32, #tpu.memory_space<vmem_shared>>) target(%arg12 : memref<64x128xf32, #tpu.memory_space<vmem>>) target_semaphore(%run_scoped3A : memref<!tpu.dma_semaphore, #tpu.memory_space<semaphore_mem>>)
      %dma_wait3A = arith.constant 0 : i32
      %dma_wait3A_248 = tpu.memref_slice %arg13[%add3A_205, %dma_wait3A] : memref<10240x128xf32, #tpu.memory_space<vmem_shared>> -> memref<64x128xf32, #tpu.memory_space<vmem_shared>>
      %dma_wait3A_249 = arith.constant 0 : i32
      %dma_wait3A_250 = tpu.memref_slice %arg13[%add3A_205, %dma_wait3A_249] : memref<10240x128xf32, #tpu.memory_space<vmem_shared>> -> memref<64x128xf32, #tpu.memory_space<vmem_shared>>
      tpu.wait_dma2 semaphore(%run_scoped3A : memref<!tpu.dma_semaphore, #tpu.memory_space<semaphore_mem>>) src(%dma_wait3A_250 : memref<64x128xf32, #tpu.memory_space<vmem_shared>>) dst(%arg12 : memref<64x128xf32, #tpu.memory_space<vmem>>)
      tpu.yield
    }) : () -> ()
    %add3A_206 = arith.constant 0 : i32
    %add3A_207 = arith.addi %add3A_206, %add3A_205 : i32
    "tpu.region"() ({
      %run_scoped3A = tpu.sem_alloc : memref<!tpu.dma_semaphore, #tpu.memory_space<semaphore_mem>>
      %dma_start3A = arith.constant 0 : i32
      %dma_start3A_245 = tpu.memref_slice %arg6[%arg0, %add3A_207, %dma_start3A] : memref<2x10240x128xf32, #tpu.memory_space<hbm>> -> memref<1x64x128xf32, #tpu.memory_space<hbm>>
      %dma_start3A_246 = tpu.memref_squeeze %dma_start3A_245 : memref<1x64x128xf32, #tpu.memory_space<hbm>> -> memref<64x128xf32, #tpu.memory_space<hbm>>
      %dma_start3A_247 = arith.constant 0 : i32
      %dma_start3A_248 = tpu.memref_slice %arg6[%arg0, %add3A_207, %dma_start3A_247] : memref<2x10240x128xf32, #tpu.memory_space<hbm>> -> memref<1x64x128xf32, #tpu.memory_space<hbm>>
      %dma_start3A_249 = tpu.memref_squeeze %dma_start3A_248 : memref<1x64x128xf32, #tpu.memory_space<hbm>> -> memref<64x128xf32, #tpu.memory_space<hbm>>
      tpu.enqueue_dma source(%arg12 : memref<64x128xf32, #tpu.memory_space<vmem>>) target(%dma_start3A_249 : memref<64x128xf32, #tpu.memory_space<hbm>>) target_semaphore(%run_scoped3A : memref<!tpu.dma_semaphore, #tpu.memory_space<semaphore_mem>>)
      %dma_wait3A = arith.constant 0 : i32
      %dma_wait3A_250 = tpu.memref_slice %arg6[%arg0, %add3A_207, %dma_wait3A] : memref<2x10240x128xf32, #tpu.memory_space<hbm>> -> memref<1x64x128xf32, #tpu.memory_space<hbm>>
      %dma_wait3A_251 = tpu.memref_squeeze %dma_wait3A_250 : memref<1x64x128xf32, #tpu.memory_space<hbm>> -> memref<64x128xf32, #tpu.memory_space<hbm>>
      %dma_wait3A_252 = arith.constant 0 : i32
      %dma_wait3A_253 = tpu.memref_slice %arg6[%arg0, %add3A_207, %dma_wait3A_252] : memref<2x10240x128xf32, #tpu.memory_space<hbm>> -> memref<1x64x128xf32, #tpu.memory_space<hbm>>
      %dma_wait3A_254 = tpu.memref_squeeze %dma_wait3A_253 : memref<1x64x128xf32, #tpu.memory_space<hbm>> -> memref<64x128xf32, #tpu.memory_space<hbm>>
      tpu.wait_dma2 semaphore(%run_scoped3A : memref<!tpu.dma_semaphore, #tpu.memory_space<semaphore_mem>>) src(%arg12 : memref<64x128xf32, #tpu.memory_space<vmem>>) dst(%dma_wait3A_254 : memref<64x128xf32, #tpu.memory_space<hbm>>)
      tpu.yield
    }) : () -> ()
    %mul3A_208 = arith.constant 640 : i32
    %mul3A_209 = arith.muli %arg1, %mul3A_208 : i32
    %add3A_210 = arith.constant 256 : i32
    %add3A_211 = arith.addi %mul3A_209, %add3A_210 : i32
    "tpu.region"() ({
      %run_scoped3A = tpu.sem_alloc : memref<!tpu.dma_semaphore, #tpu.memory_space<semaphore_mem>>
      %dma_start3A = arith.constant 0 : i32
      %dma_start3A_245 = tpu.memref_slice %arg13[%add3A_211, %dma_start3A] : memref<10240x128xf32, #tpu.memory_space<vmem_shared>> -> memref<64x128xf32, #tpu.memory_space<vmem_shared>>
      %dma_start3A_246 = arith.constant 0 : i32
      %dma_start3A_247 = tpu.memref_slice %arg13[%add3A_211, %dma_start3A_246] : memref<10240x128xf32, #tpu.memory_space<vmem_shared>> -> memref<64x128xf32, #tpu.memory_space<vmem_shared>>
      tpu.enqueue_dma source(%dma_start3A_247 : memref<64x128xf32, #tpu.memory_space<vmem_shared>>) target(%arg12 : memref<64x128xf32, #tpu.memory_space<vmem>>) target_semaphore(%run_scoped3A : memref<!tpu.dma_semaphore, #tpu.memory_space<semaphore_mem>>)
      %dma_wait3A = arith.constant 0 : i32
      %dma_wait3A_248 = tpu.memref_slice %arg13[%add3A_211, %dma_wait3A] : memref<10240x128xf32, #tpu.memory_space<vmem_shared>> -> memref<64x128xf32, #tpu.memory_space<vmem_shared>>
      %dma_wait3A_249 = arith.constant 0 : i32
      %dma_wait3A_250 = tpu.memref_slice %arg13[%add3A_211, %dma_wait3A_249] : memref<10240x128xf32, #tpu.memory_space<vmem_shared>> -> memref<64x128xf32, #tpu.memory_space<vmem_shared>>
      tpu.wait_dma2 semaphore(%run_scoped3A : memref<!tpu.dma_semaphore, #tpu.memory_space<semaphore_mem>>) src(%dma_wait3A_250 : memref<64x128xf32, #tpu.memory_space<vmem_shared>>) dst(%arg12 : memref<64x128xf32, #tpu.memory_space<vmem>>)
      tpu.yield
    }) : () -> ()
    %add3A_212 = arith.constant 0 : i32
    %add3A_213 = arith.addi %add3A_212, %add3A_211 : i32
    "tpu.region"() ({
      %run_scoped3A = tpu.sem_alloc : memref<!tpu.dma_semaphore, #tpu.memory_space<semaphore_mem>>
      %dma_start3A = arith.constant 0 : i32
      %dma_start3A_245 = tpu.memref_slice %arg6[%arg0, %add3A_213, %dma_start3A] : memref<2x10240x128xf32, #tpu.memory_space<hbm>> -> memref<1x64x128xf32, #tpu.memory_space<hbm>>
      %dma_start3A_246 = tpu.memref_squeeze %dma_start3A_245 : memref<1x64x128xf32, #tpu.memory_space<hbm>> -> memref<64x128xf32, #tpu.memory_space<hbm>>
      %dma_start3A_247 = arith.constant 0 : i32
      %dma_start3A_248 = tpu.memref_slice %arg6[%arg0, %add3A_213, %dma_start3A_247] : memref<2x10240x128xf32, #tpu.memory_space<hbm>> -> memref<1x64x128xf32, #tpu.memory_space<hbm>>
      %dma_start3A_249 = tpu.memref_squeeze %dma_start3A_248 : memref<1x64x128xf32, #tpu.memory_space<hbm>> -> memref<64x128xf32, #tpu.memory_space<hbm>>
      tpu.enqueue_dma source(%arg12 : memref<64x128xf32, #tpu.memory_space<vmem>>) target(%dma_start3A_249 : memref<64x128xf32, #tpu.memory_space<hbm>>) target_semaphore(%run_scoped3A : memref<!tpu.dma_semaphore, #tpu.memory_space<semaphore_mem>>)
      %dma_wait3A = arith.constant 0 : i32
      %dma_wait3A_250 = tpu.memref_slice %arg6[%arg0, %add3A_213, %dma_wait3A] : memref<2x10240x128xf32, #tpu.memory_space<hbm>> -> memref<1x64x128xf32, #tpu.memory_space<hbm>>
      %dma_wait3A_251 = tpu.memref_squeeze %dma_wait3A_250 : memref<1x64x128xf32, #tpu.memory_space<hbm>> -> memref<64x128xf32, #tpu.memory_space<hbm>>
      %dma_wait3A_252 = arith.constant 0 : i32
      %dma_wait3A_253 = tpu.memref_slice %arg6[%arg0, %add3A_213, %dma_wait3A_252] : memref<2x10240x128xf32, #tpu.memory_space<hbm>> -> memref<1x64x128xf32, #tpu.memory_space<hbm>>
      %dma_wait3A_254 = tpu.memref_squeeze %dma_wait3A_253 : memref<1x64x128xf32, #tpu.memory_space<hbm>> -> memref<64x128xf32, #tpu.memory_space<hbm>>
      tpu.wait_dma2 semaphore(%run_scoped3A : memref<!tpu.dma_semaphore, #tpu.memory_space<semaphore_mem>>) src(%arg12 : memref<64x128xf32, #tpu.memory_space<vmem>>) dst(%dma_wait3A_254 : memref<64x128xf32, #tpu.memory_space<hbm>>)
      tpu.yield
    }) : () -> ()
    %mul3A_214 = arith.constant 640 : i32
    %mul3A_215 = arith.muli %arg1, %mul3A_214 : i32
    %add3A_216 = arith.constant 320 : i32
    %add3A_217 = arith.addi %mul3A_215, %add3A_216 : i32
    "tpu.region"() ({
      %run_scoped3A = tpu.sem_alloc : memref<!tpu.dma_semaphore, #tpu.memory_space<semaphore_mem>>
      %dma_start3A = arith.constant 0 : i32
      %dma_start3A_245 = tpu.memref_slice %arg13[%add3A_217, %dma_start3A] : memref<10240x128xf32, #tpu.memory_space<vmem_shared>> -> memref<64x128xf32, #tpu.memory_space<vmem_shared>>
      %dma_start3A_246 = arith.constant 0 : i32
      %dma_start3A_247 = tpu.memref_slice %arg13[%add3A_217, %dma_start3A_246] : memref<10240x128xf32, #tpu.memory_space<vmem_shared>> -> memref<64x128xf32, #tpu.memory_space<vmem_shared>>
      tpu.enqueue_dma source(%dma_start3A_247 : memref<64x128xf32, #tpu.memory_space<vmem_shared>>) target(%arg12 : memref<64x128xf32, #tpu.memory_space<vmem>>) target_semaphore(%run_scoped3A : memref<!tpu.dma_semaphore, #tpu.memory_space<semaphore_mem>>)
      %dma_wait3A = arith.constant 0 : i32
      %dma_wait3A_248 = tpu.memref_slice %arg13[%add3A_217, %dma_wait3A] : memref<10240x128xf32, #tpu.memory_space<vmem_shared>> -> memref<64x128xf32, #tpu.memory_space<vmem_shared>>
      %dma_wait3A_249 = arith.constant 0 : i32
      %dma_wait3A_250 = tpu.memref_slice %arg13[%add3A_217, %dma_wait3A_249] : memref<10240x128xf32, #tpu.memory_space<vmem_shared>> -> memref<64x128xf32, #tpu.memory_space<vmem_shared>>
      tpu.wait_dma2 semaphore(%run_scoped3A : memref<!tpu.dma_semaphore, #tpu.memory_space<semaphore_mem>>) src(%dma_wait3A_250 : memref<64x128xf32, #tpu.memory_space<vmem_shared>>) dst(%arg12 : memref<64x128xf32, #tpu.memory_space<vmem>>)
      tpu.yield
    }) : () -> ()
    %add3A_218 = arith.constant 0 : i32
    %add3A_219 = arith.addi %add3A_218, %add3A_217 : i32
    "tpu.region"() ({
      %run_scoped3A = tpu.sem_alloc : memref<!tpu.dma_semaphore, #tpu.memory_space<semaphore_mem>>
      %dma_start3A = arith.constant 0 : i32
      %dma_start3A_245 = tpu.memref_slice %arg6[%arg0, %add3A_219, %dma_start3A] : memref<2x10240x128xf32, #tpu.memory_space<hbm>> -> memref<1x64x128xf32, #tpu.memory_space<hbm>>
      %dma_start3A_246 = tpu.memref_squeeze %dma_start3A_245 : memref<1x64x128xf32, #tpu.memory_space<hbm>> -> memref<64x128xf32, #tpu.memory_space<hbm>>
      %dma_start3A_247 = arith.constant 0 : i32
      %dma_start3A_248 = tpu.memref_slice %arg6[%arg0, %add3A_219, %dma_start3A_247] : memref<2x10240x128xf32, #tpu.memory_space<hbm>> -> memref<1x64x128xf32, #tpu.memory_space<hbm>>
      %dma_start3A_249 = tpu.memref_squeeze %dma_start3A_248 : memref<1x64x128xf32, #tpu.memory_space<hbm>> -> memref<64x128xf32, #tpu.memory_space<hbm>>
      tpu.enqueue_dma source(%arg12 : memref<64x128xf32, #tpu.memory_space<vmem>>) target(%dma_start3A_249 : memref<64x128xf32, #tpu.memory_space<hbm>>) target_semaphore(%run_scoped3A : memref<!tpu.dma_semaphore, #tpu.memory_space<semaphore_mem>>)
      %dma_wait3A = arith.constant 0 : i32
      %dma_wait3A_250 = tpu.memref_slice %arg6[%arg0, %add3A_219, %dma_wait3A] : memref<2x10240x128xf32, #tpu.memory_space<hbm>> -> memref<1x64x128xf32, #tpu.memory_space<hbm>>
      %dma_wait3A_251 = tpu.memref_squeeze %dma_wait3A_250 : memref<1x64x128xf32, #tpu.memory_space<hbm>> -> memref<64x128xf32, #tpu.memory_space<hbm>>
      %dma_wait3A_252 = arith.constant 0 : i32
      %dma_wait3A_253 = tpu.memref_slice %arg6[%arg0, %add3A_219, %dma_wait3A_252] : memref<2x10240x128xf32, #tpu.memory_space<hbm>> -> memref<1x64x128xf32, #tpu.memory_space<hbm>>
      %dma_wait3A_254 = tpu.memref_squeeze %dma_wait3A_253 : memref<1x64x128xf32, #tpu.memory_space<hbm>> -> memref<64x128xf32, #tpu.memory_space<hbm>>
      tpu.wait_dma2 semaphore(%run_scoped3A : memref<!tpu.dma_semaphore, #tpu.memory_space<semaphore_mem>>) src(%arg12 : memref<64x128xf32, #tpu.memory_space<vmem>>) dst(%dma_wait3A_254 : memref<64x128xf32, #tpu.memory_space<hbm>>)
      tpu.yield
    }) : () -> ()
    %mul3A_220 = arith.constant 640 : i32
    %mul3A_221 = arith.muli %arg1, %mul3A_220 : i32
    %add3A_222 = arith.constant 384 : i32
    %add3A_223 = arith.addi %mul3A_221, %add3A_222 : i32
    "tpu.region"() ({
      %run_scoped3A = tpu.sem_alloc : memref<!tpu.dma_semaphore, #tpu.memory_space<semaphore_mem>>
      %dma_start3A = arith.constant 0 : i32
      %dma_start3A_245 = tpu.memref_slice %arg13[%add3A_223, %dma_start3A] : memref<10240x128xf32, #tpu.memory_space<vmem_shared>> -> memref<64x128xf32, #tpu.memory_space<vmem_shared>>
      %dma_start3A_246 = arith.constant 0 : i32
      %dma_start3A_247 = tpu.memref_slice %arg13[%add3A_223, %dma_start3A_246] : memref<10240x128xf32, #tpu.memory_space<vmem_shared>> -> memref<64x128xf32, #tpu.memory_space<vmem_shared>>
      tpu.enqueue_dma source(%dma_start3A_247 : memref<64x128xf32, #tpu.memory_space<vmem_shared>>) target(%arg12 : memref<64x128xf32, #tpu.memory_space<vmem>>) target_semaphore(%run_scoped3A : memref<!tpu.dma_semaphore, #tpu.memory_space<semaphore_mem>>)
      %dma_wait3A = arith.constant 0 : i32
      %dma_wait3A_248 = tpu.memref_slice %arg13[%add3A_223, %dma_wait3A] : memref<10240x128xf32, #tpu.memory_space<vmem_shared>> -> memref<64x128xf32, #tpu.memory_space<vmem_shared>>
      %dma_wait3A_249 = arith.constant 0 : i32
      %dma_wait3A_250 = tpu.memref_slice %arg13[%add3A_223, %dma_wait3A_249] : memref<10240x128xf32, #tpu.memory_space<vmem_shared>> -> memref<64x128xf32, #tpu.memory_space<vmem_shared>>
      tpu.wait_dma2 semaphore(%run_scoped3A : memref<!tpu.dma_semaphore, #tpu.memory_space<semaphore_mem>>) src(%dma_wait3A_250 : memref<64x128xf32, #tpu.memory_space<vmem_shared>>) dst(%arg12 : memref<64x128xf32, #tpu.memory_space<vmem>>)
      tpu.yield
    }) : () -> ()
    %add3A_224 = arith.constant 0 : i32
    %add3A_225 = arith.addi %add3A_224, %add3A_223 : i32
    "tpu.region"() ({
      %run_scoped3A = tpu.sem_alloc : memref<!tpu.dma_semaphore, #tpu.memory_space<semaphore_mem>>
      %dma_start3A = arith.constant 0 : i32
      %dma_start3A_245 = tpu.memref_slice %arg6[%arg0, %add3A_225, %dma_start3A] : memref<2x10240x128xf32, #tpu.memory_space<hbm>> -> memref<1x64x128xf32, #tpu.memory_space<hbm>>
      %dma_start3A_246 = tpu.memref_squeeze %dma_start3A_245 : memref<1x64x128xf32, #tpu.memory_space<hbm>> -> memref<64x128xf32, #tpu.memory_space<hbm>>
      %dma_start3A_247 = arith.constant 0 : i32
      %dma_start3A_248 = tpu.memref_slice %arg6[%arg0, %add3A_225, %dma_start3A_247] : memref<2x10240x128xf32, #tpu.memory_space<hbm>> -> memref<1x64x128xf32, #tpu.memory_space<hbm>>
      %dma_start3A_249 = tpu.memref_squeeze %dma_start3A_248 : memref<1x64x128xf32, #tpu.memory_space<hbm>> -> memref<64x128xf32, #tpu.memory_space<hbm>>
      tpu.enqueue_dma source(%arg12 : memref<64x128xf32, #tpu.memory_space<vmem>>) target(%dma_start3A_249 : memref<64x128xf32, #tpu.memory_space<hbm>>) target_semaphore(%run_scoped3A : memref<!tpu.dma_semaphore, #tpu.memory_space<semaphore_mem>>)
      %dma_wait3A = arith.constant 0 : i32
      %dma_wait3A_250 = tpu.memref_slice %arg6[%arg0, %add3A_225, %dma_wait3A] : memref<2x10240x128xf32, #tpu.memory_space<hbm>> -> memref<1x64x128xf32, #tpu.memory_space<hbm>>
      %dma_wait3A_251 = tpu.memref_squeeze %dma_wait3A_250 : memref<1x64x128xf32, #tpu.memory_space<hbm>> -> memref<64x128xf32, #tpu.memory_space<hbm>>
      %dma_wait3A_252 = arith.constant 0 : i32
      %dma_wait3A_253 = tpu.memref_slice %arg6[%arg0, %add3A_225, %dma_wait3A_252] : memref<2x10240x128xf32, #tpu.memory_space<hbm>> -> memref<1x64x128xf32, #tpu.memory_space<hbm>>
      %dma_wait3A_254 = tpu.memref_squeeze %dma_wait3A_253 : memref<1x64x128xf32, #tpu.memory_space<hbm>> -> memref<64x128xf32, #tpu.memory_space<hbm>>
      tpu.wait_dma2 semaphore(%run_scoped3A : memref<!tpu.dma_semaphore, #tpu.memory_space<semaphore_mem>>) src(%arg12 : memref<64x128xf32, #tpu.memory_space<vmem>>) dst(%dma_wait3A_254 : memref<64x128xf32, #tpu.memory_space<hbm>>)
      tpu.yield
    }) : () -> ()
    %mul3A_226 = arith.constant 640 : i32
    %mul3A_227 = arith.muli %arg1, %mul3A_226 : i32
    %add3A_228 = arith.constant 448 : i32
    %add3A_229 = arith.addi %mul3A_227, %add3A_228 : i32
    "tpu.region"() ({
      %run_scoped3A = tpu.sem_alloc : memref<!tpu.dma_semaphore, #tpu.memory_space<semaphore_mem>>
      %dma_start3A = arith.constant 0 : i32
      %dma_start3A_245 = tpu.memref_slice %arg13[%add3A_229, %dma_start3A] : memref<10240x128xf32, #tpu.memory_space<vmem_shared>> -> memref<64x128xf32, #tpu.memory_space<vmem_shared>>
      %dma_start3A_246 = arith.constant 0 : i32
      %dma_start3A_247 = tpu.memref_slice %arg13[%add3A_229, %dma_start3A_246] : memref<10240x128xf32, #tpu.memory_space<vmem_shared>> -> memref<64x128xf32, #tpu.memory_space<vmem_shared>>
      tpu.enqueue_dma source(%dma_start3A_247 : memref<64x128xf32, #tpu.memory_space<vmem_shared>>) target(%arg12 : memref<64x128xf32, #tpu.memory_space<vmem>>) target_semaphore(%run_scoped3A : memref<!tpu.dma_semaphore, #tpu.memory_space<semaphore_mem>>)
      %dma_wait3A = arith.constant 0 : i32
      %dma_wait3A_248 = tpu.memref_slice %arg13[%add3A_229, %dma_wait3A] : memref<10240x128xf32, #tpu.memory_space<vmem_shared>> -> memref<64x128xf32, #tpu.memory_space<vmem_shared>>
      %dma_wait3A_249 = arith.constant 0 : i32
      %dma_wait3A_250 = tpu.memref_slice %arg13[%add3A_229, %dma_wait3A_249] : memref<10240x128xf32, #tpu.memory_space<vmem_shared>> -> memref<64x128xf32, #tpu.memory_space<vmem_shared>>
      tpu.wait_dma2 semaphore(%run_scoped3A : memref<!tpu.dma_semaphore, #tpu.memory_space<semaphore_mem>>) src(%dma_wait3A_250 : memref<64x128xf32, #tpu.memory_space<vmem_shared>>) dst(%arg12 : memref<64x128xf32, #tpu.memory_space<vmem>>)
      tpu.yield
    }) : () -> ()
    %add3A_230 = arith.constant 0 : i32
    %add3A_231 = arith.addi %add3A_230, %add3A_229 : i32
    "tpu.region"() ({
      %run_scoped3A = tpu.sem_alloc : memref<!tpu.dma_semaphore, #tpu.memory_space<semaphore_mem>>
      %dma_start3A = arith.constant 0 : i32
      %dma_start3A_245 = tpu.memref_slice %arg6[%arg0, %add3A_231, %dma_start3A] : memref<2x10240x128xf32, #tpu.memory_space<hbm>> -> memref<1x64x128xf32, #tpu.memory_space<hbm>>
      %dma_start3A_246 = tpu.memref_squeeze %dma_start3A_245 : memref<1x64x128xf32, #tpu.memory_space<hbm>> -> memref<64x128xf32, #tpu.memory_space<hbm>>
      %dma_start3A_247 = arith.constant 0 : i32
      %dma_start3A_248 = tpu.memref_slice %arg6[%arg0, %add3A_231, %dma_start3A_247] : memref<2x10240x128xf32, #tpu.memory_space<hbm>> -> memref<1x64x128xf32, #tpu.memory_space<hbm>>
      %dma_start3A_249 = tpu.memref_squeeze %dma_start3A_248 : memref<1x64x128xf32, #tpu.memory_space<hbm>> -> memref<64x128xf32, #tpu.memory_space<hbm>>
      tpu.enqueue_dma source(%arg12 : memref<64x128xf32, #tpu.memory_space<vmem>>) target(%dma_start3A_249 : memref<64x128xf32, #tpu.memory_space<hbm>>) target_semaphore(%run_scoped3A : memref<!tpu.dma_semaphore, #tpu.memory_space<semaphore_mem>>)
      %dma_wait3A = arith.constant 0 : i32
      %dma_wait3A_250 = tpu.memref_slice %arg6[%arg0, %add3A_231, %dma_wait3A] : memref<2x10240x128xf32, #tpu.memory_space<hbm>> -> memref<1x64x128xf32, #tpu.memory_space<hbm>>
      %dma_wait3A_251 = tpu.memref_squeeze %dma_wait3A_250 : memref<1x64x128xf32, #tpu.memory_space<hbm>> -> memref<64x128xf32, #tpu.memory_space<hbm>>
      %dma_wait3A_252 = arith.constant 0 : i32
      %dma_wait3A_253 = tpu.memref_slice %arg6[%arg0, %add3A_231, %dma_wait3A_252] : memref<2x10240x128xf32, #tpu.memory_space<hbm>> -> memref<1x64x128xf32, #tpu.memory_space<hbm>>
      %dma_wait3A_254 = tpu.memref_squeeze %dma_wait3A_253 : memref<1x64x128xf32, #tpu.memory_space<hbm>> -> memref<64x128xf32, #tpu.memory_space<hbm>>
      tpu.wait_dma2 semaphore(%run_scoped3A : memref<!tpu.dma_semaphore, #tpu.memory_space<semaphore_mem>>) src(%arg12 : memref<64x128xf32, #tpu.memory_space<vmem>>) dst(%dma_wait3A_254 : memref<64x128xf32, #tpu.memory_space<hbm>>)
      tpu.yield
    }) : () -> ()
    %mul3A_232 = arith.constant 640 : i32
    %mul3A_233 = arith.muli %arg1, %mul3A_232 : i32
    %add3A_234 = arith.constant 512 : i32
    %add3A_235 = arith.addi %mul3A_233, %add3A_234 : i32
    "tpu.region"() ({
      %run_scoped3A = tpu.sem_alloc : memref<!tpu.dma_semaphore, #tpu.memory_space<semaphore_mem>>
      %dma_start3A = arith.constant 0 : i32
      %dma_start3A_245 = tpu.memref_slice %arg13[%add3A_235, %dma_start3A] : memref<10240x128xf32, #tpu.memory_space<vmem_shared>> -> memref<64x128xf32, #tpu.memory_space<vmem_shared>>
      %dma_start3A_246 = arith.constant 0 : i32
      %dma_start3A_247 = tpu.memref_slice %arg13[%add3A_235, %dma_start3A_246] : memref<10240x128xf32, #tpu.memory_space<vmem_shared>> -> memref<64x128xf32, #tpu.memory_space<vmem_shared>>
      tpu.enqueue_dma source(%dma_start3A_247 : memref<64x128xf32, #tpu.memory_space<vmem_shared>>) target(%arg12 : memref<64x128xf32, #tpu.memory_space<vmem>>) target_semaphore(%run_scoped3A : memref<!tpu.dma_semaphore, #tpu.memory_space<semaphore_mem>>)
      %dma_wait3A = arith.constant 0 : i32
      %dma_wait3A_248 = tpu.memref_slice %arg13[%add3A_235, %dma_wait3A] : memref<10240x128xf32, #tpu.memory_space<vmem_shared>> -> memref<64x128xf32, #tpu.memory_space<vmem_shared>>
      %dma_wait3A_249 = arith.constant 0 : i32
      %dma_wait3A_250 = tpu.memref_slice %arg13[%add3A_235, %dma_wait3A_249] : memref<10240x128xf32, #tpu.memory_space<vmem_shared>> -> memref<64x128xf32, #tpu.memory_space<vmem_shared>>
      tpu.wait_dma2 semaphore(%run_scoped3A : memref<!tpu.dma_semaphore, #tpu.memory_space<semaphore_mem>>) src(%dma_wait3A_250 : memref<64x128xf32, #tpu.memory_space<vmem_shared>>) dst(%arg12 : memref<64x128xf32, #tpu.memory_space<vmem>>)
      tpu.yield
    }) : () -> ()
    %add3A_236 = arith.constant 0 : i32
    %add3A_237 = arith.addi %add3A_236, %add3A_235 : i32
    "tpu.region"() ({
      %run_scoped3A = tpu.sem_alloc : memref<!tpu.dma_semaphore, #tpu.memory_space<semaphore_mem>>
      %dma_start3A = arith.constant 0 : i32
      %dma_start3A_245 = tpu.memref_slice %arg6[%arg0, %add3A_237, %dma_start3A] : memref<2x10240x128xf32, #tpu.memory_space<hbm>> -> memref<1x64x128xf32, #tpu.memory_space<hbm>>
      %dma_start3A_246 = tpu.memref_squeeze %dma_start3A_245 : memref<1x64x128xf32, #tpu.memory_space<hbm>> -> memref<64x128xf32, #tpu.memory_space<hbm>>
      %dma_start3A_247 = arith.constant 0 : i32
      %dma_start3A_248 = tpu.memref_slice %arg6[%arg0, %add3A_237, %dma_start3A_247] : memref<2x10240x128xf32, #tpu.memory_space<hbm>> -> memref<1x64x128xf32, #tpu.memory_space<hbm>>
      %dma_start3A_249 = tpu.memref_squeeze %dma_start3A_248 : memref<1x64x128xf32, #tpu.memory_space<hbm>> -> memref<64x128xf32, #tpu.memory_space<hbm>>
      tpu.enqueue_dma source(%arg12 : memref<64x128xf32, #tpu.memory_space<vmem>>) target(%dma_start3A_249 : memref<64x128xf32, #tpu.memory_space<hbm>>) target_semaphore(%run_scoped3A : memref<!tpu.dma_semaphore, #tpu.memory_space<semaphore_mem>>)
      %dma_wait3A = arith.constant 0 : i32
      %dma_wait3A_250 = tpu.memref_slice %arg6[%arg0, %add3A_237, %dma_wait3A] : memref<2x10240x128xf32, #tpu.memory_space<hbm>> -> memref<1x64x128xf32, #tpu.memory_space<hbm>>
      %dma_wait3A_251 = tpu.memref_squeeze %dma_wait3A_250 : memref<1x64x128xf32, #tpu.memory_space<hbm>> -> memref<64x128xf32, #tpu.memory_space<hbm>>
      %dma_wait3A_252 = arith.constant 0 : i32
      %dma_wait3A_253 = tpu.memref_slice %arg6[%arg0, %add3A_237, %dma_wait3A_252] : memref<2x10240x128xf32, #tpu.memory_space<hbm>> -> memref<1x64x128xf32, #tpu.memory_space<hbm>>
      %dma_wait3A_254 = tpu.memref_squeeze %dma_wait3A_253 : memref<1x64x128xf32, #tpu.memory_space<hbm>> -> memref<64x128xf32, #tpu.memory_space<hbm>>
      tpu.wait_dma2 semaphore(%run_scoped3A : memref<!tpu.dma_semaphore, #tpu.memory_space<semaphore_mem>>) src(%arg12 : memref<64x128xf32, #tpu.memory_space<vmem>>) dst(%dma_wait3A_254 : memref<64x128xf32, #tpu.memory_space<hbm>>)
      tpu.yield
    }) : () -> ()
    %mul3A_238 = arith.constant 640 : i32
    %mul3A_239 = arith.muli %arg1, %mul3A_238 : i32
    %add3A_240 = arith.constant 576 : i32
    %add3A_241 = arith.addi %mul3A_239, %add3A_240 : i32
    "tpu.region"() ({
      %run_scoped3A = tpu.sem_alloc : memref<!tpu.dma_semaphore, #tpu.memory_space<semaphore_mem>>
      %dma_start3A = arith.constant 0 : i32
      %dma_start3A_245 = tpu.memref_slice %arg13[%add3A_241, %dma_start3A] : memref<10240x128xf32, #tpu.memory_space<vmem_shared>> -> memref<64x128xf32, #tpu.memory_space<vmem_shared>>
      %dma_start3A_246 = arith.constant 0 : i32
      %dma_start3A_247 = tpu.memref_slice %arg13[%add3A_241, %dma_start3A_246] : memref<10240x128xf32, #tpu.memory_space<vmem_shared>> -> memref<64x128xf32, #tpu.memory_space<vmem_shared>>
      tpu.enqueue_dma source(%dma_start3A_247 : memref<64x128xf32, #tpu.memory_space<vmem_shared>>) target(%arg12 : memref<64x128xf32, #tpu.memory_space<vmem>>) target_semaphore(%run_scoped3A : memref<!tpu.dma_semaphore, #tpu.memory_space<semaphore_mem>>)
      %dma_wait3A = arith.constant 0 : i32
      %dma_wait3A_248 = tpu.memref_slice %arg13[%add3A_241, %dma_wait3A] : memref<10240x128xf32, #tpu.memory_space<vmem_shared>> -> memref<64x128xf32, #tpu.memory_space<vmem_shared>>
      %dma_wait3A_249 = arith.constant 0 : i32
      %dma_wait3A_250 = tpu.memref_slice %arg13[%add3A_241, %dma_wait3A_249] : memref<10240x128xf32, #tpu.memory_space<vmem_shared>> -> memref<64x128xf32, #tpu.memory_space<vmem_shared>>
      tpu.wait_dma2 semaphore(%run_scoped3A : memref<!tpu.dma_semaphore, #tpu.memory_space<semaphore_mem>>) src(%dma_wait3A_250 : memref<64x128xf32, #tpu.memory_space<vmem_shared>>) dst(%arg12 : memref<64x128xf32, #tpu.memory_space<vmem>>)
      tpu.yield
    }) : () -> ()
    %add3A_242 = arith.constant 0 : i32
    %add3A_243 = arith.addi %add3A_242, %add3A_241 : i32
    "tpu.region"() ({
      %run_scoped3A = tpu.sem_alloc : memref<!tpu.dma_semaphore, #tpu.memory_space<semaphore_mem>>
      %dma_start3A = arith.constant 0 : i32
      %dma_start3A_245 = tpu.memref_slice %arg6[%arg0, %add3A_243, %dma_start3A] : memref<2x10240x128xf32, #tpu.memory_space<hbm>> -> memref<1x64x128xf32, #tpu.memory_space<hbm>>
      %dma_start3A_246 = tpu.memref_squeeze %dma_start3A_245 : memref<1x64x128xf32, #tpu.memory_space<hbm>> -> memref<64x128xf32, #tpu.memory_space<hbm>>
      %dma_start3A_247 = arith.constant 0 : i32
      %dma_start3A_248 = tpu.memref_slice %arg6[%arg0, %add3A_243, %dma_start3A_247] : memref<2x10240x128xf32, #tpu.memory_space<hbm>> -> memref<1x64x128xf32, #tpu.memory_space<hbm>>
      %dma_start3A_249 = tpu.memref_squeeze %dma_start3A_248 : memref<1x64x128xf32, #tpu.memory_space<hbm>> -> memref<64x128xf32, #tpu.memory_space<hbm>>
      tpu.enqueue_dma source(%arg12 : memref<64x128xf32, #tpu.memory_space<vmem>>) target(%dma_start3A_249 : memref<64x128xf32, #tpu.memory_space<hbm>>) target_semaphore(%run_scoped3A : memref<!tpu.dma_semaphore, #tpu.memory_space<semaphore_mem>>)
      %dma_wait3A = arith.constant 0 : i32
      %dma_wait3A_250 = tpu.memref_slice %arg6[%arg0, %add3A_243, %dma_wait3A] : memref<2x10240x128xf32, #tpu.memory_space<hbm>> -> memref<1x64x128xf32, #tpu.memory_space<hbm>>
      %dma_wait3A_251 = tpu.memref_squeeze %dma_wait3A_250 : memref<1x64x128xf32, #tpu.memory_space<hbm>> -> memref<64x128xf32, #tpu.memory_space<hbm>>
      %dma_wait3A_252 = arith.constant 0 : i32
      %dma_wait3A_253 = tpu.memref_slice %arg6[%arg0, %add3A_243, %dma_wait3A_252] : memref<2x10240x128xf32, #tpu.memory_space<hbm>> -> memref<1x64x128xf32, #tpu.memory_space<hbm>>
      %dma_wait3A_254 = tpu.memref_squeeze %dma_wait3A_253 : memref<1x64x128xf32, #tpu.memory_space<hbm>> -> memref<64x128xf32, #tpu.memory_space<hbm>>
      tpu.wait_dma2 semaphore(%run_scoped3A : memref<!tpu.dma_semaphore, #tpu.memory_space<semaphore_mem>>) src(%arg12 : memref<64x128xf32, #tpu.memory_space<vmem>>) dst(%dma_wait3A_254 : memref<64x128xf32, #tpu.memory_space<hbm>>)
      tpu.yield
    }) : () -> ()
    %barrier3A_244 = arith.constant 0 : index
    tpu.barrier barrier_id(%barrier3A_244)
    return
  }
}

module attributes {stable_mosaic.version = 14 : i64} {
  func.func @body(%arg0: i32, %arg1: memref<2x2000x128xf32, #tpu.memory_space<vmem>>, %arg2: memref<2x2000x128xf32, #tpu.memory_space<vmem>>, %arg3: memref<2000x128xf32, #tpu.memory_space<vmem>>, %arg4: memref<128x128xf32, #tpu.memory_space<vmem>>, %arg5: memref<1x128xf32, #tpu.memory_space<vmem>>, %arg6: memref<128x128xf32, #tpu.memory_space<vmem>>, %arg7: memref<2000x128xf32, #tpu.memory_space<vmem>>) attributes {dimension_semantics = [#tpu.dimension_semantics<arbitrary>], iteration_bounds = array<i64: 5>, scalar_prefetch = 0 : i64, scratch_operands = 0 : i64, tpu.core_type = #tpu.core_type<tc>, window_params = [{transform_indices = @transform_0, window_bounds = array<i64: 2, 2000, 128>}, {transform_indices = @transform_1, window_bounds = array<i64: 2, 2000, 128>}, {transform_indices = @transform_2, window_bounds = array<i64: 2000, 128>}, {pipeline_mode = #tpu.pipeline_mode<synchronous>, transform_indices = @transform_3, window_bounds = array<i64: 128, 128>}, {pipeline_mode = #tpu.pipeline_mode<synchronous>, transform_indices = @transform_4, window_bounds = array<i64: 1, 128>}, {pipeline_mode = #tpu.pipeline_mode<synchronous>, transform_indices = @transform_5, window_bounds = array<i64: 128, 128>}, {transform_indices = @transform_6, window_bounds = array<i64: 2000, 128>}]} {
    %get3A = arith.constant 0 : index
    %get3A_0 = arith.constant 0 : index
    %get3A_1 = arith.constant 0 : index
    %get3A_2 = vector.load %arg2[%get3A, %get3A_0, %get3A_1] : memref<2x2000x128xf32, #tpu.memory_space<vmem>>, vector<1x2000x1xf32>
    %get3A_3 = vector.shape_cast %get3A_2 : vector<1x2000x1xf32> to vector<2000x1xf32>
    %get3A_4 = arith.constant 1 : index
    %get3A_5 = arith.constant 0 : index
    %get3A_6 = arith.constant 0 : index
    %get3A_7 = vector.load %arg2[%get3A_4, %get3A_5, %get3A_6] : memref<2x2000x128xf32, #tpu.memory_space<vmem>>, vector<1x2000x1xf32>
    %get3A_8 = vector.shape_cast %get3A_7 : vector<1x2000x1xf32> to vector<2000x1xf32>
    %add3A = arith.addf %get3A_3, %get3A_8 : vector<2000x1xf32>
    %max3A = arith.constant 1.000000e+00 : f32
    %max3A_9 = vector.broadcast %max3A : f32 to vector<2000x1xf32>
    %max3A_10 = arith.maximumf %add3A, %max3A_9 : vector<2000x1xf32>
    %get3A_11 = arith.constant 0 : index
    %get3A_12 = arith.constant 0 : index
    %get3A_13 = arith.constant 0 : index
    %get3A_14 = vector.load %arg1[%get3A_11, %get3A_12, %get3A_13] : memref<2x2000x128xf32, #tpu.memory_space<vmem>>, vector<1x2000x128xf32>
    %get3A_15 = vector.shape_cast %get3A_14 : vector<1x2000x128xf32> to vector<2000x128xf32>
    %get3A_16 = arith.constant 1 : index
    %get3A_17 = arith.constant 0 : index
    %get3A_18 = arith.constant 0 : index
    %get3A_19 = vector.load %arg1[%get3A_16, %get3A_17, %get3A_18] : memref<2x2000x128xf32, #tpu.memory_space<vmem>>, vector<1x2000x128xf32>
    %get3A_20 = vector.shape_cast %get3A_19 : vector<1x2000x128xf32> to vector<2000x128xf32>
    %add3A_21 = arith.addf %get3A_15, %get3A_20 : vector<2000x128xf32>
    %div3A = vector.broadcast %max3A_10 : vector<2000x1xf32> to vector<2000x128xf32>
    %div3A_22 = arith.divf %add3A_21, %div3A : vector<2000x128xf32>
    %get3A_23 = arith.constant 0 : index
    %get3A_24 = arith.constant 0 : index
    %get3A_25 = vector.load %arg4[%get3A_23, %get3A_24] : memref<128x128xf32, #tpu.memory_space<vmem>>, vector<128x128xf32>
    %dot_general3A = arith.constant dense<0.000000e+00> : vector<2000x128xf32>
    %dot_general3A_26 = tpu.matmul %div3A_22, %get3A_25, %dot_general3A {dimension_numbers = #tpu.dot_dimension_numbers<[1], [0], [0], [1], [0, 0, 1, 1], [], []>, transpose_lhs_hint = false} : vector<2000x128xf32>, vector<128x128xf32>, vector<2000x128xf32> -> vector<2000x128xf32>
    %get3A_27 = arith.constant 0 : index
    %get3A_28 = arith.constant 0 : index
    %get3A_29 = vector.load %arg5[%get3A_27, %get3A_28] : memref<1x128xf32, #tpu.memory_space<vmem>>, vector<1x128xf32>
    %add3A_30 = vector.broadcast %get3A_29 : vector<1x128xf32> to vector<2000x128xf32>
    %add3A_31 = arith.addf %dot_general3A_26, %add3A_30 : vector<2000x128xf32>
    %get3A_32 = arith.constant 0 : index
    %get3A_33 = arith.constant 0 : index
    %get3A_34 = vector.load %arg3[%get3A_32, %get3A_33] : memref<2000x128xf32, #tpu.memory_space<vmem>>, vector<2000x128xf32>
    %get3A_35 = arith.constant 0 : index
    %get3A_36 = arith.constant 0 : index
    %get3A_37 = vector.load %arg6[%get3A_35, %get3A_36] : memref<128x128xf32, #tpu.memory_space<vmem>>, vector<128x128xf32>
    %dot_general3A_38 = arith.constant dense<0.000000e+00> : vector<2000x128xf32>
    %dot_general3A_39 = tpu.matmul %get3A_34, %get3A_37, %dot_general3A_38 {dimension_numbers = #tpu.dot_dimension_numbers<[1], [0], [0], [1], [0, 0, 1, 1], [], []>, transpose_lhs_hint = false} : vector<2000x128xf32>, vector<128x128xf32>, vector<2000x128xf32> -> vector<2000x128xf32>
    %add3A_40 = arith.addf %add3A_31, %dot_general3A_39 : vector<2000x128xf32>
    %max3A_41 = arith.constant 0.000000e+00 : f32
    %max3A_42 = vector.broadcast %max3A_41 : f32 to vector<2000x128xf32>
    %max3A_43 = arith.maximumf %add3A_40, %max3A_42 : vector<2000x128xf32>
    %swap3A = arith.constant 0 : index
    %swap3A_44 = arith.constant 0 : index
    %swap3A_45 = vector.load %arg7[%swap3A, %swap3A_44] : memref<2000x128xf32, #tpu.memory_space<vmem>>, vector<2000x128xf32>
    tpu.vector_store %arg7[%swap3A, %swap3A_44], %max3A_43 {strides = array<i32>} : memref<2000x128xf32, #tpu.memory_space<vmem>>, vector<2000x128xf32>,
    return
  }
  func.func @transform_0(%arg0: i32) -> (i32, i32, i32) {
    %c0_i32 = arith.constant 0 : i32
    %c0_i32_0 = arith.constant 0 : i32
    %c0_i32_1 = arith.constant 0 : i32
    return %c0_i32, %arg0, %c0_i32_0 : i32, i32, i32
  }
  func.func @transform_1(%arg0: i32) -> (i32, i32, i32) {
    %c0_i32 = arith.constant 0 : i32
    %c0_i32_0 = arith.constant 0 : i32
    %c0_i32_1 = arith.constant 0 : i32
    return %c0_i32, %arg0, %c0_i32_0 : i32, i32, i32
  }
  func.func @transform_2(%arg0: i32) -> (i32, i32) {
    %c0_i32 = arith.constant 0 : i32
    %c0_i32_0 = arith.constant 0 : i32
    return %arg0, %c0_i32 : i32, i32
  }
  func.func @transform_3(%arg0: i32) -> (i32, i32) {
    %c0_i32 = arith.constant 0 : i32
    %c0_i32_0 = arith.constant 0 : i32
    %c0_i32_1 = arith.constant 0 : i32
    return %c0_i32, %c0_i32_0 : i32, i32
  }
  func.func @transform_4(%arg0: i32) -> (i32, i32) {
    %c0_i32 = arith.constant 0 : i32
    %c0_i32_0 = arith.constant 0 : i32
    %c0_i32_1 = arith.constant 0 : i32
    return %c0_i32, %c0_i32_0 : i32, i32
  }
  func.func @transform_5(%arg0: i32) -> (i32, i32) {
    %c0_i32 = arith.constant 0 : i32
    %c0_i32_0 = arith.constant 0 : i32
    %c0_i32_1 = arith.constant 0 : i32
    return %c0_i32, %c0_i32_0 : i32, i32
  }
  func.func @transform_6(%arg0: i32) -> (i32, i32) {
    %c0_i32 = arith.constant 0 : i32
    %c0_i32_0 = arith.constant 0 : i32
    return %arg0, %c0_i32 : i32, i32
  }
}

module attributes {stable_mosaic.version = 14 : i64} {
  func.func @body(%arg0: i32, %arg1: memref<2x2000x128xf32, #tpu.memory_space<vmem>>, %arg2: memref<2x2000x128xf32, #tpu.memory_space<vmem>>, %arg3: memref<2000x128xf32, #tpu.memory_space<vmem>>, %arg4: memref<128x128xf32, #tpu.memory_space<vmem>>, %arg5: memref<1x128xf32, #tpu.memory_space<vmem>>, %arg6: memref<128x128xf32, #tpu.memory_space<vmem>>, %arg7: memref<2000x128xf32, #tpu.memory_space<vmem>>) attributes {dimension_semantics = [#tpu.dimension_semantics<arbitrary>], iteration_bounds = array<i64: 5>, scalar_prefetch = 0 : i64, scratch_operands = 0 : i64, tpu.core_type = #tpu.core_type<tc>, window_params = [{transform_indices = @transform_0, window_bounds = array<i64: 2, 2000, 128>}, {transform_indices = @transform_1, window_bounds = array<i64: 2, 2000, 128>}, {transform_indices = @transform_2, window_bounds = array<i64: 2000, 128>}, {pipeline_mode = #tpu.pipeline_mode<synchronous>, transform_indices = @transform_3, window_bounds = array<i64: 128, 128>}, {pipeline_mode = #tpu.pipeline_mode<synchronous>, transform_indices = @transform_4, window_bounds = array<i64: 1, 128>}, {pipeline_mode = #tpu.pipeline_mode<synchronous>, transform_indices = @transform_5, window_bounds = array<i64: 128, 128>}, {transform_indices = @transform_6, window_bounds = array<i64: 2000, 128>}]} {
    %get3A = arith.constant 0 : index
    %get3A_0 = arith.constant 0 : index
    %get3A_1 = arith.constant 0 : index
    %get3A_2 = vector.load %arg2[%get3A, %get3A_0, %get3A_1] : memref<2x2000x128xf32, #tpu.memory_space<vmem>>, vector<1x2000x1xf32>
    %get3A_3 = vector.shape_cast %get3A_2 : vector<1x2000x1xf32> to vector<2000x1xf32>
    %get3A_4 = arith.constant 1 : index
    %get3A_5 = arith.constant 0 : index
    %get3A_6 = arith.constant 0 : index
    %get3A_7 = vector.load %arg2[%get3A_4, %get3A_5, %get3A_6] : memref<2x2000x128xf32, #tpu.memory_space<vmem>>, vector<1x2000x1xf32>
    %get3A_8 = vector.shape_cast %get3A_7 : vector<1x2000x1xf32> to vector<2000x1xf32>
    %add3A = arith.addf %get3A_3, %get3A_8 : vector<2000x1xf32>
    %max3A = arith.constant 1.000000e+00 : f32
    %max3A_9 = vector.broadcast %max3A : f32 to vector<2000x1xf32>
    %max3A_10 = arith.maximumf %add3A, %max3A_9 : vector<2000x1xf32>
    %get3A_11 = arith.constant 0 : index
    %get3A_12 = arith.constant 0 : index
    %get3A_13 = arith.constant 0 : index
    %get3A_14 = vector.load %arg1[%get3A_11, %get3A_12, %get3A_13] : memref<2x2000x128xf32, #tpu.memory_space<vmem>>, vector<1x2000x128xf32>
    %get3A_15 = vector.shape_cast %get3A_14 : vector<1x2000x128xf32> to vector<2000x128xf32>
    %get3A_16 = arith.constant 1 : index
    %get3A_17 = arith.constant 0 : index
    %get3A_18 = arith.constant 0 : index
    %get3A_19 = vector.load %arg1[%get3A_16, %get3A_17, %get3A_18] : memref<2x2000x128xf32, #tpu.memory_space<vmem>>, vector<1x2000x128xf32>
    %get3A_20 = vector.shape_cast %get3A_19 : vector<1x2000x128xf32> to vector<2000x128xf32>
    %add3A_21 = arith.addf %get3A_15, %get3A_20 : vector<2000x128xf32>
    %div3A = vector.broadcast %max3A_10 : vector<2000x1xf32> to vector<2000x128xf32>
    %div3A_22 = arith.divf %add3A_21, %div3A : vector<2000x128xf32>
    %get3A_23 = arith.constant 0 : index
    %get3A_24 = arith.constant 0 : index
    %get3A_25 = vector.load %arg4[%get3A_23, %get3A_24] : memref<128x128xf32, #tpu.memory_space<vmem>>, vector<128x128xf32>
    %dot_general3A = arith.constant dense<0.000000e+00> : vector<2000x128xf32>
    %dot_general3A_26 = tpu.matmul %div3A_22, %get3A_25, %dot_general3A {dimension_numbers = #tpu.dot_dimension_numbers<[1], [0], [0], [1], [0, 0, 1, 1], [], []>, transpose_lhs_hint = false} : vector<2000x128xf32>, vector<128x128xf32>, vector<2000x128xf32> -> vector<2000x128xf32>
    %get3A_27 = arith.constant 0 : index
    %get3A_28 = arith.constant 0 : index
    %get3A_29 = vector.load %arg5[%get3A_27, %get3A_28] : memref<1x128xf32, #tpu.memory_space<vmem>>, vector<1x128xf32>
    %add3A_30 = vector.broadcast %get3A_29 : vector<1x128xf32> to vector<2000x128xf32>
    %add3A_31 = arith.addf %dot_general3A_26, %add3A_30 : vector<2000x128xf32>
    %get3A_32 = arith.constant 0 : index
    %get3A_33 = arith.constant 0 : index
    %get3A_34 = vector.load %arg3[%get3A_32, %get3A_33] : memref<2000x128xf32, #tpu.memory_space<vmem>>, vector<2000x128xf32>
    %get3A_35 = arith.constant 0 : index
    %get3A_36 = arith.constant 0 : index
    %get3A_37 = vector.load %arg6[%get3A_35, %get3A_36] : memref<128x128xf32, #tpu.memory_space<vmem>>, vector<128x128xf32>
    %dot_general3A_38 = arith.constant dense<0.000000e+00> : vector<2000x128xf32>
    %dot_general3A_39 = tpu.matmul %get3A_34, %get3A_37, %dot_general3A_38 {dimension_numbers = #tpu.dot_dimension_numbers<[1], [0], [0], [1], [0, 0, 1, 1], [], []>, transpose_lhs_hint = false} : vector<2000x128xf32>, vector<128x128xf32>, vector<2000x128xf32> -> vector<2000x128xf32>
    %add3A_40 = arith.addf %add3A_31, %dot_general3A_39 : vector<2000x128xf32>
    %reduce_max3A = arith.constant dense<0xFF800000> : vector<2000xf32>
    %reduce_max3A_41 = vector.multi_reduction <maximumf>, %add3A_40, %reduce_max3A [1] : vector<2000x128xf32> to vector<2000xf32>
    %broadcast_in_dim3A = vector.shape_cast %reduce_max3A_41 : vector<2000xf32> to vector<2000x1xf32>
    %sub3A = vector.broadcast %broadcast_in_dim3A : vector<2000x1xf32> to vector<2000x128xf32>
    %sub3A_42 = arith.subf %add3A_40, %sub3A : vector<2000x128xf32>
    %exp3A = math.exp %sub3A_42 : vector<2000x128xf32>
    %sub3A_43 = vector.broadcast %broadcast_in_dim3A : vector<2000x1xf32> to vector<2000x128xf32>
    %sub3A_44 = arith.subf %add3A_40, %sub3A_43 : vector<2000x128xf32>
    %reduce_sum3A = arith.constant dense<0.000000e+00> : vector<2000xf32>
    %reduce_sum3A_45 = vector.multi_reduction <add>, %exp3A, %reduce_sum3A [1] : vector<2000x128xf32> to vector<2000xf32>
    %broadcast_in_dim3A_46 = vector.shape_cast %reduce_sum3A_45 : vector<2000xf32> to vector<2000x1xf32>
    %log3A = math.log %broadcast_in_dim3A_46 : vector<2000x1xf32>
    %sub3A_47 = vector.broadcast %log3A : vector<2000x1xf32> to vector<2000x128xf32>
    %sub3A_48 = arith.subf %sub3A_44, %sub3A_47 : vector<2000x128xf32>
    %swap3A = arith.constant 0 : index
    %swap3A_49 = arith.constant 0 : index
    %swap3A_50 = vector.load %arg7[%swap3A, %swap3A_49] : memref<2000x128xf32, #tpu.memory_space<vmem>>, vector<2000x128xf32>
    tpu.vector_store %arg7[%swap3A, %swap3A_49], %sub3A_48 {strides = array<i32>} : memref<2000x128xf32, #tpu.memory_space<vmem>>, vector<2000x128xf32>,
    return
  }
  func.func @transform_0(%arg0: i32) -> (i32, i32, i32) {
    %c0_i32 = arith.constant 0 : i32
    %c0_i32_0 = arith.constant 0 : i32
    %c0_i32_1 = arith.constant 0 : i32
    return %c0_i32, %arg0, %c0_i32_0 : i32, i32, i32
  }
  func.func @transform_1(%arg0: i32) -> (i32, i32, i32) {
    %c0_i32 = arith.constant 0 : i32
    %c0_i32_0 = arith.constant 0 : i32
    %c0_i32_1 = arith.constant 0 : i32
    return %c0_i32, %arg0, %c0_i32_0 : i32, i32, i32
  }
  func.func @transform_2(%arg0: i32) -> (i32, i32) {
    %c0_i32 = arith.constant 0 : i32
    %c0_i32_0 = arith.constant 0 : i32
    return %arg0, %c0_i32 : i32, i32
  }
  func.func @transform_3(%arg0: i32) -> (i32, i32) {
    %c0_i32 = arith.constant 0 : i32
    %c0_i32_0 = arith.constant 0 : i32
    %c0_i32_1 = arith.constant 0 : i32
    return %c0_i32, %c0_i32_0 : i32, i32
  }
  func.func @transform_4(%arg0: i32) -> (i32, i32) {
    %c0_i32 = arith.constant 0 : i32
    %c0_i32_0 = arith.constant 0 : i32
    %c0_i32_1 = arith.constant 0 : i32
    return %c0_i32, %c0_i32_0 : i32, i32
  }
  func.func @transform_5(%arg0: i32) -> (i32, i32) {
    %c0_i32 = arith.constant 0 : i32
    %c0_i32_0 = arith.constant 0 : i32
    %c0_i32_1 = arith.constant 0 : i32
    return %c0_i32, %c0_i32_0 : i32, i32
  }
  func.func @transform_6(%arg0: i32) -> (i32, i32) {
    %c0_i32 = arith.constant 0 : i32
    %c0_i32_0 = arith.constant 0 : i32
    return %arg0, %c0_i32 : i32, i32
  }
}

</mosaic_0001>

<sc_bundles>
// kernel: kernel.6.cloned.1.call-start
scs
__scs_entry_jumppad:
0x0: {  	(pc) =	sbr.rel $0x88, $3  }
0x1: {  	(tag) =	ssettag $0x0;
	lr =	simm.s32 $0x1  }
0x2: {  	[smem:$0x3F99] =	sst lr;
	_ =	strace $0xD0000000  }
0x3: {  	_ = 	snop  }
0x4: {  	_ = 	snop  }
0x5: {  	_ = 	snop  }
0x6: {  	_ = 	snop  }
0x7: {  	_ = 	snop  }
__scs_overlays_trampoline_lowered:
0x8: {  	[smem:$0x3FA8] =	sst s0  }
0x9: {  	[smem:$0x3FA9] =	sst s1  }
0xa: {  	[smem:$0x3FAA] =	sst s2  }
0xb: {  	[smem:$0x3FAB] =	sst s3  }
0xc: {  	[smem:$0x3FAC] =	sst s4  }
0xd: {  	[smem:$0x3FAD] =	sst s5  }
0xe: {  	[smem:$0x3FAE] =	sst s6  }
0xf: {  	[smem:$0x3FAF] =	sst s7  }
0x10: {  	[smem:$0x3FB0] =	sst s8  }
0x11: {  	[smem:$0x3FB1] =	sst s9;
	s0 =	simm.s32 @!p0 $0x0  }
0x12: {  	s1 =	sld [smem:$0x3F97];
	s0 =	simm.s32 @p0 $0x1  }
0x13: {  	[smem:$0x3FB2] =	sst s0;
	s0 =	simm.s32 @!p1 $0x0  }
0x14: {  	s2 =	sld [smem:$0x3F96];
	s0 =	simm.s32 @p1 $0x1  }
0x15: {  	[smem:$0x3FB3] =	sst s0;
	s0 =	simm.s32 @!p2 $0x0  }
0x16: {  	s3 =	sld [smem:$0x3FDB];
	s0 =	simm.s32 @p2 $0x1  }
0x17: {  	s4 =	simm.s32 $0x1BF5;
	[smem:$0x3FB5] =	sst s0  }
0x18: {  	s0 =	sld [smem:$0x3F98];
	_ =	swait.ge [sflag:s4], $0x0  }
0x19: {  	s7 =	sld [smem:$0x3F99]  }
0x1a: {  	s8 =	sadd.s32 $0xFFFFE003, lr  }
0x1b: {  	s9 =	sadd.s32 $0xFFFFFEF7, lr;
	s5 =	simm.s32 $0xFFFFFFFF;
	p2 =	slt.u32 s8, $0xFFFFF086  }
0x1c: {  	p1 =	slt.u32 s9, $0xF7A;
	s5 =	simm.s32 @!p2 $0x0  }
0x1d: {  	s5 =	simm.s32 @p1 $0x1;
	p0 =	seq.s32 s7, s2  }
0x1e: {  	s7 =	smul.u32 @!p0 $0xF7A, s2;
	p2 =	seq.s32 @!p0 s5, $0x0  }
0x1f: {  	s9 =	smul.u32 $0xF7A, s1;
	s8 =	simm.s32 @!p0 $0x1BF5;
	p2 =	por !p2, p0  }
0x20: {  	[sflag:s8] =	ssyncset.s32 @!p0 $0xFFFFF086;
	s6 =	sadd.s32 @!p0 s3, s7;
	s7 =	simm.s32 @!p0 $0x108  }
0x21: {  	s3 =	sadd.s32 s3, s9;
	s6 =	sadd.s32 @!p0 $0x88, s6;
	s7 =	simm.s32 @p2 $0x1082  }
0x22: {  	[simem:s7], [sflag:s8] =	dma.local @!p0 [hbm:s6], $0xF7A  }
0x23: {  	s9 =	sor.u32 $0xD0000000, s2;
	s6 =	simm.s32 $0x108;
	_ =	swait.ge @!p0 [sflag:s8], $0x0  }
0x24: {  	s3 =	sadd.s32 $0x88, s3;
	s6 =	simm.s32 @!p1 $0x1082;
	[sflag:s4] =	ssyncset.s32 $0xFFFFF086  }
0x25: {  	[simem:s6], [sflag:s4] =	dma.local [hbm:s3], $0xF7A  }
0x26: {  	[smem:$0x3F99] =	sst s1;
	(tag) =	ssettag s2;
	_ =	strace s9  }
0x27: {  	s1 =	sld [smem:$0x3FA9]  }
0x28: {  	s2 =	sld [smem:$0x3FAA]  }
0x29: {  	s4 =	sld [smem:$0x3FAC]  }
0x2a: {  	p0 =	seq.s32 s5, $0x0;
	s5 =	sld [smem:$0x3FAD]  }
0x2b: {  	s6 =	sld [smem:$0x3FAE]  }
0x2c: {  	s7 =	sld [smem:$0x3FAF]  }
0x2d: {  	s3 =	simm.s32 $0x108;
	s8 =	sld [smem:$0x3FB0]  }
0x2e: {  	s3 =	simm.s32 @!p0 $0x1082;
	s9 =	sld [smem:$0x3FB1]  }
0x2f: {  	lr =	sadd.s32 s0, s3;
	s0 =	sld [smem:$0x3FA8]  }
0x30: {  	s3 =	sld [smem:$0x3FAB]  }
0x31: {  	[smem:$0x3FB4] =	sst s10  }
0x32: {  	s10 =	sld [smem:$0x3FB2];
	_ =	sdelay $0x3  }
0x33: {  	p0 =	seq.s32 s10, $0x1;
	s10 =	sld [smem:$0x3FB4];
	_ =	sdelay $0x3  }
0x34: {  	[smem:$0x3FB4] =	sst s10  }
0x35: {  	s10 =	sld [smem:$0x3FB3];
	_ =	sdelay $0x3  }
0x36: {  	p1 =	seq.s32 s10, $0x1;
	s10 =	sld [smem:$0x3FB4];
	_ =	sdelay $0x3  }
0x37: {  	[smem:$0x3FB4] =	sst s10  }
0x38: {  	s10 =	sld [smem:$0x3FB5]  }
0x39: {  	_ = 	snop;
	(pc) =	sbr.ind lr, $3  }
0x3a: {  	_ = 	snop  }
0x3b: {  	_ = 	snop  }
0x3c: {  	p2 =	seq.s32 s10, $0x1;
	s10 =	sld [smem:$0x3FB4]  }
0x3d: {  	_ =	shalt  }
0x3e: {  	_ =	shalt  }
0x3f: {  	_ =	shalt  }
0x40: {  	_ =	shalt  }
0x41: {  	_ =	shalt  }
0x42: {  	_ =	shalt  }
0x43: {  	_ =	shalt  }
0x44: {  	_ =	shalt  }
0x45: {  	_ =	shalt  }
0x46: {  	_ =	shalt  }
0x47: {  	_ =	shalt  }
0x48: {  	_ =	shalt  }
0x49: {  	_ =	shalt  }
0x4a: {  	_ =	shalt  }
0x4b: {  	_ =	shalt  }
0x4c: {  	_ =	shalt  }
0x4d: {  	_ =	shalt  }
0x4e: {  	_ =	shalt  }
0x4f: {  	_ =	shalt  }
0x50: {  	_ =	shalt  }
0x51: {  	_ =	shalt  }
0x52: {  	_ =	shalt  }
0x53: {  	_ =	shalt  }
0x54: {  	_ =	shalt  }
0x55: {  	_ =	shalt  }
0x56: {  	_ =	shalt  }
0x57: {  	_ =	shalt  }
0x58: {  	_ =	shalt  }
0x59: {  	_ =	shalt  }
0x5a: {  	_ =	shalt  }
0x5b: {  	_ =	shalt  }
0x5c: {  	_ =	shalt  }
0x5d: {  	_ =	shalt  }
0x5e: {  	_ =	shalt  }
0x5f: {  	_ =	shalt  }
0x60: {  	_ =	shalt  }
0x61: {  	_ =	shalt  }
0x62: {  	_ =	shalt  }
0x63: {  	_ =	shalt  }
0x64: {  	_ =	shalt  }
0x65: {  	_ =	shalt  }
0x66: {  	_ =	shalt  }
0x67: {  	_ =	shalt  }
0x68: {  	_ =	shalt  }
0x69: {  	_ =	shalt  }
0x6a: {  	_ =	shalt  }
0x6b: {  	_ =	shalt  }
0x6c: {  	_ =	shalt  }
0x6d: {  	_ =	shalt  }
0x6e: {  	_ =	shalt  }
0x6f: {  	_ =	shalt  }
0x70: {  	_ =	shalt  }
0x71: {  	_ =	shalt  }
0x72: {  	_ =	shalt  }
0x73: {  	_ =	shalt  }
0x74: {  	_ =	shalt  }
0x75: {  	_ =	shalt  }
0x76: {  	_ =	shalt  }
0x77: {  	_ =	shalt  }
0x78: {  	_ =	shalt  }
0x79: {  	_ =	shalt  }
0x7a: {  	_ =	shalt  }
0x7b: {  	_ =	shalt  }
0x7c: {  	_ =	shalt  }
0x7d: {  	_ =	shalt  }
0x7e: {  	_ =	shalt  }
0x7f: {  	_ =	shalt  }
0x80: {  	_ =	shalt  }
0x81: {  	_ =	shalt  }
0x82: {  	_ =	shalt  }
0x83: {  	_ =	shalt  }
0x84: {  	_ =	shalt  }
0x85: {  	_ =	shalt  }
0x86: {  	_ =	shalt  }
0x87: {  	_ =	shalt  }
.Lfunc_end0:
.L_simem_size_0:
called_computation_lowered:
.L_overlay_start_0:
0x88: {  	s2 =	sld [smem:$0x3FD9]  }
0x89: {  	s3 =	sld [smem:$0x3FFE];
	_ =	sdelay $0x1  }
0x8a: {  	s1 =	srdreg.scid  }
0x8b: {  	s0 =	sand.u32 $0x1, s1  }
0x8c: {  	s17 =	sshll.u32 s0, $0xA;
	s2 =	sadd.s32 s3, s2  }
0x8d: {  	s2 =	sadd.s32 s2, s17  }
0x8e: {  	[smem:$0x3FC0] =	sst s2  }
0x8f: {  	_ = 	snop  }
0x90: {  	s2 =	sld [smem:$0x3FC9];
	(tm) =	ssettm $0x1  }
0x91: {  	s18 =	sld [smem:$0x3FFB];
	_ =	sdelay $0x3  }
0x92: {  	_ =	strace s18  }
0x93: {  	s3 =	sld [smem:$0x3FFC];
	_ =	sdelay $0x3  }
0x94: {  	_ =	strace s3  }
0x95: {  	s3 =	sld [smem:$0x3FFD];
	_ =	sdelay $0x3  }
0x96: {  	_ =	strace s3  }
0x97: {  	_ =	strace $0x8FFFFFFF  }
0x98: {  	s19 =	sld [smem:$0x3FDB];
	_ =	sdelay $0x1  }
0x99: {  	s4 =	simm.s32 $_scs_section_size  }
0x9a: {  	s5 =	simm.s32 $_size__tile_overlayer_lowered;
	s6 =	simm.s32 $_tile_overlayer_lowered  }
0x9b: {  	s22 =	simm.s32 $0x1BFF;
	s21 =	sshll.u32 s6, $0x1;
	s3 =	sadd.s32 s4, s19  }
0x9c: {  	s7 =	simm.s32 $0x0;
	s20 =	sshll.u32 s5, $0x1;
	s5 =	sadd.s32 s21, s3  }
0x9d: {  	[timem:s7], [sflag:s22] =	dma.local [hbm:s5], s20  }
0x9e: {  	_ =	swait.ge [sflag:s22], s20  }
0x9f: {  	s4 =	ssub.s32 $0x0, s20;
	[sflag:s22] =	ssyncset.done $0x0  }
0xa0: {  	[sflag:s22] =	ssyncadd.s32 s4;
	_ =	sdelay $0x1  }
0xa1: {  	s23 =	simm.s32 $0x1B8B  }
0xa2: {  	_ =	swait.ge [sflag:s23], $0x1  }
0xa3: {  	[sflag:s23] =	ssyncset.done $0x0  }
0xa4: {  	s25 =	simm.s32 $0x1B8E;
	s24 =	sld [smem:$0x3FFE];
	[sflag:s23] =	ssyncadd.s32 $0xFFFFFFFF  }
0xa5: {  	s26 =	simm.s32 $execute0_lowered;
	[smem:$0x3FD2] =	sst s25  }
0xa6: {  	s5 =	sshll.u32 s26, $0x1;
	_ =	strace $0x80000046;
	[dreg:$0x1] =	wrdreg $0xFFFFFFFF  }
0xa7: {  	s28 =	simm.s32 $_size_execute0_lowered;
	s3 =	sadd.s32 s3, s5;
	[dreg:$0x0] =	wrdreg $0x0  }
0xa8: {  	s5 =	sshll.u32 s28, $0x1;
	[dreg:$0x2] =	wrdreg s3  }
0xa9: {  	[dreg:$0x3] =	wrdreg s5  }
0xaa: {  	[dreg:$0x4] =	wrdreg $0xC0  }
0xab: {  	_ =	task [dreg:s7], $0x5FFFF  }
0xac: {  	[dreg:$0x1] =	wrdreg $0xFFFFFFFF  }
0xad: {  	[dreg:$0x0] =	wrdreg $0x60  }
0xae: {  	[dreg:$0x2] =	wrdreg s2  }
0xaf: {  	[dreg:$0x3] =	wrdreg s24  }
0xb0: {  	[dreg:$0x4] =	wrdreg $0x71000  }
0xb1: {  	[dreg:$0x5] =	wrdreg $0x9  }
0xb2: {  	_ =	task.clear_ibuf [dreg:s7], $0x6FFFF;
	_ =	strace $0x90000046  }
0xb3: {  	s29 =	simm.s32 $0x9;
	_ =	strace $0x80000048  }
0xb4: {  	_ =	swait.ge [sflag:s29], $0x1  }
0xb5: {  	[sflag:s29] =	ssyncadd.s32 $0xFFFFFFFF  }
0xb6: {  	_ =	strace $0x90000048  }
0xb7: {  	_ =	sfence  }
0xb8: {  	s30 =	sld [smem:$0x0];
	_ =	sdelay $0x2  }
0xb9: {  	s31 =	sshll.u32 s1, $0xD;
	s1 =	sshrl.u32 s1, $0x2  }
0xba: {  	s3 =	sand.u32 $0x4000, s31;
	s1 =	sadd.s32 s1, s30  }
0xbb: {  	s0 =	sor.u32 s3, s0;
	s1 =	sshll.u32 s1, $0x11  }
0xbc: {  	s0 =	sor.u32 s1, s0  }
0xbd: {  	s0 =	sadd.s32 $0x8F2B, s0  }
0xbe: {  	[sflag:s0] =	ssyncadd.remote.s32 $0x1  }
0xbf: {  	_ =	sfence.sel $0xFFFF  }
0xc0: {  	[dreg:$0x0] =	wrdreg $0xFFFFFFFF;
	(pc) =	sbr.abs _section_cstart, $3  }
0xc1: {  	[dreg:$0x1] =	wrdreg $0xFFFFFFFF  }
0xc2: {  	_ =	task.clear_ibuf [dreg:s7], $0x2FFFF;
	_ =	strace $0x9FFFFFFF  }
0xc3: {  	(tm) =	ssettm $0x7FFFFFFF  }
tec
execute0_lowered:
.L_overlay_start_1:
0x0: {  	(tag) =	ssettag $0x1  }
0x1: {  	s0 =	srdreg.scid  }
0x2: {  	s24 =	stileid.u32;
	s4 =	rddreg [dreg:$0x1]  }
0x3: {  	s1 =	simm.s32 $0x0;
	s0 =	sand.u32 $0x1, s0;
	s2 =	smul.u32 $0x4E20, s24  }
0x4: {  	[smem:$0x7FF] =	sst s1;
	s22 =	smul.u32 $0x14000, s24;
	s5 =	sadd.s32 $0x15C00, s4  }
0x5: {  	s7 =	sadd.s32 $0x65C00, s4;
	s3 =	smul.u32 $0x2710, s0;
	s21 =	ssub.s32 $0x2, s0  }
0x6: {  	s0 =	smul.u32 $0x140000, s0;
	s23 =	sshrl.u32 s21, $0x1;
	s8 =	sadd.s32 $0x4000, s22  }
0x7: {  	s9 =	sadd.s32 $0x6000, s22;
	s10 =	sadd.s32 $0x8000, s22;
	s11 =	sadd.s32 $0xA000, s22  }
0x8: {  	s12 =	sadd.s32 $0xC000, s22;
	s14 =	sadd.s32 $0xE000, s22;
	s15 =	sadd.s32 $0x10000, s22  }
0x9: {  	s2 =	sadd.s32 s3, s2;
	s13 =	sadd.s32 s22, s0;
	s3 =	sadd.s32 $0x12000, s22  }
0xa: {  	s17 =	sadd.s32 s0, s8;
	s18 =	sadd.s32 s0, s9;
	s19 =	sadd.s32 s0, s10  }
0xb: {  	s20 =	sadd.s32 s0, s11;
	s2 =	sshrl.u32 s2, $0x3;
	s13 =	sshrl.u32 s13, $0x3  }
0xc: {  	s17 =	sshrl.u32 s17, $0x3;
	s18 =	sshrl.u32 s18, $0x3;
	s19 =	sshrl.u32 s19, $0x3  }
0xd: {  	s20 =	sshrl.u32 s20, $0x3;
	s6 =	sadd.s32 s2, s4;
	s16 =	sadd.s32 s5, s13  }
0xe: {  	s4 =	ssub.s32 s21, s23;
	s26 =	sadd.s32 s5, s17;
	[dreg:$0x4] =	wrdreg s16  }
0xf: {  	s2 =	sor.u32 $0x2000, s22;
	s13 =	sadd.s32 s7, s13;
	[dreg:$0x6] =	wrdreg s26  }
0x10: {  	s21 =	sadd.s32 s0, s12;
	s26 =	sadd.s32 s5, s18;
	[dreg:$0xe] =	wrdreg s13  }
0x11: {  	s25 =	sadd.s32 s0, s2;
	s13 =	sadd.s32 s7, s18;
	[dreg:$0x7] =	wrdreg s26  }
0x12: {  	s21 =	sshrl.u32 s21, $0x3;
	s26 =	sadd.s32 s5, s19;
	[dreg:$0x11] =	wrdreg s13  }
0x13: {  	s16 =	sshrl.u32 s25, $0x3;
	s18 =	sadd.s32 s7, s21;
	[dreg:$0x8] =	wrdreg s26  }
0x14: {  	s22 =	sadd.s32 s0, s14;
	s25 =	sadd.s32 s5, s16;
	[dreg:$0x14] =	wrdreg s18  }
0x15: {  	s23 =	sadd.s32 s0, s15;
	s26 =	sadd.s32 s5, s20;
	[dreg:$0x5] =	wrdreg s25  }
0x16: {  	s22 =	sshrl.u32 s22, $0x3;
	s0 =	sadd.s32 s0, s3;
	[dreg:$0x9] =	wrdreg s26  }
0x17: {  	s25 =	sadd.s32 s7, s16;
	s16 =	sadd.s32 s7, s19;
	s19 =	rddreg [dreg:$0x0]  }
0x18: {  	s23 =	sshrl.u32 s23, $0x3;
	s26 =	sadd.s32 s5, s21;
	s21 =	rddreg [dreg:$0x2]  }
0x19: {  	s4 =	smax.u32 s4, $0x1;
	s0 =	sshrl.u32 s0, $0x3;
	[dreg:$0xa] =	wrdreg s26  }
0x1a: {  	s13 =	simm.s32 $0x2900;
	s26 =	sadd.s32 s5, s22;
	[dreg:$0xf] =	wrdreg s25  }
0x1b: {  	[dreg:$0x12] =	wrdreg s16;
	s25 =	sadd.s32 s7, s22;
	s28 =	sadd.s32 s8, s21  }
0x1c: {  	s29 =	sadd.s32 s9, s21;
	s30 =	sadd.s32 s10, s21;
	s31 =	sadd.s32 s11, s21  }
0x1d: {  	s18 =	sadd.s32 s12, s21;
	s3 =	sadd.s32 s3, s21;
	s8 =	simm.s32 $0x2  }
0x1e: {  	s9 =	simm.s32 $0x80;
	s10 =	simm.s32 $0x50;
	[dreg:$0xb] =	wrdreg s26  }
0x1f: {  	s11 =	simm.s32 $0x100;
	s26 =	sadd.s32 s5, s23;
	[dreg:$0x15] =	wrdreg s25  }
0x20: {  	s12 =	simm.s32 $0x1;
	s5 =	sadd.s32 s5, s0;
	[dreg:$0xc] =	wrdreg s26  }
0x21: {  	s23 =	sadd.s32 s7, s23;
	[dreg:$0xd] =	wrdreg s5;
	s26 =	sadd.s32 s7, s17  }
0x22: {  	s17 =	sadd.s32 s7, s20;
	s20 =	smul.u32 $0x50000, s24;
	s24 =	sadd.s32 s7, s0  }
0x23: {  	s0 =	sadd.s32 s14, s21;
	s5 =	sadd.s32 $0xBE00, s6;
	[dreg:$0x10] =	wrdreg s26  }
0x24: {  	s6 =	sadd.s32 $0x2000, s6;
	s7 =	simm.s32 $0x5100;
	[dreg:$0x13] =	wrdreg s17  }
0x25: {  	s14 =	simm.s32 $0x0;
	_ =	strace $0x80000047;
	s26 =	sshrl.u32 s20, $0x2  }
0x26: {  	v0 =	vimm.f32 $1.000000000e+00;
	v1 =	vimm.f32 $0.0e+00;
	s25 =	sadd.s32 s26, s21;
	s26 =	sadd.s32 s2, s21;
	s2 =	sadd.s32 s15, s21  }
.LBB2_1:
0x27: {  	s15 =	simm.s32 $0x0;
	s16 =	simm.s32 $0x200  }
.LBB2_2:
0x28: {  	p0 =	sne.s32 s16, $0x9E00;
	[tilespmem:s15+$0x2970] =	vst v0  }
0x29: {  	[tilespmem:s15+$0x2900] =	vst v0  }
0x2a: {  	[tilespmem:s15+$0x2910] =	vst v0  }
.Ltmp0:
0x2b: {  	[tilespmem:s15+$0x2920] =	vst v0;
	(pc) =	sbr.rel @p0 .LBB2_2-.Ltmp0, $4  }
0x2c: {  	[tilespmem:s15+$0x2930] =	vst v0  }
0x2d: {  	[tilespmem:s15+$0x2940] =	vst v0  }
0x2e: {  	[tilespmem:s15+$0x2950] =	vst v0  }
0x2f: {  	[tilespmem:s15+$0x2960] =	vst v0;
	s15 =	sshra.s32 s16, $0x2;
	s16 =	sadd.s32 $0x200, s16  }
0x30: {  	[tilespmem:s15+$0x2970] =	vst v0  }
0x31: {  	[tilespmem:s15+$0x2900] =	vst v0  }
0x32: {  	[tilespmem:s15+$0x2910] =	vst v0  }
0x33: {  	[tilespmem:s15+$0x2920] =	vst v0  }
0x34: {  	[tilespmem:s15+$0x2930] =	vst v0  }
0x35: {  	[tilespmem:s15+$0x2940] =	vst v0  }
0x36: {  	[tilespmem:s15+$0x2950] =	vst v0  }
0x37: {  	[tilespmem:s15+$0x2960] =	vst v0;
	s15 =	simm.s32 $0x0;
	s16 =	simm.s32 $0x200  }
.LBB2_4:
0x38: {  	p0 =	sne.s32 s16, $0x7E00;
	[tilespmem:s15+$0x5170] =	vst v1  }
0x39: {  	[tilespmem:s15+$0x5100] =	vst v1  }
0x3a: {  	[tilespmem:s15+$0x5110] =	vst v1  }
.Ltmp1:
0x3b: {  	[tilespmem:s15+$0x5120] =	vst v1;
	(pc) =	sbr.rel @p0 .LBB2_4-.Ltmp1, $4  }
0x3c: {  	[tilespmem:s15+$0x5130] =	vst v1  }
0x3d: {  	[tilespmem:s15+$0x5140] =	vst v1  }
0x3e: {  	[tilespmem:s15+$0x5150] =	vst v1  }
0x3f: {  	[tilespmem:s15+$0x5160] =	vst v1;
	s15 =	sshra.s32 s16, $0x2;
	s16 =	sadd.s32 $0x200, s16  }
0x40: {  	[tilespmem:s15+$0x5170] =	vst v1  }
0x41: {  	[tilespmem:s15+$0x5100] =	vst v1  }
0x42: {  	[tilespmem:s15+$0x5110] =	vst v1  }
0x43: {  	[tilespmem:s15+$0x5120] =	vst v1  }
0x44: {  	[tilespmem:s15+$0x5130] =	vst v1  }
0x45: {  	[tilespmem:s15+$0x5140] =	vst v1  }
0x46: {  	[tilespmem:s15+$0x5150] =	vst v1  }
0x47: {  	[tilespmem:s15+$0x5160] =	vst v1  }
0x48: {  	[spmem:s25] =	stream.linear.scatter [tilespmem:s7], [sflag:$0x2], $0x2000, $0x38;
	[tilespmem:$0x1B100] =	vst v63  }
0x49: {  	_ =	swait.ge [sflag:s8], $0x2000  }
0x4a: {  	[sflag:s8] =	ssyncset.done $0x0  }
0x4b: {  	[sflag:s8] =	ssyncadd.s32 $0xFFFFE000  }
0x4c: {  	[spmem:s26] =	stream.linear.scatter [tilespmem:s7], [sflag:$0x2], $0x2000, $0x38;
	[tilespmem:$0x1B100] =	vst v63  }
0x4d: {  	_ =	swait.ge [sflag:s8], $0x2000  }
0x4e: {  	[sflag:s8] =	ssyncset.done $0x0  }
0x4f: {  	[sflag:s8] =	ssyncadd.s32 $0xFFFFE000  }
0x50: {  	[spmem:s28] =	stream.linear.scatter [tilespmem:s7], [sflag:$0x2], $0x2000, $0x38;
	[tilespmem:$0x1B100] =	vst v63  }
0x51: {  	_ =	swait.ge [sflag:s8], $0x2000  }
0x52: {  	[sflag:s8] =	ssyncset.done $0x0  }
0x53: {  	[sflag:s8] =	ssyncadd.s32 $0xFFFFE000  }
0x54: {  	[spmem:s29] =	stream.linear.scatter [tilespmem:s7], [sflag:$0x2], $0x2000, $0x38;
	[tilespmem:$0x1B100] =	vst v63  }
0x55: {  	_ =	swait.ge [sflag:s8], $0x2000  }
0x56: {  	[sflag:s8] =	ssyncset.done $0x0  }
0x57: {  	[sflag:s8] =	ssyncadd.s32 $0xFFFFE000  }
0x58: {  	[spmem:s30] =	stream.linear.scatter [tilespmem:s7], [sflag:$0x2], $0x2000, $0x38;
	[tilespmem:$0x1B100] =	vst v63  }
0x59: {  	_ =	swait.ge [sflag:s8], $0x2000  }
0x5a: {  	[sflag:s8] =	ssyncset.done $0x0  }
0x5b: {  	[sflag:s8] =	ssyncadd.s32 $0xFFFFE000  }
0x5c: {  	[spmem:s31] =	stream.linear.scatter [tilespmem:s7], [sflag:$0x2], $0x2000, $0x38;
	[tilespmem:$0x1B100] =	vst v63  }
0x5d: {  	_ =	swait.ge [sflag:s8], $0x2000  }
0x5e: {  	[sflag:s8] =	ssyncset.done $0x0  }
0x5f: {  	[sflag:s8] =	ssyncadd.s32 $0xFFFFE000  }
0x60: {  	[spmem:s18] =	stream.linear.scatter [tilespmem:s7], [sflag:$0x2], $0x2000, $0x38;
	[tilespmem:$0x1B100] =	vst v63  }
0x61: {  	_ =	swait.ge [sflag:s8], $0x2000  }
0x62: {  	[sflag:s8] =	ssyncset.done $0x0  }
0x63: {  	[sflag:s8] =	ssyncadd.s32 $0xFFFFE000  }
0x64: {  	[spmem:s0] =	stream.linear.scatter [tilespmem:s7], [sflag:$0x2], $0x2000, $0x38;
	[tilespmem:$0x1B100] =	vst v63  }
0x65: {  	_ =	swait.ge [sflag:s8], $0x2000  }
0x66: {  	[sflag:s8] =	ssyncset.done $0x0  }
0x67: {  	[sflag:s8] =	ssyncadd.s32 $0xFFFFE000  }
0x68: {  	[spmem:s2] =	stream.linear.scatter [tilespmem:s7], [sflag:$0x2], $0x2000, $0x38;
	[tilespmem:$0x1B100] =	vst v63  }
0x69: {  	_ =	swait.ge [sflag:s8], $0x2000  }
0x6a: {  	[sflag:s8] =	ssyncset.done $0x0  }
0x6b: {  	[sflag:s8] =	ssyncadd.s32 $0xFFFFE000  }
0x6c: {  	[spmem:s3] =	stream.linear.scatter [tilespmem:s7], [sflag:$0x2], $0x2000, $0x38;
	[tilespmem:$0x1B100] =	vst v63  }
0x6d: {  	_ =	swait.ge [sflag:s8], $0x2000  }
0x6e: {  	[sflag:s8] =	ssyncset.done $0x0  }
0x6f: {  	[sflag:s8] =	ssyncadd.s32 $0xFFFFE000  }
0x70: {  	s20 =	sadd.s32 $0x0, s6;
	[bflag:$0x0] =	sbarrier.arrive $0xFFFF  }
0x71: {  	[tilespmem:s9], [sflag:$0x2] =	stream.linear.gather [hbm4b:s20+s1], $0x50, $0x38;
	[tilespmem:$0x1B100] =	vst v63  }
0x72: {  	_ =	swait.ge [sflag:s8], $0x50  }
0x73: {  	[sflag:s8] =	ssyncset.done $0x0  }
0x74: {  	s22 =	sadd.s32 $0x0, s5;
	[sflag:s8] =	ssyncadd.s32 $0xFFFFFFB0  }
0x75: {  	[tilespmem:s1], [sflag:$0x2] =	stream.linear.gather [hbm4b:s22+s1], $0x50, $0x38;
	[tilespmem:$0x1B100] =	vst v63  }
0x76: {  	_ =	swait.ge [sflag:s8], $0x50  }
0x77: {  	[sflag:s8] =	ssyncset.done $0x0  }
0x78: {  	[sflag:s8] =	ssyncadd.s32 $0xFFFFFFB0  }
0x79: {  	[tilespmem:s11], [sflag:$0x1] =	stream.indirect.gather [hbm4b:s19+s10], $0x80, s1, s10, $0xb8;
	[tilespmem:$0x1B100] =	vst v63  }
0x7a: {  	_ =	swait.ge [sflag:s12], $0x2800  }
0x7b: {  	[sflag:s12] =	ssyncset.done $0x0  }
0x7c: {  	[sflag:s12] =	ssyncadd.s32 $0xFFFFD800  }
0x7d: {  	[spmem:s21] =	stream.indirect.scatter.add.f32 [tilespmem:s11], [sflag:$0x2], $0x80, s9, s10, $0xb8;
	[tilespmem:$0x1B100] =	vst v63  }
0x7e: {  	_ =	swait.ge [sflag:s8], $0x2800  }
0x7f: {  	s15 =	simm.s32 $0xA;
	s16 =	simm.s32 $0x14;
	[sflag:s8] =	ssyncset.done $0x0  }
.LBB2_6:
0x80: {  	s17 =	sadd.s32 s15, s6  }
0x81: {  	[sflag:s8] =	ssyncadd.s32 $0xFFFFD800;
	s20 =	smov.u32 s16;
	s22 =	sadd.s32 $0xA, s16  }
0x82: {  	[tilespmem:s9], [sflag:$0x2] =	stream.linear.gather [hbm4b:s17+s1], $0x50, $0x38;
	[tilespmem:$0x1B100] =	vst v63  }
0x83: {  	p0 =	sne.s32 s16, $0x4D8;
	_ =	swait.ge [sflag:s8], $0x50  }
0x84: {  	[sflag:s8] =	ssyncset.done $0x0  }
0x85: {  	s16 =	sadd.s32 s15, s5;
	s15 =	smov.u32 s20;
	[sflag:s8] =	ssyncadd.s32 $0xFFFFFFB0  }
0x86: {  	[tilespmem:s1], [sflag:$0x2] =	stream.linear.gather [hbm4b:s16+s1], $0x50, $0x38;
	[tilespmem:$0x1B100] =	vst v63  }
0x87: {  	_ =	swait.ge [sflag:s8], $0x50  }
0x88: {  	[sflag:s8] =	ssyncset.done $0x0  }
0x89: {  	[sflag:s8] =	ssyncadd.s32 $0xFFFFFFB0  }
0x8a: {  	[tilespmem:s11], [sflag:$0x1] =	stream.indirect.gather [hbm4b:s19+s10], $0x80, s1, s10, $0xb8;
	[tilespmem:$0x1B100] =	vst v63  }
0x8b: {  	_ =	swait.ge [sflag:s12], $0x2800  }
.Ltmp2:
0x8c: {  	[sflag:s12] =	ssyncset.done $0x0;
	(pc) =	sbr.rel @p0 .LBB2_6-.Ltmp2, $4  }
0x8d: {  	[sflag:s12] =	ssyncadd.s32 $0xFFFFD800  }
0x8e: {  	[spmem:s21] =	stream.indirect.scatter.add.f32 [tilespmem:s11], [sflag:$0x2], $0x80, s9, s10, $0xb8;
	[tilespmem:$0x1B100] =	vst v63  }
0x8f: {  	_ =	swait.ge [sflag:s8], $0x2800  }
0x90: {  	s16 =	smov.u32 s22;
	[sflag:s8] =	ssyncset.done $0x0  }
0x91: {  	s16 =	sadd.s32 s15, s6;
	[sflag:s8] =	ssyncadd.s32 $0xFFFFD800  }
0x92: {  	[tilespmem:s9], [sflag:$0x2] =	stream.linear.gather [hbm4b:s16+s1], $0x50, $0x38;
	[tilespmem:$0x1B100] =	vst v63  }
0x93: {  	_ =	swait.ge [sflag:s8], $0x50  }
0x94: {  	[sflag:s8] =	ssyncset.done $0x0  }
0x95: {  	s20 =	sadd.s32 s15, s5;
	[sflag:s8] =	ssyncadd.s32 $0xFFFFFFB0  }
0x96: {  	[tilespmem:s1], [sflag:$0x2] =	stream.linear.gather [hbm4b:s20+s1], $0x50, $0x38;
	[tilespmem:$0x1B100] =	vst v63  }
0x97: {  	_ =	swait.ge [sflag:s8], $0x50  }
0x98: {  	[sflag:s8] =	ssyncset.done $0x0  }
0x99: {  	[sflag:s8] =	ssyncadd.s32 $0xFFFFFFB0  }
0x9a: {  	[tilespmem:s11], [sflag:$0x1] =	stream.indirect.gather [hbm4b:s19+s10], $0x80, s1, s10, $0xb8;
	[tilespmem:$0x1B100] =	vst v63  }
0x9b: {  	_ =	swait.ge [sflag:s12], $0x2800  }
0x9c: {  	[sflag:s12] =	ssyncset.done $0x0  }
0x9d: {  	[sflag:s12] =	ssyncadd.s32 $0xFFFFD800  }
0x9e: {  	[spmem:s21] =	stream.indirect.scatter.add.f32 [tilespmem:s11], [sflag:$0x2], $0x80, s9, s10, $0xb8;
	[tilespmem:$0x1B100] =	vst v63  }
0x9f: {  	_ =	swait.ge [sflag:s8], $0x2800  }
0xa0: {  	[sflag:s8] =	ssyncset.done $0x0  }
0xa1: {  	[sflag:s8] =	ssyncadd.s32 $0xFFFFD800  }
0xa2: {  	[bflag:$0x0] =	sbarrier.arrive $0xFFFF  }
0xa3: {  	[tilespmem:s7], [sflag:$0x2] =	stream.linear.gather [spmem:s25], $0x2000, $0x38;
	[tilespmem:$0x1B100] =	vst v63  }
0xa4: {  	_ =	swait.ge [sflag:s8], $0x2000  }
0xa5: {  	[sflag:s8] =	ssyncset.done $0x0  }
0xa6: {  	s15 =	simm.s32 $0x0;
	s22 =	rddreg [dreg:$0x4];
	[sflag:s8] =	ssyncadd.s32 $0xFFFFE000  }
0xa7: {  	[hbm4b:s22+s15] =	stream.linear.scatter [tilespmem:s7], [sflag:$0x2], $0x2000, $0x38;
	[tilespmem:$0x1B100] =	vst v63  }
0xa8: {  	_ =	swait.ge [sflag:s8], $0x2000  }
0xa9: {  	[sflag:s8] =	ssyncset.done $0x0  }
0xaa: {  	[sflag:s8] =	ssyncadd.s32 $0xFFFFE000  }
0xab: {  	[tilespmem:s7], [sflag:$0x2] =	stream.linear.gather [spmem:s26], $0x2000, $0x38;
	[tilespmem:$0x1B100] =	vst v63  }
0xac: {  	_ =	swait.ge [sflag:s8], $0x2000  }
0xad: {  	[sflag:s8] =	ssyncset.done $0x0  }
0xae: {  	s17 =	rddreg [dreg:$0x5];
	[sflag:s8] =	ssyncadd.s32 $0xFFFFE000  }
0xaf: {  	[hbm4b:s17+s15] =	stream.linear.scatter [tilespmem:s7], [sflag:$0x2], $0x2000, $0x38;
	[tilespmem:$0x1B100] =	vst v63  }
0xb0: {  	_ =	swait.ge [sflag:s8], $0x2000  }
0xb1: {  	[sflag:s8] =	ssyncset.done $0x0  }
0xb2: {  	[sflag:s8] =	ssyncadd.s32 $0xFFFFE000  }
0xb3: {  	[tilespmem:s7], [sflag:$0x2] =	stream.linear.gather [spmem:s28], $0x2000, $0x38;
	[tilespmem:$0x1B100] =	vst v63  }
0xb4: {  	_ =	swait.ge [sflag:s8], $0x2000  }
0xb5: {  	[sflag:s8] =	ssyncset.done $0x0  }
0xb6: {  	s20 =	rddreg [dreg:$0x6];
	[sflag:s8] =	ssyncadd.s32 $0xFFFFE000  }
0xb7: {  	[hbm4b:s20+s15] =	stream.linear.scatter [tilespmem:s7], [sflag:$0x2], $0x2000, $0x38;
	[tilespmem:$0x1B100] =	vst v63  }
0xb8: {  	_ =	swait.ge [sflag:s8], $0x2000  }
0xb9: {  	[sflag:s8] =	ssyncset.done $0x0  }
0xba: {  	[sflag:s8] =	ssyncadd.s32 $0xFFFFE000  }
0xbb: {  	[tilespmem:s7], [sflag:$0x2] =	stream.linear.gather [spmem:s29], $0x2000, $0x38;
	[tilespmem:$0x1B100] =	vst v63  }
0xbc: {  	_ =	swait.ge [sflag:s8], $0x2000  }
0xbd: {  	[sflag:s8] =	ssyncset.done $0x0  }
0xbe: {  	s22 =	rddreg [dreg:$0x7];
	[sflag:s8] =	ssyncadd.s32 $0xFFFFE000  }
0xbf: {  	[hbm4b:s22+s15] =	stream.linear.scatter [tilespmem:s7], [sflag:$0x2], $0x2000, $0x38;
	[tilespmem:$0x1B100] =	vst v63  }
0xc0: {  	_ =	swait.ge [sflag:s8], $0x2000  }
0xc1: {  	[sflag:s8] =	ssyncset.done $0x0  }
0xc2: {  	[sflag:s8] =	ssyncadd.s32 $0xFFFFE000  }
0xc3: {  	[tilespmem:s7], [sflag:$0x2] =	stream.linear.gather [spmem:s30], $0x2000, $0x38;
	[tilespmem:$0x1B100] =	vst v63  }
0xc4: {  	_ =	swait.ge [sflag:s8], $0x2000  }
0xc5: {  	[sflag:s8] =	ssyncset.done $0x0  }
0xc6: {  	s17 =	rddreg [dreg:$0x8];
	[sflag:s8] =	ssyncadd.s32 $0xFFFFE000  }
0xc7: {  	[hbm4b:s17+s15] =	stream.linear.scatter [tilespmem:s7], [sflag:$0x2], $0x2000, $0x38;
	[tilespmem:$0x1B100] =	vst v63  }
0xc8: {  	_ =	swait.ge [sflag:s8], $0x2000  }
0xc9: {  	[sflag:s8] =	ssyncset.done $0x0  }
0xca: {  	[sflag:s8] =	ssyncadd.s32 $0xFFFFE000  }
0xcb: {  	[tilespmem:s7], [sflag:$0x2] =	stream.linear.gather [spmem:s31], $0x2000, $0x38;
	[tilespmem:$0x1B100] =	vst v63  }
0xcc: {  	_ =	swait.ge [sflag:s8], $0x2000  }
0xcd: {  	[sflag:s8] =	ssyncset.done $0x0  }
0xce: {  	s20 =	rddreg [dreg:$0x9];
	[sflag:s8] =	ssyncadd.s32 $0xFFFFE000  }
0xcf: {  	[hbm4b:s20+s15] =	stream.linear.scatter [tilespmem:s7], [sflag:$0x2], $0x2000, $0x38;
	[tilespmem:$0x1B100] =	vst v63  }
0xd0: {  	_ =	swait.ge [sflag:s8], $0x2000  }
0xd1: {  	[sflag:s8] =	ssyncset.done $0x0  }
0xd2: {  	[sflag:s8] =	ssyncadd.s32 $0xFFFFE000  }
0xd3: {  	[tilespmem:s7], [sflag:$0x2] =	stream.linear.gather [spmem:s18], $0x2000, $0x38;
	[tilespmem:$0x1B100] =	vst v63  }
0xd4: {  	_ =	swait.ge [sflag:s8], $0x2000  }
0xd5: {  	[sflag:s8] =	ssyncset.done $0x0  }
0xd6: {  	s22 =	rddreg [dreg:$0xa];
	[sflag:s8] =	ssyncadd.s32 $0xFFFFE000  }
0xd7: {  	[hbm4b:s22+s15] =	stream.linear.scatter [tilespmem:s7], [sflag:$0x2], $0x2000, $0x38;
	[tilespmem:$0x1B100] =	vst v63  }
0xd8: {  	_ =	swait.ge [sflag:s8], $0x2000  }
0xd9: {  	[sflag:s8] =	ssyncset.done $0x0  }
0xda: {  	[sflag:s8] =	ssyncadd.s32 $0xFFFFE000  }
0xdb: {  	[tilespmem:s7], [sflag:$0x2] =	stream.linear.gather [spmem:s0], $0x2000, $0x38;
	[tilespmem:$0x1B100] =	vst v63  }
0xdc: {  	_ =	swait.ge [sflag:s8], $0x2000  }
0xdd: {  	[sflag:s8] =	ssyncset.done $0x0  }
0xde: {  	s17 =	rddreg [dreg:$0xb];
	[sflag:s8] =	ssyncadd.s32 $0xFFFFE000  }
0xdf: {  	[hbm4b:s17+s15] =	stream.linear.scatter [tilespmem:s7], [sflag:$0x2], $0x2000, $0x38;
	[tilespmem:$0x1B100] =	vst v63  }
0xe0: {  	_ =	swait.ge [sflag:s8], $0x2000  }
0xe1: {  	[sflag:s8] =	ssyncset.done $0x0  }
0xe2: {  	[sflag:s8] =	ssyncadd.s32 $0xFFFFE000  }
0xe3: {  	[tilespmem:s7], [sflag:$0x2] =	stream.linear.gather [spmem:s2], $0x2000, $0x38;
	[tilespmem:$0x1B100] =	vst v63  }
0xe4: {  	_ =	swait.ge [sflag:s8], $0x2000  }
0xe5: {  	[sflag:s8] =	ssyncset.done $0x0  }
0xe6: {  	s20 =	rddreg [dreg:$0xc];
	[sflag:s8] =	ssyncadd.s32 $0xFFFFE000  }
0xe7: {  	[hbm4b:s20+s15] =	stream.linear.scatter [tilespmem:s7], [sflag:$0x2], $0x2000, $0x38;
	[tilespmem:$0x1B100] =	vst v63  }
0xe8: {  	_ =	swait.ge [sflag:s8], $0x2000  }
0xe9: {  	[sflag:s8] =	ssyncset.done $0x0  }
0xea: {  	[sflag:s8] =	ssyncadd.s32 $0xFFFFE000  }
0xeb: {  	[tilespmem:s7], [sflag:$0x2] =	stream.linear.gather [spmem:s3], $0x2000, $0x38;
	[tilespmem:$0x1B100] =	vst v63  }
0xec: {  	_ =	swait.ge [sflag:s8], $0x2000  }
0xed: {  	[sflag:s8] =	ssyncset.done $0x0  }
0xee: {  	s22 =	rddreg [dreg:$0xd];
	[sflag:s8] =	ssyncadd.s32 $0xFFFFE000  }
0xef: {  	[hbm4b:s22+s15] =	stream.linear.scatter [tilespmem:s7], [sflag:$0x2], $0x2000, $0x38;
	[tilespmem:$0x1B100] =	vst v63  }
0xf0: {  	_ =	swait.ge [sflag:s8], $0x2000  }
0xf1: {  	[sflag:s8] =	ssyncset.done $0x0  }
0xf2: {  	[sflag:s8] =	ssyncadd.s32 $0xFFFFE000  }
0xf3: {  	s16 =	simm.s32 $0x200;
	s15 =	simm.s32 $0x0;
	[bflag:$0x0] =	sbarrier.arrive $0xFFFF  }
.LBB2_8:
0xf4: {  	p0 =	sne.s32 s16, $0x7E00;
	[tilespmem:s15+$0x5170] =	vst v1  }
0xf5: {  	[tilespmem:s15+$0x5100] =	vst v1  }
0xf6: {  	[tilespmem:s15+$0x5110] =	vst v1  }
.Ltmp3:
0xf7: {  	[tilespmem:s15+$0x5120] =	vst v1;
	(pc) =	sbr.rel @p0 .LBB2_8-.Ltmp3, $4  }
0xf8: {  	[tilespmem:s15+$0x5130] =	vst v1  }
0xf9: {  	[tilespmem:s15+$0x5140] =	vst v1  }
0xfa: {  	[tilespmem:s15+$0x5150] =	vst v1  }
0xfb: {  	[tilespmem:s15+$0x5160] =	vst v1;
	s15 =	sshra.s32 s16, $0x2;
	s16 =	sadd.s32 $0x200, s16  }
0xfc: {  	[tilespmem:s15+$0x5170] =	vst v1  }
0xfd: {  	[tilespmem:s15+$0x5100] =	vst v1  }
0xfe: {  	[tilespmem:s15+$0x5110] =	vst v1  }
0xff: {  	[tilespmem:s15+$0x5120] =	vst v1  }
0x100: {  	[tilespmem:s15+$0x5130] =	vst v1  }
0x101: {  	[tilespmem:s15+$0x5140] =	vst v1  }
0x102: {  	[tilespmem:s15+$0x5150] =	vst v1  }
0x103: {  	[tilespmem:s15+$0x5160] =	vst v1  }
0x104: {  	[spmem:s25] =	stream.linear.scatter [tilespmem:s7], [sflag:$0x2], $0x2000, $0x38;
	[tilespmem:$0x1B100] =	vst v63  }
0x105: {  	_ =	swait.ge [sflag:s8], $0x2000  }
0x106: {  	[sflag:s8] =	ssyncset.done $0x0  }
0x107: {  	[sflag:s8] =	ssyncadd.s32 $0xFFFFE000  }
0x108: {  	[spmem:s26] =	stream.linear.scatter [tilespmem:s7], [sflag:$0x2], $0x2000, $0x38;
	[tilespmem:$0x1B100] =	vst v63  }
0x109: {  	_ =	swait.ge [sflag:s8], $0x2000  }
0x10a: {  	[sflag:s8] =	ssyncset.done $0x0  }
0x10b: {  	[sflag:s8] =	ssyncadd.s32 $0xFFFFE000  }
0x10c: {  	[spmem:s28] =	stream.linear.scatter [tilespmem:s7], [sflag:$0x2], $0x2000, $0x38;
	[tilespmem:$0x1B100] =	vst v63  }
0x10d: {  	_ =	swait.ge [sflag:s8], $0x2000  }
0x10e: {  	[sflag:s8] =	ssyncset.done $0x0  }
0x10f: {  	[sflag:s8] =	ssyncadd.s32 $0xFFFFE000  }
0x110: {  	[spmem:s29] =	stream.linear.scatter [tilespmem:s7], [sflag:$0x2], $0x2000, $0x38;
	[tilespmem:$0x1B100] =	vst v63  }
0x111: {  	_ =	swait.ge [sflag:s8], $0x2000  }
0x112: {  	[sflag:s8] =	ssyncset.done $0x0  }
0x113: {  	[sflag:s8] =	ssyncadd.s32 $0xFFFFE000  }
0x114: {  	[spmem:s30] =	stream.linear.scatter [tilespmem:s7], [sflag:$0x2], $0x2000, $0x38;
	[tilespmem:$0x1B100] =	vst v63  }
0x115: {  	_ =	swait.ge [sflag:s8], $0x2000  }
0x116: {  	[sflag:s8] =	ssyncset.done $0x0  }
0x117: {  	[sflag:s8] =	ssyncadd.s32 $0xFFFFE000  }
0x118: {  	[spmem:s31] =	stream.linear.scatter [tilespmem:s7], [sflag:$0x2], $0x2000, $0x38;
	[tilespmem:$0x1B100] =	vst v63  }
0x119: {  	_ =	swait.ge [sflag:s8], $0x2000  }
0x11a: {  	[sflag:s8] =	ssyncset.done $0x0  }
0x11b: {  	[sflag:s8] =	ssyncadd.s32 $0xFFFFE000  }
0x11c: {  	[spmem:s18] =	stream.linear.scatter [tilespmem:s7], [sflag:$0x2], $0x2000, $0x38;
	[tilespmem:$0x1B100] =	vst v63  }
0x11d: {  	_ =	swait.ge [sflag:s8], $0x2000  }
0x11e: {  	[sflag:s8] =	ssyncset.done $0x0  }
0x11f: {  	[sflag:s8] =	ssyncadd.s32 $0xFFFFE000  }
0x120: {  	[spmem:s0] =	stream.linear.scatter [tilespmem:s7], [sflag:$0x2], $0x2000, $0x38;
	[tilespmem:$0x1B100] =	vst v63  }
0x121: {  	_ =	swait.ge [sflag:s8], $0x2000  }
0x122: {  	[sflag:s8] =	ssyncset.done $0x0  }
0x123: {  	[sflag:s8] =	ssyncadd.s32 $0xFFFFE000  }
0x124: {  	[spmem:s2] =	stream.linear.scatter [tilespmem:s7], [sflag:$0x2], $0x2000, $0x38;
	[tilespmem:$0x1B100] =	vst v63  }
0x125: {  	_ =	swait.ge [sflag:s8], $0x2000  }
0x126: {  	[sflag:s8] =	ssyncset.done $0x0  }
0x127: {  	[sflag:s8] =	ssyncadd.s32 $0xFFFFE000  }
0x128: {  	[spmem:s3] =	stream.linear.scatter [tilespmem:s7], [sflag:$0x2], $0x2000, $0x38;
	[tilespmem:$0x1B100] =	vst v63  }
0x129: {  	_ =	swait.ge [sflag:s8], $0x2000  }
0x12a: {  	[sflag:s8] =	ssyncset.done $0x0  }
0x12b: {  	[sflag:s8] =	ssyncadd.s32 $0xFFFFE000  }
0x12c: {  	s22 =	sadd.s32 $0x0, s6;
	[bflag:$0x0] =	sbarrier.arrive $0xFFFF  }
0x12d: {  	[tilespmem:s9], [sflag:$0x2] =	stream.linear.gather [hbm4b:s22+s1], $0x50, $0x38;
	[tilespmem:$0x1B100] =	vst v63  }
0x12e: {  	_ =	swait.ge [sflag:s8], $0x50  }
0x12f: {  	[sflag:s8] =	ssyncset.done $0x0  }
0x130: {  	[sflag:s8] =	ssyncadd.s32 $0xFFFFFFB0  }
0x131: {  	[spmem:s21] =	stream.indirect.scatter.add.f32 [tilespmem:s13], [sflag:$0x2], $0x80, s9, s10, $0xb8;
	[tilespmem:$0x1B100] =	vst v63  }
0x132: {  	_ =	swait.ge [sflag:s8], $0x2800  }
0x133: {  	s15 =	simm.s32 $0xA;
	s16 =	simm.s32 $0x14;
	[sflag:s8] =	ssyncset.done $0x0  }
.LBB2_10:
0x134: {  	s17 =	sadd.s32 s15, s6  }
0x135: {  	[sflag:s8] =	ssyncadd.s32 $0xFFFFD800;
	s15 =	smov.u32 s16;
	s20 =	sadd.s32 $0xA, s16  }
0x136: {  	[tilespmem:s9], [sflag:$0x2] =	stream.linear.gather [hbm4b:s17+s1], $0x50, $0x38;
	[tilespmem:$0x1B100] =	vst v63  }
0x137: {  	p0 =	sne.s32 s16, $0x4D8;
	_ =	swait.ge [sflag:s8], $0x50  }
.Ltmp4:
0x138: {  	[sflag:s8] =	ssyncset.done $0x0;
	(pc) =	sbr.rel @p0 .LBB2_10-.Ltmp4, $4  }
0x139: {  	[sflag:s8] =	ssyncadd.s32 $0xFFFFFFB0  }
0x13a: {  	[spmem:s21] =	stream.indirect.scatter.add.f32 [tilespmem:s13], [sflag:$0x2], $0x80, s9, s10, $0xb8;
	[tilespmem:$0x1B100] =	vst v63  }
0x13b: {  	_ =	swait.ge [sflag:s8], $0x2800  }
0x13c: {  	s16 =	smov.u32 s20;
	[sflag:s8] =	ssyncset.done $0x0  }
0x13d: {  	s15 =	sadd.s32 s15, s6;
	[sflag:s8] =	ssyncadd.s32 $0xFFFFD800  }
0x13e: {  	[tilespmem:s9], [sflag:$0x2] =	stream.linear.gather [hbm4b:s15+s1], $0x50, $0x38;
	[tilespmem:$0x1B100] =	vst v63  }
0x13f: {  	_ =	swait.ge [sflag:s8], $0x50  }
0x140: {  	[sflag:s8] =	ssyncset.done $0x0  }
0x141: {  	[sflag:s8] =	ssyncadd.s32 $0xFFFFFFB0  }
0x142: {  	[spmem:s21] =	stream.indirect.scatter.add.f32 [tilespmem:s13], [sflag:$0x2], $0x80, s9, s10, $0xb8;
	[tilespmem:$0x1B100] =	vst v63  }
0x143: {  	_ =	swait.ge [sflag:s8], $0x2800  }
0x144: {  	[sflag:s8] =	ssyncset.done $0x0  }
0x145: {  	[sflag:s8] =	ssyncadd.s32 $0xFFFFD800  }
0x146: {  	[bflag:$0x0] =	sbarrier.arrive $0xFFFF  }
0x147: {  	[tilespmem:s7], [sflag:$0x2] =	stream.linear.gather [spmem:s25], $0x2000, $0x38;
	[tilespmem:$0x1B100] =	vst v63  }
0x148: {  	_ =	swait.ge [sflag:s8], $0x2000  }
0x149: {  	[sflag:s8] =	ssyncset.done $0x0  }
0x14a: {  	s16 =	rddreg [dreg:$0xe];
	[sflag:s8] =	ssyncadd.s32 $0xFFFFE000  }
0x14b: {  	[hbm4b:s16+s1] =	stream.linear.scatter [tilespmem:s7], [sflag:$0x2], $0x2000, $0x38;
	[tilespmem:$0x1B100] =	vst v63  }
0x14c: {  	_ =	swait.ge [sflag:s8], $0x2000  }
0x14d: {  	[sflag:s8] =	ssyncset.done $0x0  }
0x14e: {  	[sflag:s8] =	ssyncadd.s32 $0xFFFFE000  }
0x14f: {  	[tilespmem:s7], [sflag:$0x2] =	stream.linear.gather [spmem:s26], $0x2000, $0x38;
	[tilespmem:$0x1B100] =	vst v63  }
0x150: {  	_ =	swait.ge [sflag:s8], $0x2000  }
0x151: {  	[sflag:s8] =	ssyncset.done $0x0  }
0x152: {  	s17 =	rddreg [dreg:$0xf];
	[sflag:s8] =	ssyncadd.s32 $0xFFFFE000  }
0x153: {  	[hbm4b:s17+s1] =	stream.linear.scatter [tilespmem:s7], [sflag:$0x2], $0x2000, $0x38;
	[tilespmem:$0x1B100] =	vst v63  }
0x154: {  	_ =	swait.ge [sflag:s8], $0x2000  }
0x155: {  	[sflag:s8] =	ssyncset.done $0x0  }
0x156: {  	[sflag:s8] =	ssyncadd.s32 $0xFFFFE000  }
0x157: {  	[tilespmem:s7], [sflag:$0x2] =	stream.linear.gather [spmem:s28], $0x2000, $0x38;
	[tilespmem:$0x1B100] =	vst v63  }
0x158: {  	_ =	swait.ge [sflag:s8], $0x2000  }
0x159: {  	[sflag:s8] =	ssyncset.done $0x0  }
0x15a: {  	s20 =	rddreg [dreg:$0x10];
	[sflag:s8] =	ssyncadd.s32 $0xFFFFE000  }
0x15b: {  	[hbm4b:s20+s1] =	stream.linear.scatter [tilespmem:s7], [sflag:$0x2], $0x2000, $0x38;
	[tilespmem:$0x1B100] =	vst v63  }
0x15c: {  	_ =	swait.ge [sflag:s8], $0x2000  }
0x15d: {  	[sflag:s8] =	ssyncset.done $0x0  }
0x15e: {  	[sflag:s8] =	ssyncadd.s32 $0xFFFFE000  }
0x15f: {  	[tilespmem:s7], [sflag:$0x2] =	stream.linear.gather [spmem:s29], $0x2000, $0x38;
	[tilespmem:$0x1B100] =	vst v63  }
0x160: {  	_ =	swait.ge [sflag:s8], $0x2000  }
0x161: {  	[sflag:s8] =	ssyncset.done $0x0  }
0x162: {  	s22 =	rddreg [dreg:$0x11];
	[sflag:s8] =	ssyncadd.s32 $0xFFFFE000  }
0x163: {  	[hbm4b:s22+s1] =	stream.linear.scatter [tilespmem:s7], [sflag:$0x2], $0x2000, $0x38;
	[tilespmem:$0x1B100] =	vst v63  }
0x164: {  	_ =	swait.ge [sflag:s8], $0x2000  }
0x165: {  	[sflag:s8] =	ssyncset.done $0x0  }
0x166: {  	[sflag:s8] =	ssyncadd.s32 $0xFFFFE000  }
0x167: {  	[tilespmem:s7], [sflag:$0x2] =	stream.linear.gather [spmem:s30], $0x2000, $0x38;
	[tilespmem:$0x1B100] =	vst v63  }
0x168: {  	_ =	swait.ge [sflag:s8], $0x2000  }
0x169: {  	[sflag:s8] =	ssyncset.done $0x0  }
0x16a: {  	s16 =	rddreg [dreg:$0x12];
	[sflag:s8] =	ssyncadd.s32 $0xFFFFE000  }
0x16b: {  	[hbm4b:s16+s1] =	stream.linear.scatter [tilespmem:s7], [sflag:$0x2], $0x2000, $0x38;
	[tilespmem:$0x1B100] =	vst v63  }
0x16c: {  	_ =	swait.ge [sflag:s8], $0x2000  }
0x16d: {  	[sflag:s8] =	ssyncset.done $0x0  }
0x16e: {  	[sflag:s8] =	ssyncadd.s32 $0xFFFFE000  }
0x16f: {  	[tilespmem:s7], [sflag:$0x2] =	stream.linear.gather [spmem:s31], $0x2000, $0x38;
	[tilespmem:$0x1B100] =	vst v63  }
0x170: {  	_ =	swait.ge [sflag:s8], $0x2000  }
0x171: {  	[sflag:s8] =	ssyncset.done $0x0  }
0x172: {  	s17 =	rddreg [dreg:$0x13];
	[sflag:s8] =	ssyncadd.s32 $0xFFFFE000  }
0x173: {  	[hbm4b:s17+s1] =	stream.linear.scatter [tilespmem:s7], [sflag:$0x2], $0x2000, $0x38;
	[tilespmem:$0x1B100] =	vst v63  }
0x174: {  	_ =	swait.ge [sflag:s8], $0x2000  }
0x175: {  	[sflag:s8] =	ssyncset.done $0x0  }
0x176: {  	[sflag:s8] =	ssyncadd.s32 $0xFFFFE000  }
0x177: {  	[tilespmem:s7], [sflag:$0x2] =	stream.linear.gather [spmem:s18], $0x2000, $0x38;
	[tilespmem:$0x1B100] =	vst v63  }
0x178: {  	_ =	swait.ge [sflag:s8], $0x2000  }
0x179: {  	[sflag:s8] =	ssyncset.done $0x0  }
0x17a: {  	s20 =	rddreg [dreg:$0x14];
	[sflag:s8] =	ssyncadd.s32 $0xFFFFE000  }
0x17b: {  	[hbm4b:s20+s1] =	stream.linear.scatter [tilespmem:s7], [sflag:$0x2], $0x2000, $0x38;
	[tilespmem:$0x1B100] =	vst v63  }
0x17c: {  	_ =	swait.ge [sflag:s8], $0x2000  }
0x17d: {  	[sflag:s8] =	ssyncset.done $0x0  }
0x17e: {  	[sflag:s8] =	ssyncadd.s32 $0xFFFFE000  }
0x17f: {  	[tilespmem:s7], [sflag:$0x2] =	stream.linear.gather [spmem:s0], $0x2000, $0x38;
	[tilespmem:$0x1B100] =	vst v63  }
0x180: {  	_ =	swait.ge [sflag:s8], $0x2000  }
0x181: {  	[sflag:s8] =	ssyncset.done $0x0  }
0x182: {  	s22 =	rddreg [dreg:$0x15];
	[sflag:s8] =	ssyncadd.s32 $0xFFFFE000  }
0x183: {  	[hbm4b:s22+s1] =	stream.linear.scatter [tilespmem:s7], [sflag:$0x2], $0x2000, $0x38;
	[tilespmem:$0x1B100] =	vst v63  }
0x184: {  	_ =	swait.ge [sflag:s8], $0x2000  }
0x185: {  	[sflag:s8] =	ssyncset.done $0x0  }
0x186: {  	[sflag:s8] =	ssyncadd.s32 $0xFFFFE000  }
0x187: {  	[tilespmem:s7], [sflag:$0x2] =	stream.linear.gather [spmem:s2], $0x2000, $0x38;
	[tilespmem:$0x1B100] =	vst v63  }
0x188: {  	_ =	swait.ge [sflag:s8], $0x2000  }
0x189: {  	[sflag:s8] =	ssyncset.done $0x0  }
0x18a: {  	[sflag:s8] =	ssyncadd.s32 $0xFFFFE000  }
0x18b: {  	[hbm4b:s23+s1] =	stream.linear.scatter [tilespmem:s7], [sflag:$0x2], $0x2000, $0x38;
	[tilespmem:$0x1B100] =	vst v63  }
0x18c: {  	_ =	swait.ge [sflag:s8], $0x2000  }
0x18d: {  	[sflag:s8] =	ssyncset.done $0x0  }
0x18e: {  	[sflag:s8] =	ssyncadd.s32 $0xFFFFE000  }
0x18f: {  	[tilespmem:s7], [sflag:$0x2] =	stream.linear.gather [spmem:s3], $0x2000, $0x38;
	[tilespmem:$0x1B100] =	vst v63  }
0x190: {  	_ =	swait.ge [sflag:s8], $0x2000  }
0x191: {  	s14 =	sadd.s32 $0x1, s14;
	[sflag:s8] =	ssyncset.done $0x0  }
0x192: {  	p0 =	sne.s32 s14, s4;
	[sflag:s8] =	ssyncadd.s32 $0xFFFFE000  }
0x193: {  	[hbm4b:s24+s1] =	stream.linear.scatter [tilespmem:s7], [sflag:$0x2], $0x2000, $0x38;
	[tilespmem:$0x1B100] =	vst v63  }
.Ltmp5:
0x194: {  	_ =	swait.ge [sflag:s8], $0x2000;
	(pc) =	sbr.rel @p0 .LBB2_1-.Ltmp5, $3  }
0x195: {  	[sflag:s8] =	ssyncset.done $0x0  }
0x196: {  	[sflag:s8] =	ssyncadd.s32 $0xFFFFE000  }
0x197: {  	[bflag:$0x0] =	sbarrier.arrive $0xFFFF;
	_ =	sdelay $0x1  }
0x198: {  	_ =	sfence.sel $0x180000  }
0x199: {  	[bflag:$0x0] =	sbarrier.arrive $0xFFFF  }
0x19a: {  	_ =	strace $0x90000047  }
0x19b: {  	s0 =	stileid.u32;
	[bflag:$0x2] =	sbarrier.arrive $0xFFFF  }
0x19c: {  	p0 =	sne.s32 s0, $0x0;
	s0 =	rddreg [dreg:$0x3]  }
0x19d: {  	s0 =	sadd.s32 @!p0 $0x100000, s0  }
0x19e: {  	[sflag:s0] =	ssyncadd.tile.s32 @!p0 $0x1;
	_ =	shalt  }
.Lfunc_end2:
_tile_overlayer_lowered:
.L_overlay_start_2:
0x19f: {  	(tag) =	ssettag $0x2  }
0x1a0: {  	s0 =	rddreg [dreg:$0x0];
	s2 =	stileid.u32  }
0x1a1: {  	s1 =	rddreg [dreg:$0x1];
	p0 =	sne.s32 s2, $0x0  }
0x1a2: {  	s3 =	rddreg [dreg:$0x2];
	[bflag:$0x3] =	sbarrier.arrive $0xFFFF;
	s2 =	simm.s32 @!p0 $0x1C02  }
0x1a3: {  	[timem:s3], [sflag:s2] =	dma.local @!p0 [hbm:s0], s1  }
0x1a4: {  	s0 =	simm.s32 @!p0 $0x2  }
0x1a5: {  	_ =	swait.ge @!p0 [sflag:s0], s1  }
0x1a6: {  	s1 =	ssub.s32 @!p0 $0x0, s1;
	[sflag:s0] =	ssyncset.done @!p0 $0x0  }
0x1a7: {  	[sflag:s0] =	ssyncadd.s32 @!p0 s1  }
0x1a8: {  	[bflag:$0x3] =	sbarrier.arrive $0xFFFF  }
0x1a9: {  	_ =	shalt  }

// kernel: kernel.9.cloned.1.call-start
scs
__scs_entry_jumppad:
0x0: {  	(pc) =	sbr.rel $0x88, $3  }
0x1: {  	(tag) =	ssettag $0x0;
	lr =	simm.s32 $0x1  }
0x2: {  	[smem:$0x3F99] =	sst lr;
	_ =	strace $0xD0000000  }
0x3: {  	_ = 	snop  }
0x4: {  	_ = 	snop  }
0x5: {  	_ = 	snop  }
0x6: {  	_ = 	snop  }
0x7: {  	_ = 	snop  }
__scs_overlays_trampoline_lowered:
0x8: {  	[smem:$0x3FA8] =	sst s0  }
0x9: {  	[smem:$0x3FA9] =	sst s1  }
0xa: {  	[smem:$0x3FAA] =	sst s2  }
0xb: {  	[smem:$0x3FAB] =	sst s3  }
0xc: {  	[smem:$0x3FAC] =	sst s4  }
0xd: {  	[smem:$0x3FAD] =	sst s5  }
0xe: {  	[smem:$0x3FAE] =	sst s6  }
0xf: {  	[smem:$0x3FAF] =	sst s7  }
0x10: {  	[smem:$0x3FB0] =	sst s8  }
0x11: {  	[smem:$0x3FB1] =	sst s9;
	s0 =	simm.s32 @!p0 $0x0  }
0x12: {  	s1 =	sld [smem:$0x3F97];
	s0 =	simm.s32 @p0 $0x1  }
0x13: {  	[smem:$0x3FB2] =	sst s0;
	s0 =	simm.s32 @!p1 $0x0  }
0x14: {  	s2 =	sld [smem:$0x3F96];
	s0 =	simm.s32 @p1 $0x1  }
0x15: {  	[smem:$0x3FB3] =	sst s0;
	s0 =	simm.s32 @!p2 $0x0  }
0x16: {  	s3 =	sld [smem:$0x3FDB];
	s0 =	simm.s32 @p2 $0x1  }
0x17: {  	s4 =	simm.s32 $0x1BF5;
	[smem:$0x3FB5] =	sst s0  }
0x18: {  	s0 =	sld [smem:$0x3F98];
	_ =	swait.ge [sflag:s4], $0x0  }
0x19: {  	s7 =	sld [smem:$0x3F99]  }
0x1a: {  	s8 =	sadd.s32 $0xFFFFE003, lr  }
0x1b: {  	s9 =	sadd.s32 $0xFFFFFEF7, lr;
	s5 =	simm.s32 $0xFFFFFFFF;
	p2 =	slt.u32 s8, $0xFFFFF086  }
0x1c: {  	p1 =	slt.u32 s9, $0xF7A;
	s5 =	simm.s32 @!p2 $0x0  }
0x1d: {  	s5 =	simm.s32 @p1 $0x1;
	p0 =	seq.s32 s7, s2  }
0x1e: {  	s7 =	smul.u32 @!p0 $0xF7A, s2;
	p2 =	seq.s32 @!p0 s5, $0x0  }
0x1f: {  	s9 =	smul.u32 $0xF7A, s1;
	s8 =	simm.s32 @!p0 $0x1BF5;
	p2 =	por !p2, p0  }
0x20: {  	[sflag:s8] =	ssyncset.s32 @!p0 $0xFFFFF086;
	s6 =	sadd.s32 @!p0 s3, s7;
	s7 =	simm.s32 @!p0 $0x108  }
0x21: {  	s3 =	sadd.s32 s3, s9;
	s6 =	sadd.s32 @!p0 $0x88, s6;
	s7 =	simm.s32 @p2 $0x1082  }
0x22: {  	[simem:s7], [sflag:s8] =	dma.local @!p0 [hbm:s6], $0xF7A  }
0x23: {  	s9 =	sor.u32 $0xD0000000, s2;
	s6 =	simm.s32 $0x108;
	_ =	swait.ge @!p0 [sflag:s8], $0x0  }
0x24: {  	s3 =	sadd.s32 $0x88, s3;
	s6 =	simm.s32 @!p1 $0x1082;
	[sflag:s4] =	ssyncset.s32 $0xFFFFF086  }
0x25: {  	[simem:s6], [sflag:s4] =	dma.local [hbm:s3], $0xF7A  }
0x26: {  	[smem:$0x3F99] =	sst s1;
	(tag) =	ssettag s2;
	_ =	strace s9  }
0x27: {  	s1 =	sld [smem:$0x3FA9]  }
0x28: {  	s2 =	sld [smem:$0x3FAA]  }
0x29: {  	s4 =	sld [smem:$0x3FAC]  }
0x2a: {  	p0 =	seq.s32 s5, $0x0;
	s5 =	sld [smem:$0x3FAD]  }
0x2b: {  	s6 =	sld [smem:$0x3FAE]  }
0x2c: {  	s7 =	sld [smem:$0x3FAF]  }
0x2d: {  	s3 =	simm.s32 $0x108;
	s8 =	sld [smem:$0x3FB0]  }
0x2e: {  	s3 =	simm.s32 @!p0 $0x1082;
	s9 =	sld [smem:$0x3FB1]  }
0x2f: {  	lr =	sadd.s32 s0, s3;
	s0 =	sld [smem:$0x3FA8]  }
0x30: {  	s3 =	sld [smem:$0x3FAB]  }
0x31: {  	[smem:$0x3FB4] =	sst s10  }
0x32: {  	s10 =	sld [smem:$0x3FB2];
	_ =	sdelay $0x3  }
0x33: {  	p0 =	seq.s32 s10, $0x1;
	s10 =	sld [smem:$0x3FB4];
	_ =	sdelay $0x3  }
0x34: {  	[smem:$0x3FB4] =	sst s10  }
0x35: {  	s10 =	sld [smem:$0x3FB3];
	_ =	sdelay $0x3  }
0x36: {  	p1 =	seq.s32 s10, $0x1;
	s10 =	sld [smem:$0x3FB4];
	_ =	sdelay $0x3  }
0x37: {  	[smem:$0x3FB4] =	sst s10  }
0x38: {  	s10 =	sld [smem:$0x3FB5]  }
0x39: {  	_ = 	snop;
	(pc) =	sbr.ind lr, $3  }
0x3a: {  	_ = 	snop  }
0x3b: {  	_ = 	snop  }
0x3c: {  	p2 =	seq.s32 s10, $0x1;
	s10 =	sld [smem:$0x3FB4]  }
0x3d: {  	_ =	shalt  }
0x3e: {  	_ =	shalt  }
0x3f: {  	_ =	shalt  }
0x40: {  	_ =	shalt  }
0x41: {  	_ =	shalt  }
0x42: {  	_ =	shalt  }
0x43: {  	_ =	shalt  }
0x44: {  	_ =	shalt  }
0x45: {  	_ =	shalt  }
0x46: {  	_ =	shalt  }
0x47: {  	_ =	shalt  }
0x48: {  	_ =	shalt  }
0x49: {  	_ =	shalt  }
0x4a: {  	_ =	shalt  }
0x4b: {  	_ =	shalt  }
0x4c: {  	_ =	shalt  }
0x4d: {  	_ =	shalt  }
0x4e: {  	_ =	shalt  }
0x4f: {  	_ =	shalt  }
0x50: {  	_ =	shalt  }
0x51: {  	_ =	shalt  }
0x52: {  	_ =	shalt  }
0x53: {  	_ =	shalt  }
0x54: {  	_ =	shalt  }
0x55: {  	_ =	shalt  }
0x56: {  	_ =	shalt  }
0x57: {  	_ =	shalt  }
0x58: {  	_ =	shalt  }
0x59: {  	_ =	shalt  }
0x5a: {  	_ =	shalt  }
0x5b: {  	_ =	shalt  }
0x5c: {  	_ =	shalt  }
0x5d: {  	_ =	shalt  }
0x5e: {  	_ =	shalt  }
0x5f: {  	_ =	shalt  }
0x60: {  	_ =	shalt  }
0x61: {  	_ =	shalt  }
0x62: {  	_ =	shalt  }
0x63: {  	_ =	shalt  }
0x64: {  	_ =	shalt  }
0x65: {  	_ =	shalt  }
0x66: {  	_ =	shalt  }
0x67: {  	_ =	shalt  }
0x68: {  	_ =	shalt  }
0x69: {  	_ =	shalt  }
0x6a: {  	_ =	shalt  }
0x6b: {  	_ =	shalt  }
0x6c: {  	_ =	shalt  }
0x6d: {  	_ =	shalt  }
0x6e: {  	_ =	shalt  }
0x6f: {  	_ =	shalt  }
0x70: {  	_ =	shalt  }
0x71: {  	_ =	shalt  }
0x72: {  	_ =	shalt  }
0x73: {  	_ =	shalt  }
0x74: {  	_ =	shalt  }
0x75: {  	_ =	shalt  }
0x76: {  	_ =	shalt  }
0x77: {  	_ =	shalt  }
0x78: {  	_ =	shalt  }
0x79: {  	_ =	shalt  }
0x7a: {  	_ =	shalt  }
0x7b: {  	_ =	shalt  }
0x7c: {  	_ =	shalt  }
0x7d: {  	_ =	shalt  }
0x7e: {  	_ =	shalt  }
0x7f: {  	_ =	shalt  }
0x80: {  	_ =	shalt  }
0x81: {  	_ =	shalt  }
0x82: {  	_ =	shalt  }
0x83: {  	_ =	shalt  }
0x84: {  	_ =	shalt  }
0x85: {  	_ =	shalt  }
0x86: {  	_ =	shalt  }
0x87: {  	_ =	shalt  }
.Lfunc_end0:
.L_simem_size_0:
called_computation.1_lowered:
.L_overlay_start_0:
0x88: {  	s2 =	sld [smem:$0x3FD9]  }
0x89: {  	s3 =	sld [smem:$0x3FFE];
	_ =	sdelay $0x1  }
0x8a: {  	s1 =	srdreg.scid  }
0x8b: {  	s0 =	sand.u32 $0x1, s1  }
0x8c: {  	s17 =	sshll.u32 s0, $0xA;
	s2 =	sadd.s32 s3, s2  }
0x8d: {  	s2 =	sadd.s32 s2, s17  }
0x8e: {  	[smem:$0x3FC0] =	sst s2  }
0x8f: {  	_ = 	snop  }
0x90: {  	s2 =	sld [smem:$0x3FD0];
	(tm) =	ssettm $0x1  }
0x91: {  	s18 =	sld [smem:$0x3FFB];
	_ =	sdelay $0x3  }
0x92: {  	_ =	strace s18  }
0x93: {  	s3 =	sld [smem:$0x3FFC];
	_ =	sdelay $0x3  }
0x94: {  	_ =	strace s3  }
0x95: {  	s3 =	sld [smem:$0x3FFD];
	_ =	sdelay $0x3  }
0x96: {  	_ =	strace s3  }
0x97: {  	_ =	strace $0x8FFFFFFF  }
0x98: {  	s19 =	sld [smem:$0x3FDB];
	_ =	sdelay $0x1  }
0x99: {  	s4 =	simm.s32 $_scs_section_size  }
0x9a: {  	s5 =	simm.s32 $_size__tile_overlayer_lowered;
	s6 =	simm.s32 $_tile_overlayer_lowered  }
0x9b: {  	s22 =	simm.s32 $0x1BFF;
	s21 =	sshll.u32 s6, $0x1;
	s3 =	sadd.s32 s4, s19  }
0x9c: {  	s7 =	simm.s32 $0x0;
	s20 =	sshll.u32 s5, $0x1;
	s5 =	sadd.s32 s21, s3  }
0x9d: {  	[timem:s7], [sflag:s22] =	dma.local [hbm:s5], s20  }
0x9e: {  	_ =	swait.ge [sflag:s22], s20  }
0x9f: {  	s4 =	ssub.s32 $0x0, s20;
	[sflag:s22] =	ssyncset.done $0x0  }
0xa0: {  	[sflag:s22] =	ssyncadd.s32 s4;
	_ =	sdelay $0x1  }
0xa1: {  	s23 =	simm.s32 $0x1B8B  }
0xa2: {  	_ =	swait.ge [sflag:s23], $0x1  }
0xa3: {  	[sflag:s23] =	ssyncset.done $0x0  }
0xa4: {  	s25 =	simm.s32 $0x1B8E;
	s24 =	sld [smem:$0x3FFE];
	[sflag:s23] =	ssyncadd.s32 $0xFFFFFFFF  }
0xa5: {  	s26 =	simm.s32 $execute0_lowered;
	[smem:$0x3FD2] =	sst s25  }
0xa6: {  	s5 =	sshll.u32 s26, $0x1;
	_ =	strace $0x80000049;
	[dreg:$0x1] =	wrdreg $0xFFFFFFFF  }
0xa7: {  	s28 =	simm.s32 $_size_execute0_lowered;
	s3 =	sadd.s32 s3, s5;
	[dreg:$0x0] =	wrdreg $0x0  }
0xa8: {  	s5 =	sshll.u32 s28, $0x1;
	[dreg:$0x2] =	wrdreg s3  }
0xa9: {  	[dreg:$0x3] =	wrdreg s5  }
0xaa: {  	[dreg:$0x4] =	wrdreg $0xC0  }
0xab: {  	_ =	task [dreg:s7], $0x5FFFF  }
0xac: {  	[dreg:$0x1] =	wrdreg $0xFFFFFFFF  }
0xad: {  	[dreg:$0x0] =	wrdreg $0x60  }
0xae: {  	[dreg:$0x2] =	wrdreg s2  }
0xaf: {  	[dreg:$0x3] =	wrdreg s24  }
0xb0: {  	[dreg:$0x4] =	wrdreg $0x49000  }
0xb1: {  	[dreg:$0x5] =	wrdreg $0x9  }
0xb2: {  	_ =	task.clear_ibuf [dreg:s7], $0x6FFFF;
	_ =	strace $0x90000049  }
0xb3: {  	s29 =	simm.s32 $0x9;
	_ =	strace $0x8000004B  }
0xb4: {  	_ =	swait.ge [sflag:s29], $0x1  }
0xb5: {  	[sflag:s29] =	ssyncadd.s32 $0xFFFFFFFF  }
0xb6: {  	_ =	strace $0x9000004B  }
0xb7: {  	_ =	sfence  }
0xb8: {  	s30 =	sld [smem:$0x0];
	_ =	sdelay $0x2  }
0xb9: {  	s31 =	sshll.u32 s1, $0xD;
	s1 =	sshrl.u32 s1, $0x2  }
0xba: {  	s3 =	sand.u32 $0x4000, s31;
	s1 =	sadd.s32 s1, s30  }
0xbb: {  	s0 =	sor.u32 s3, s0;
	s1 =	sshll.u32 s1, $0x11  }
0xbc: {  	s0 =	sor.u32 s1, s0  }
0xbd: {  	s0 =	sadd.s32 $0x8F2B, s0  }
0xbe: {  	[sflag:s0] =	ssyncadd.remote.s32 $0x1  }
0xbf: {  	_ =	sfence.sel $0xFFFF  }
0xc0: {  	[dreg:$0x0] =	wrdreg $0xFFFFFFFF;
	(pc) =	sbr.abs _section_cstart, $3  }
0xc1: {  	[dreg:$0x1] =	wrdreg $0xFFFFFFFF  }
0xc2: {  	_ =	task.clear_ibuf [dreg:s7], $0x2FFFF;
	_ =	strace $0x9FFFFFFF  }
0xc3: {  	(tm) =	ssettm $0x7FFFFFFF  }
tec
execute0_lowered:
.L_overlay_start_1:
0x0: {  	(tag) =	ssettag $0x1  }
0x1: {  	s0 =	srdreg.scid;
	s8 =	stileid.u32  }
0x2: {  	s1 =	rddreg [dreg:$0x0];
	s3 =	smul.u32 $0x4E20, s8  }
0x3: {  	s5 =	rddreg [dreg:$0x1];
	s2 =	simm.s32 $0x0;
	s6 =	smul.u32 $0x14000, s8  }
0x4: {  	s29 =	simm.s32 $0x2900;
	s0 =	sand.u32 $0x1, s0;
	s11 =	smul.u32 $0x50000, s8  }
0x5: {  	s30 =	simm.s32 $0x2;
	s31 =	simm.s32 $0x80;
	s4 =	smul.u32 $0x2710, s0  }
0x6: {  	[smem:$0x7FF] =	sst s2;
	s14 =	ssub.s32 $0x2, s0;
	s0 =	smul.u32 $0x140000, s0  }
0x7: {  	s7 =	sshrl.u32 s14, $0x1;
	s16 =	sor.u32 $0x2000, s6;
	s17 =	sadd.s32 $0x4000, s6  }
0x8: {  	s18 =	sadd.s32 $0x6000, s6;
	s19 =	sadd.s32 $0x8000, s6;
	s20 =	sadd.s32 $0xA000, s6  }
0x9: {  	s21 =	sadd.s32 $0xC000, s6;
	s22 =	sadd.s32 $0xE000, s6;
	s23 =	sadd.s32 $0x10000, s6  }
0xa: {  	s3 =	sadd.s32 s4, s3;
	s4 =	ssub.s32 s14, s7;
	s15 =	sadd.s32 s6, s0  }
0xb: {  	s6 =	sadd.s32 $0x12000, s6;
	s24 =	sadd.s32 s0, s16;
	s26 =	sadd.s32 s0, s17  }
0xc: {  	s10 =	sadd.s32 s0, s18;
	s13 =	sadd.s32 s0, s19;
	s3 =	sshrl.u32 s3, $0x3  }
0xd: {  	s7 =	sshrl.u32 s15, $0x3;
	s25 =	sshrl.u32 s24, $0x3;
	s9 =	sshrl.u32 s26, $0x3  }
0xe: {  	s12 =	sshrl.u32 s10, $0x3;
	s14 =	sshrl.u32 s13, $0x3;
	s15 =	sadd.s32 s0, s20  }
0xf: {  	s10 =	sadd.s32 s0, s22;
	s13 =	rddreg [dreg:$0x2];
	s26 =	sshrl.u32 s11, $0x2  }
0x10: {  	s11 =	simm.s32 $0x50;
	s3 =	sadd.s32 s3, s5;
	s5 =	sadd.s32 $0x15C00, s5  }
0x11: {  	s8 =	sshrl.u32 s15, $0x3;
	s10 =	sshrl.u32 s10, $0x3;
	s15 =	sadd.s32 s26, s13  }
0x12: {  	s16 =	sadd.s32 s16, s13;
	s17 =	sadd.s32 s17, s13;
	s18 =	sadd.s32 s18, s13  }
0x13: {  	s19 =	sadd.s32 s19, s13;
	s20 =	sadd.s32 s20, s13;
	s22 =	sadd.s32 s22, s13  }
0x14: {  	s7 =	sadd.s32 s5, s7;
	s24 =	sadd.s32 s5, s8;
	s10 =	sadd.s32 s5, s10  }
0x15: {  	s26 =	sadd.s32 $0xBE00, s3;
	s28 =	sadd.s32 $0x2000, s3;
	[dreg:$0x4] =	wrdreg s7  }
0x16: {  	s3 =	simm.s32 $0x1;
	s7 =	sadd.s32 s5, s25;
	[dreg:$0x9] =	wrdreg s24  }
0x17: {  	s24 =	sadd.s32 s6, s13;
	[dreg:$0x5] =	wrdreg s7;
	s7 =	sadd.s32 s5, s9  }
0x18: {  	s9 =	sadd.s32 s0, s21;
	s21 =	sadd.s32 s21, s13;
	[dreg:$0x6] =	wrdreg s7  }
0x19: {  	s7 =	sadd.s32 s5, s12;
	s9 =	sshrl.u32 s9, $0x3;
	s12 =	sadd.s32 s0, s23  }
0x1a: {  	s0 =	sadd.s32 s0, s6;
	[dreg:$0x7] =	wrdreg s7;
	s7 =	sadd.s32 s5, s14  }
0x1b: {  	s23 =	sadd.s32 s23, s13;
	s25 =	sadd.s32 s5, s9;
	[dreg:$0x8] =	wrdreg s7  }
0x1c: {  	s12 =	sshrl.u32 s12, $0x3;
	s0 =	sshrl.u32 s0, $0x3;
	[dreg:$0xa] =	wrdreg s25  }
0x1d: {  	s12 =	sadd.s32 s5, s12;
	s14 =	sadd.s32 s5, s0;
	s25 =	smax.u32 s4, $0x1  }
0x1e: {  	v0 =	vimm.f32 $0.0e+00;
	s0 =	simm.s32 $0x100;
	s4 =	simm.s32 $0x0;
	_ =	strace $0x8000004A  }
.LBB2_1:
0x1f: {  	s5 =	simm.s32 $0x0;
	s6 =	simm.s32 $0x200  }
.LBB2_2:
0x20: {  	p0 =	sne.s32 s6, $0x7E00;
	[tilespmem:s5+$0x2970] =	vst v0  }
0x21: {  	[tilespmem:s5+$0x2900] =	vst v0  }
0x22: {  	[tilespmem:s5+$0x2910] =	vst v0  }
.Ltmp0:
0x23: {  	[tilespmem:s5+$0x2920] =	vst v0;
	(pc) =	sbr.rel @p0 .LBB2_2-.Ltmp0, $4  }
0x24: {  	[tilespmem:s5+$0x2930] =	vst v0  }
0x25: {  	[tilespmem:s5+$0x2940] =	vst v0  }
0x26: {  	[tilespmem:s5+$0x2950] =	vst v0  }
0x27: {  	[tilespmem:s5+$0x2960] =	vst v0;
	s5 =	sshra.s32 s6, $0x2;
	s6 =	sadd.s32 $0x200, s6  }
0x28: {  	[tilespmem:s5+$0x2970] =	vst v0  }
0x29: {  	[tilespmem:s5+$0x2900] =	vst v0  }
0x2a: {  	[tilespmem:s5+$0x2910] =	vst v0  }
0x2b: {  	[tilespmem:s5+$0x2920] =	vst v0  }
0x2c: {  	[tilespmem:s5+$0x2930] =	vst v0  }
0x2d: {  	[tilespmem:s5+$0x2940] =	vst v0  }
0x2e: {  	[tilespmem:s5+$0x2950] =	vst v0  }
0x2f: {  	[tilespmem:s5+$0x2960] =	vst v0  }
0x30: {  	[spmem:s15] =	stream.linear.scatter [tilespmem:s29], [sflag:$0x2], $0x2000, $0x38;
	[tilespmem:$0x18900] =	vst v63  }
0x31: {  	_ =	swait.ge [sflag:s30], $0x2000  }
0x32: {  	[sflag:s30] =	ssyncset.done $0x0  }
0x33: {  	[sflag:s30] =	ssyncadd.s32 $0xFFFFE000  }
0x34: {  	[spmem:s16] =	stream.linear.scatter [tilespmem:s29], [sflag:$0x2], $0x2000, $0x38;
	[tilespmem:$0x18900] =	vst v63  }
0x35: {  	_ =	swait.ge [sflag:s30], $0x2000  }
0x36: {  	[sflag:s30] =	ssyncset.done $0x0  }
0x37: {  	[sflag:s30] =	ssyncadd.s32 $0xFFFFE000  }
0x38: {  	[spmem:s17] =	stream.linear.scatter [tilespmem:s29], [sflag:$0x2], $0x2000, $0x38;
	[tilespmem:$0x18900] =	vst v63  }
0x39: {  	_ =	swait.ge [sflag:s30], $0x2000  }
0x3a: {  	[sflag:s30] =	ssyncset.done $0x0  }
0x3b: {  	[sflag:s30] =	ssyncadd.s32 $0xFFFFE000  }
0x3c: {  	[spmem:s18] =	stream.linear.scatter [tilespmem:s29], [sflag:$0x2], $0x2000, $0x38;
	[tilespmem:$0x18900] =	vst v63  }
0x3d: {  	_ =	swait.ge [sflag:s30], $0x2000  }
0x3e: {  	[sflag:s30] =	ssyncset.done $0x0  }
0x3f: {  	[sflag:s30] =	ssyncadd.s32 $0xFFFFE000  }
0x40: {  	[spmem:s19] =	stream.linear.scatter [tilespmem:s29], [sflag:$0x2], $0x2000, $0x38;
	[tilespmem:$0x18900] =	vst v63  }
0x41: {  	_ =	swait.ge [sflag:s30], $0x2000  }
0x42: {  	[sflag:s30] =	ssyncset.done $0x0  }
0x43: {  	[sflag:s30] =	ssyncadd.s32 $0xFFFFE000  }
0x44: {  	[spmem:s20] =	stream.linear.scatter [tilespmem:s29], [sflag:$0x2], $0x2000, $0x38;
	[tilespmem:$0x18900] =	vst v63  }
0x45: {  	_ =	swait.ge [sflag:s30], $0x2000  }
0x46: {  	[sflag:s30] =	ssyncset.done $0x0  }
0x47: {  	[sflag:s30] =	ssyncadd.s32 $0xFFFFE000  }
0x48: {  	[spmem:s21] =	stream.linear.scatter [tilespmem:s29], [sflag:$0x2], $0x2000, $0x38;
	[tilespmem:$0x18900] =	vst v63  }
0x49: {  	_ =	swait.ge [sflag:s30], $0x2000  }
0x4a: {  	[sflag:s30] =	ssyncset.done $0x0  }
0x4b: {  	[sflag:s30] =	ssyncadd.s32 $0xFFFFE000  }
0x4c: {  	[spmem:s22] =	stream.linear.scatter [tilespmem:s29], [sflag:$0x2], $0x2000, $0x38;
	[tilespmem:$0x18900] =	vst v63  }
0x4d: {  	_ =	swait.ge [sflag:s30], $0x2000  }
0x4e: {  	[sflag:s30] =	ssyncset.done $0x0  }
0x4f: {  	[sflag:s30] =	ssyncadd.s32 $0xFFFFE000  }
0x50: {  	[spmem:s23] =	stream.linear.scatter [tilespmem:s29], [sflag:$0x2], $0x2000, $0x38;
	[tilespmem:$0x18900] =	vst v63  }
0x51: {  	_ =	swait.ge [sflag:s30], $0x2000  }
0x52: {  	[sflag:s30] =	ssyncset.done $0x0  }
0x53: {  	[sflag:s30] =	ssyncadd.s32 $0xFFFFE000  }
0x54: {  	[spmem:s24] =	stream.linear.scatter [tilespmem:s29], [sflag:$0x2], $0x2000, $0x38;
	[tilespmem:$0x18900] =	vst v63  }
0x55: {  	_ =	swait.ge [sflag:s30], $0x2000  }
0x56: {  	[sflag:s30] =	ssyncset.done $0x0  }
0x57: {  	[sflag:s30] =	ssyncadd.s32 $0xFFFFE000  }
0x58: {  	s8 =	sadd.s32 $0x0, s28;
	[bflag:$0x0] =	sbarrier.arrive $0xFFFF  }
0x59: {  	[tilespmem:s31], [sflag:$0x2] =	stream.linear.gather [hbm4b:s8+s2], $0x50, $0x38;
	[tilespmem:$0x18900] =	vst v63  }
0x5a: {  	_ =	swait.ge [sflag:s30], $0x50  }
0x5b: {  	[sflag:s30] =	ssyncset.done $0x0  }
0x5c: {  	s9 =	sadd.s32 $0x0, s26;
	[sflag:s30] =	ssyncadd.s32 $0xFFFFFFB0  }
0x5d: {  	[tilespmem:s2], [sflag:$0x2] =	stream.linear.gather [hbm4b:s9+s2], $0x50, $0x38;
	[tilespmem:$0x18900] =	vst v63  }
0x5e: {  	_ =	swait.ge [sflag:s30], $0x50  }
0x5f: {  	[sflag:s30] =	ssyncset.done $0x0  }
0x60: {  	[sflag:s30] =	ssyncadd.s32 $0xFFFFFFB0  }
0x61: {  	[tilespmem:s0], [sflag:$0x1] =	stream.indirect.gather [hbm4b:s1+s11], $0x80, s2, s11, $0xb8;
	[tilespmem:$0x18900] =	vst v63  }
0x62: {  	_ =	swait.ge [sflag:s3], $0x2800  }
0x63: {  	[sflag:s3] =	ssyncset.done $0x0  }
0x64: {  	[sflag:s3] =	ssyncadd.s32 $0xFFFFD800  }
0x65: {  	[spmem:s13] =	stream.indirect.scatter.add.f32 [tilespmem:s0], [sflag:$0x2], $0x80, s31, s11, $0xb8;
	[tilespmem:$0x18900] =	vst v63  }
0x66: {  	_ =	swait.ge [sflag:s30], $0x2800  }
0x67: {  	s5 =	simm.s32 $0xA;
	s6 =	simm.s32 $0x14;
	[sflag:s30] =	ssyncset.done $0x0  }
.LBB2_4:
0x68: {  	s7 =	sadd.s32 s5, s28  }
0x69: {  	[sflag:s30] =	ssyncadd.s32 $0xFFFFD800;
	s8 =	smov.u32 s6;
	s9 =	sadd.s32 $0xA, s6  }
0x6a: {  	[tilespmem:s31], [sflag:$0x2] =	stream.linear.gather [hbm4b:s7+s2], $0x50, $0x38;
	[tilespmem:$0x18900] =	vst v63  }
0x6b: {  	p0 =	sne.s32 s6, $0x4D8;
	_ =	swait.ge [sflag:s30], $0x50  }
0x6c: {  	[sflag:s30] =	ssyncset.done $0x0  }
0x6d: {  	s6 =	sadd.s32 s5, s26;
	s5 =	smov.u32 s8;
	[sflag:s30] =	ssyncadd.s32 $0xFFFFFFB0  }
0x6e: {  	[tilespmem:s2], [sflag:$0x2] =	stream.linear.gather [hbm4b:s6+s2], $0x50, $0x38;
	[tilespmem:$0x18900] =	vst v63  }
0x6f: {  	_ =	swait.ge [sflag:s30], $0x50  }
0x70: {  	[sflag:s30] =	ssyncset.done $0x0  }
0x71: {  	[sflag:s30] =	ssyncadd.s32 $0xFFFFFFB0  }
0x72: {  	[tilespmem:s0], [sflag:$0x1] =	stream.indirect.gather [hbm4b:s1+s11], $0x80, s2, s11, $0xb8;
	[tilespmem:$0x18900] =	vst v63  }
0x73: {  	_ =	swait.ge [sflag:s3], $0x2800  }
.Ltmp1:
0x74: {  	[sflag:s3] =	ssyncset.done $0x0;
	(pc) =	sbr.rel @p0 .LBB2_4-.Ltmp1, $4  }
0x75: {  	[sflag:s3] =	ssyncadd.s32 $0xFFFFD800  }
0x76: {  	[spmem:s13] =	stream.indirect.scatter.add.f32 [tilespmem:s0], [sflag:$0x2], $0x80, s31, s11, $0xb8;
	[tilespmem:$0x18900] =	vst v63  }
0x77: {  	_ =	swait.ge [sflag:s30], $0x2800  }
0x78: {  	s6 =	smov.u32 s9;
	[sflag:s30] =	ssyncset.done $0x0  }
0x79: {  	s6 =	sadd.s32 s5, s28;
	[sflag:s30] =	ssyncadd.s32 $0xFFFFD800  }
0x7a: {  	[tilespmem:s31], [sflag:$0x2] =	stream.linear.gather [hbm4b:s6+s2], $0x50, $0x38;
	[tilespmem:$0x18900] =	vst v63  }
0x7b: {  	_ =	swait.ge [sflag:s30], $0x50  }
0x7c: {  	[sflag:s30] =	ssyncset.done $0x0  }
0x7d: {  	s6 =	sadd.s32 s5, s26;
	[sflag:s30] =	ssyncadd.s32 $0xFFFFFFB0  }
0x7e: {  	[tilespmem:s2], [sflag:$0x2] =	stream.linear.gather [hbm4b:s6+s2], $0x50, $0x38;
	[tilespmem:$0x18900] =	vst v63  }
0x7f: {  	_ =	swait.ge [sflag:s30], $0x50  }
0x80: {  	[sflag:s30] =	ssyncset.done $0x0  }
0x81: {  	[sflag:s30] =	ssyncadd.s32 $0xFFFFFFB0  }
0x82: {  	[tilespmem:s0], [sflag:$0x1] =	stream.indirect.gather [hbm4b:s1+s11], $0x80, s2, s11, $0xb8;
	[tilespmem:$0x18900] =	vst v63  }
0x83: {  	_ =	swait.ge [sflag:s3], $0x2800  }
0x84: {  	[sflag:s3] =	ssyncset.done $0x0  }
0x85: {  	[sflag:s3] =	ssyncadd.s32 $0xFFFFD800  }
0x86: {  	[spmem:s13] =	stream.indirect.scatter.add.f32 [tilespmem:s0], [sflag:$0x2], $0x80, s31, s11, $0xb8;
	[tilespmem:$0x18900] =	vst v63  }
0x87: {  	_ =	swait.ge [sflag:s30], $0x2800  }
0x88: {  	[sflag:s30] =	ssyncset.done $0x0  }
0x89: {  	[sflag:s30] =	ssyncadd.s32 $0xFFFFD800  }
0x8a: {  	[bflag:$0x0] =	sbarrier.arrive $0xFFFF  }
0x8b: {  	[tilespmem:s29], [sflag:$0x2] =	stream.linear.gather [spmem:s15], $0x2000, $0x38;
	[tilespmem:$0x18900] =	vst v63  }
0x8c: {  	_ =	swait.ge [sflag:s30], $0x2000  }
0x8d: {  	[sflag:s30] =	ssyncset.done $0x0  }
0x8e: {  	s7 =	rddreg [dreg:$0x4];
	[sflag:s30] =	ssyncadd.s32 $0xFFFFE000  }
0x8f: {  	[hbm4b:s7+s2] =	stream.linear.scatter [tilespmem:s29], [sflag:$0x2], $0x2000, $0x38;
	[tilespmem:$0x18900] =	vst v63  }
0x90: {  	_ =	swait.ge [sflag:s30], $0x2000  }
0x91: {  	[sflag:s30] =	ssyncset.done $0x0  }
0x92: {  	[sflag:s30] =	ssyncadd.s32 $0xFFFFE000  }
0x93: {  	[tilespmem:s29], [sflag:$0x2] =	stream.linear.gather [spmem:s16], $0x2000, $0x38;
	[tilespmem:$0x18900] =	vst v63  }
0x94: {  	_ =	swait.ge [sflag:s30], $0x2000  }
0x95: {  	[sflag:s30] =	ssyncset.done $0x0  }
0x96: {  	s8 =	rddreg [dreg:$0x5];
	[sflag:s30] =	ssyncadd.s32 $0xFFFFE000  }
0x97: {  	[hbm4b:s8+s2] =	stream.linear.scatter [tilespmem:s29], [sflag:$0x2], $0x2000, $0x38;
	[tilespmem:$0x18900] =	vst v63  }
0x98: {  	_ =	swait.ge [sflag:s30], $0x2000  }
0x99: {  	[sflag:s30] =	ssyncset.done $0x0  }
0x9a: {  	[sflag:s30] =	ssyncadd.s32 $0xFFFFE000  }
0x9b: {  	[tilespmem:s29], [sflag:$0x2] =	stream.linear.gather [spmem:s17], $0x2000, $0x38;
	[tilespmem:$0x18900] =	vst v63  }
0x9c: {  	_ =	swait.ge [sflag:s30], $0x2000  }
0x9d: {  	[sflag:s30] =	ssyncset.done $0x0  }
0x9e: {  	s9 =	rddreg [dreg:$0x6];
	[sflag:s30] =	ssyncadd.s32 $0xFFFFE000  }
0x9f: {  	[hbm4b:s9+s2] =	stream.linear.scatter [tilespmem:s29], [sflag:$0x2], $0x2000, $0x38;
	[tilespmem:$0x18900] =	vst v63  }
0xa0: {  	_ =	swait.ge [sflag:s30], $0x2000  }
0xa1: {  	[sflag:s30] =	ssyncset.done $0x0  }
0xa2: {  	[sflag:s30] =	ssyncadd.s32 $0xFFFFE000  }
0xa3: {  	[tilespmem:s29], [sflag:$0x2] =	stream.linear.gather [spmem:s18], $0x2000, $0x38;
	[tilespmem:$0x18900] =	vst v63  }
0xa4: {  	_ =	swait.ge [sflag:s30], $0x2000  }
0xa5: {  	[sflag:s30] =	ssyncset.done $0x0  }
0xa6: {  	s6 =	rddreg [dreg:$0x7];
	[sflag:s30] =	ssyncadd.s32 $0xFFFFE000  }
0xa7: {  	[hbm4b:s6+s2] =	stream.linear.scatter [tilespmem:s29], [sflag:$0x2], $0x2000, $0x38;
	[tilespmem:$0x18900] =	vst v63  }
0xa8: {  	_ =	swait.ge [sflag:s30], $0x2000  }
0xa9: {  	[sflag:s30] =	ssyncset.done $0x0  }
0xaa: {  	[sflag:s30] =	ssyncadd.s32 $0xFFFFE000  }
0xab: {  	[tilespmem:s29], [sflag:$0x2] =	stream.linear.gather [spmem:s19], $0x2000, $0x38;
	[tilespmem:$0x18900] =	vst v63  }
0xac: {  	_ =	swait.ge [sflag:s30], $0x2000  }
0xad: {  	[sflag:s30] =	ssyncset.done $0x0  }
0xae: {  	s7 =	rddreg [dreg:$0x8];
	[sflag:s30] =	ssyncadd.s32 $0xFFFFE000  }
0xaf: {  	[hbm4b:s7+s2] =	stream.linear.scatter [tilespmem:s29], [sflag:$0x2], $0x2000, $0x38;
	[tilespmem:$0x18900] =	vst v63  }
0xb0: {  	_ =	swait.ge [sflag:s30], $0x2000  }
0xb1: {  	[sflag:s30] =	ssyncset.done $0x0  }
0xb2: {  	[sflag:s30] =	ssyncadd.s32 $0xFFFFE000  }
0xb3: {  	[tilespmem:s29], [sflag:$0x2] =	stream.linear.gather [spmem:s20], $0x2000, $0x38;
	[tilespmem:$0x18900] =	vst v63  }
0xb4: {  	_ =	swait.ge [sflag:s30], $0x2000  }
0xb5: {  	[sflag:s30] =	ssyncset.done $0x0  }
0xb6: {  	s8 =	rddreg [dreg:$0x9];
	[sflag:s30] =	ssyncadd.s32 $0xFFFFE000  }
0xb7: {  	[hbm4b:s8+s2] =	stream.linear.scatter [tilespmem:s29], [sflag:$0x2], $0x2000, $0x38;
	[tilespmem:$0x18900] =	vst v63  }
0xb8: {  	_ =	swait.ge [sflag:s30], $0x2000  }
0xb9: {  	[sflag:s30] =	ssyncset.done $0x0  }
0xba: {  	[sflag:s30] =	ssyncadd.s32 $0xFFFFE000  }
0xbb: {  	[tilespmem:s29], [sflag:$0x2] =	stream.linear.gather [spmem:s21], $0x2000, $0x38;
	[tilespmem:$0x18900] =	vst v63  }
0xbc: {  	_ =	swait.ge [sflag:s30], $0x2000  }
0xbd: {  	[sflag:s30] =	ssyncset.done $0x0  }
0xbe: {  	s9 =	rddreg [dreg:$0xa];
	[sflag:s30] =	ssyncadd.s32 $0xFFFFE000  }
0xbf: {  	[hbm4b:s9+s2] =	stream.linear.scatter [tilespmem:s29], [sflag:$0x2], $0x2000, $0x38;
	[tilespmem:$0x18900] =	vst v63  }
0xc0: {  	_ =	swait.ge [sflag:s30], $0x2000  }
0xc1: {  	[sflag:s30] =	ssyncset.done $0x0  }
0xc2: {  	[sflag:s30] =	ssyncadd.s32 $0xFFFFE000  }
0xc3: {  	[tilespmem:s29], [sflag:$0x2] =	stream.linear.gather [spmem:s22], $0x2000, $0x38;
	[tilespmem:$0x18900] =	vst v63  }
0xc4: {  	_ =	swait.ge [sflag:s30], $0x2000  }
0xc5: {  	[sflag:s30] =	ssyncset.done $0x0  }
0xc6: {  	[sflag:s30] =	ssyncadd.s32 $0xFFFFE000  }
0xc7: {  	[hbm4b:s10+s2] =	stream.linear.scatter [tilespmem:s29], [sflag:$0x2], $0x2000, $0x38;
	[tilespmem:$0x18900] =	vst v63  }
0xc8: {  	_ =	swait.ge [sflag:s30], $0x2000  }
0xc9: {  	[sflag:s30] =	ssyncset.done $0x0  }
0xca: {  	[sflag:s30] =	ssyncadd.s32 $0xFFFFE000  }
0xcb: {  	[tilespmem:s29], [sflag:$0x2] =	stream.linear.gather [spmem:s23], $0x2000, $0x38;
	[tilespmem:$0x18900] =	vst v63  }
0xcc: {  	_ =	swait.ge [sflag:s30], $0x2000  }
0xcd: {  	[sflag:s30] =	ssyncset.done $0x0  }
0xce: {  	[sflag:s30] =	ssyncadd.s32 $0xFFFFE000  }
0xcf: {  	[hbm4b:s12+s2] =	stream.linear.scatter [tilespmem:s29], [sflag:$0x2], $0x2000, $0x38;
	[tilespmem:$0x18900] =	vst v63  }
0xd0: {  	_ =	swait.ge [sflag:s30], $0x2000  }
0xd1: {  	[sflag:s30] =	ssyncset.done $0x0  }
0xd2: {  	[sflag:s30] =	ssyncadd.s32 $0xFFFFE000  }
0xd3: {  	[tilespmem:s29], [sflag:$0x2] =	stream.linear.gather [spmem:s24], $0x2000, $0x38;
	[tilespmem:$0x18900] =	vst v63  }
0xd4: {  	_ =	swait.ge [sflag:s30], $0x2000  }
0xd5: {  	s4 =	sadd.s32 $0x1, s4;
	[sflag:s30] =	ssyncset.done $0x0  }
0xd6: {  	p0 =	sne.s32 s4, s25;
	[sflag:s30] =	ssyncadd.s32 $0xFFFFE000  }
0xd7: {  	[hbm4b:s14+s2] =	stream.linear.scatter [tilespmem:s29], [sflag:$0x2], $0x2000, $0x38;
	[tilespmem:$0x18900] =	vst v63  }
.Ltmp2:
0xd8: {  	_ =	swait.ge [sflag:s30], $0x2000;
	(pc) =	sbr.rel @p0 .LBB2_1-.Ltmp2, $3  }
0xd9: {  	[sflag:s30] =	ssyncset.done $0x0  }
0xda: {  	[sflag:s30] =	ssyncadd.s32 $0xFFFFE000  }
0xdb: {  	[bflag:$0x0] =	sbarrier.arrive $0xFFFF;
	_ =	sdelay $0x1  }
0xdc: {  	_ =	sfence.sel $0x180000  }
0xdd: {  	[bflag:$0x0] =	sbarrier.arrive $0xFFFF  }
0xde: {  	_ =	strace $0x9000004A  }
0xdf: {  	s0 =	stileid.u32;
	[bflag:$0x2] =	sbarrier.arrive $0xFFFF  }
0xe0: {  	p0 =	sne.s32 s0, $0x0;
	s0 =	rddreg [dreg:$0x3]  }
0xe1: {  	s0 =	sadd.s32 @!p0 $0x100000, s0  }
0xe2: {  	[sflag:s0] =	ssyncadd.tile.s32 @!p0 $0x1;
	_ =	shalt  }
.Lfunc_end2:
_tile_overlayer_lowered:
.L_overlay_start_2:
0xe3: {  	(tag) =	ssettag $0x2  }
0xe4: {  	s0 =	rddreg [dreg:$0x0];
	s2 =	stileid.u32  }
0xe5: {  	s1 =	rddreg [dreg:$0x1];
	p0 =	sne.s32 s2, $0x0  }
0xe6: {  	s3 =	rddreg [dreg:$0x2];
	[bflag:$0x3] =	sbarrier.arrive $0xFFFF;
	s2 =	simm.s32 @!p0 $0x1C02  }
0xe7: {  	[timem:s3], [sflag:s2] =	dma.local @!p0 [hbm:s0], s1  }
0xe8: {  	s0 =	simm.s32 @!p0 $0x2  }
0xe9: {  	_ =	swait.ge @!p0 [sflag:s0], s1  }
0xea: {  	s1 =	ssub.s32 @!p0 $0x0, s1;
	[sflag:s0] =	ssyncset.done @!p0 $0x0  }
0xeb: {  	[sflag:s0] =	ssyncadd.s32 @!p0 s1  }
0xec: {  	[bflag:$0x3] =	sbarrier.arrive $0xFFFF  }
0xed: {  	_ =	shalt  }

</sc_bundles>
